<compile_context>
chip_gen: v7x
topology: tpu7x:2x2x1
jax: 0.10.2.dev20260603
libtpu: 0.0.44.dev20260713+nightly
codegen_flags: <defaults>
</compile_context>

<pallas_src>
import jax
import jax.numpy as jnp
from jax import lax
from jax.experimental import pallas as pl
from jax.experimental.pallas import tpu as pltpu
from jax.experimental.pallas import tpu_sc as plsc

_N = 4096
_NC, _NS, _L = 2, 16, 16
_NW = _NC * _NS
_RPW = _N // _NW
_K = 8

_BETA = 0.9


def _bf16_round(v):
    u = lax.bitcast_convert_type(v, jnp.uint32)
    rnd = lax.shift_right_logical(u, jnp.uint32(16)) & jnp.uint32(1)
    u = u + (jnp.uint32(0x7FFF) + rnd)
    u = u & jnp.uint32(0xFFFF0000)
    return lax.bitcast_convert_type(u, jnp.float32)


def _cumsum16(v):
    io = lax.iota(jnp.int32, _L)
    for s in (1, 2, 4, 8):
        shifted = v.at[jnp.maximum(io - s, 0)].get(mode="promise_in_bounds")
        v = v + jnp.where(io >= s, shifted, 0)
    return v


def _sc_body(
    spk_hbm, w_hbm, part_hbm,
    mask_v, idx_v, rows_a, rows_b, acc_v,
    sem_a, sem_b,
):
    c = lax.axis_index("c")
    s = lax.axis_index("s")
    wid = c * _NS + s
    base = wid * _RPW

    pltpu.sync_copy(spk_hbm.at[pl.ds(base, _RPW)], mask_v)

    for i in range(_RPW // _L):
        idx_v[pl.ds(i * _L, _L)] = jnp.zeros((_L,), jnp.int32)

    def _zero(i, carry):
        off = pl.multiple_of(i * _L, _L)
        acc_v[pl.ds(off, _L)] = jnp.zeros((_L,), jnp.float32)
        return carry

    lax.fori_loop(0, _N // _L, _zero, 0)

    last = jnp.full((_L,), _L - 1, jnp.int32)
    off_vec = jnp.zeros((_L,), jnp.int32)
    for i in range(_RPW // _L):
        mv = mask_v[pl.ds(i * _L, _L)]
        m = mv > 0
        cs = _cumsum16(mv)
        pos = off_vec + cs - 1
        idxvec = base + i * _L + lax.iota(jnp.int32, _L)
        plsc.store_scatter(idx_v, [pos], idxvec, mask=m)
        off_vec = off_vec + cs.at[last].get(mode="promise_in_bounds")
    count = off_vec[0]

    n_chunks = (count + _K - 1) // _K
    n_outer = (n_chunks + 1) // 2

    def _gather(t, buf, sem):
        tb = pl.multiple_of(t * _K, _K)
        return pltpu.make_async_copy(w_hbm.at[idx_v.at[pl.ds(tb, _K)]], buf, sem)

    def _compute(t, buf):
        tbase = t * _K
        vf = [(tbase + j < count).astype(jnp.float32) for j in range(_K)]

        def _acc(ci, c2):
            o = pl.multiple_of(ci * _L, _L)
            a = acc_v[pl.ds(o, _L)]
            for j in range(_K):
                a = a + _bf16_round(buf[j, pl.ds(o, _L)]) * vf[j]
            acc_v[pl.ds(o, _L)] = a
            return c2

        lax.fori_loop(0, _N // _L, _acc, 0)

    @pl.when(n_chunks > 0)
    def _prime():
        _gather(0, rows_a, sem_a).start()

    def _outer(u, carry):
        t0 = u * 2

        @pl.when(t0 + 1 < n_chunks)
        def _start_b():
            _gather(t0 + 1, rows_b, sem_b).start()

        _gather(t0, rows_a, sem_a).wait()
        _compute(t0, rows_a)

        @pl.when(t0 + 2 < n_chunks)
        def _start_a():
            _gather(t0 + 2, rows_a, sem_a).start()

        @pl.when(t0 + 1 < n_chunks)
        def _do_b():
            _gather(t0 + 1, rows_b, sem_b).wait()
            _compute(t0 + 1, rows_b)

        return carry

    lax.fori_loop(0, n_outer, _outer, 0)

    pltpu.sync_copy(acc_v, part_hbm.at[wid])


def _epilogue_body(part_ref, x_ref, act_ref, thr_ref, out_ref):
    lat = jnp.sum(part_ref[...], axis=0)
    v = _BETA * act_ref[...] + x_ref[...] + lat
    out_ref[...] = (v > thr_ref[...]).astype(jnp.float32)


@jax.jit
def kernel(x, activation, spikes, threshold, freq, lateral_weights):
    del freq
    spk_i32 = spikes.reshape(-1).astype(jnp.int32)

    mesh = plsc.VectorSubcoreMesh(
        core_axis_name="c", subcore_axis_name="s", num_cores=_NC, num_subcores=_NS
    )
    sc_kernel = pl.kernel(
        _sc_body,
        out_type=jax.ShapeDtypeStruct((_NW, _N), jnp.float32),
        mesh=mesh,
        scratch_types=[
            pltpu.VMEM((_RPW,), jnp.int32),
            pltpu.VMEM((_RPW,), jnp.int32),
            pltpu.VMEM((_K, _N), jnp.float32),
            pltpu.VMEM((_K, _N), jnp.float32),
            pltpu.VMEM((_N,), jnp.float32),
            pltpu.SemaphoreType.DMA,
            pltpu.SemaphoreType.DMA,
        ],
        compiler_params=pltpu.CompilerParams(needs_layout_passes=False),
    )
    partials = sc_kernel(spk_i32, lateral_weights)

    outf = pl.pallas_call(
        _epilogue_body,
        out_shape=jax.ShapeDtypeStruct((_N,), jnp.float32),
    )(partials, x.reshape(-1), activation.reshape(-1), threshold.reshape(-1))
    return outf.astype(jnp.bool_).reshape(x.shape)

# --- scband reference (transcript-rebuilt; emitter-appended) ---
"""Pipeline reference for scband-ensemble-47665547051123 (READ-ONLY COPY).

The authoritative reference and input builder live on the scoring server;
editing this copy changes nothing except your own understanding.
"""

import jax, jax.numpy as jnp
import numpy as np

SHAPE = (64, 64)
N = SHAPE[0] * SHAPE[1]
BETA = 0.9
BASE_THRESHOLD = 1.0
TARGET_FREQUENCY = 0.2
FREQ_BETA = 0.95


def setup_inputs(seed: int = 0) -> dict:
    key = jax.random.key(seed)
    k1, k2, k3 = jax.random.split(key, 3)
    x = jax.random.normal(k1, SHAPE, dtype=jnp.float32)
    # stateful buffers of the module (state after some steps so the
    # masked row-gather over lateral_weights is exercised)
    activation = jnp.zeros(SHAPE, dtype=jnp.float32)
    spikes = jax.random.uniform(k2, SHAPE) < 0.2
    threshold = jnp.ones(SHAPE, dtype=jnp.float32) * BASE_THRESHOLD
    freq = jnp.zeros(SHAPE, dtype=jnp.float32)
    lateral_weights = jax.random.normal(k3, (N, N), dtype=jnp.float32) * 0.01
    return {
        "x": x,
        "activation": activation,
        "spikes": spikes,
        "threshold": threshold,
        "freq": freq,
        "lateral_weights": lateral_weights,
    }


def reference(x, activation, spikes, threshold, freq, lateral_weights):
    # lateral_weights[spikes.view(-1), :].sum(dim=0)  ==  spikes_f @ W
    spikes_flat = spikes.reshape(-1).astype(lateral_weights.dtype)
    lateral_input = (spikes_flat @ lateral_weights).reshape(SHAPE)
    x = x + lateral_input
    # leaky integrate
    new_activation = BETA * activation + x
    # fire
    new_spikes = new_activation > threshold
    # auto gain control: running average of spike frequency
    new_freq = FREQ_BETA * freq + (1.0 - FREQ_BETA) * new_spikes.astype(jnp.float32)
    new_threshold = jnp.where(new_freq > TARGET_FREQUENCY, threshold + 0.05, threshold)
    new_threshold = jnp.where(new_freq < TARGET_FREQUENCY, new_threshold / 1.05, new_threshold)
    # reset mechanism 'zero': activation[spikes] = 0  (scatter-overwrite)
    new_activation = jnp.where(new_spikes, 0.0, new_activation)
    # torch forward returns spikes; state updates are side effects
    return new_spikes

if __name__ == "__main__":
    import jax
    _d = setup_inputs()
    print(jax.jit(kernel)(*tuple(_d.values())))

</pallas_src>

<mosaic_0001>
#map = affine_map<(d0, d1) -> (0)>
#map1 = affine_map<(d0, d1) -> (0, 0)>
module attributes {stable_mosaic.version = 14 : i64} {
  func.func @_sc_body(%arg0: i32, %arg1: i32, %arg2: memref<4096xi32, #tpu.memory_space<hbm>>, %arg3: memref<4096x4096xf32, #tpu.memory_space<hbm>>, %arg4: memref<32x4096xf32, #tpu.memory_space<hbm>>, %arg5: memref<128xi32, #tpu.memory_space<vmem>>, %arg6: memref<128xi32, #tpu.memory_space<vmem>>, %arg7: memref<8x4096xf32, #tpu.memory_space<vmem>>, %arg8: memref<8x4096xf32, #tpu.memory_space<vmem>>, %arg9: memref<4096xf32, #tpu.memory_space<vmem>>, %arg10: memref<!tpu.dma_semaphore, #tpu.memory_space<semaphore_mem>>, %arg11: memref<!tpu.dma_semaphore, #tpu.memory_space<semaphore_mem>>) attributes {dimension_semantics = [#tpu.dimension_semantics<core_parallel>, #tpu.dimension_semantics<subcore_parallel>], iteration_bounds = array<i64: 2, 16>, scalar_prefetch = 0 : i64, scratch_operands = 7 : i64, tpu.core_type = #tpu.core_type<sc_vector_subcore>, window_params = [{transform_indices = #map}, {transform_indices = #map1}, {transform_indices = #map1}]} {
    %mul3A = arith.constant 16 : i32
    %mul3A_0 = arith.muli %arg0, %mul3A : i32
    %add3A = arith.addi %mul3A_0, %arg1 : i32
    %mul3A_1 = arith.constant 128 : i32
    %mul3A_2 = arith.muli %add3A, %mul3A_1 : i32
    "tpu.region"() ({
      %run_scoped3A = tpu.sem_alloc : memref<!tpu.dma_semaphore, #tpu.memory_space<semaphore_mem>>
      %dma_start3A = tpu.memref_slice %arg2[%mul3A_2] : memref<4096xi32, #tpu.memory_space<hbm>> -> memref<128xi32, #tpu.memory_space<hbm>>
      %dma_start3A_1037 = tpu.memref_slice %arg2[%mul3A_2] : memref<4096xi32, #tpu.memory_space<hbm>> -> memref<128xi32, #tpu.memory_space<hbm>>
      tpu.enqueue_dma source(%dma_start3A_1037 : memref<128xi32, #tpu.memory_space<hbm>>) target(%arg5 : memref<128xi32, #tpu.memory_space<vmem>>) target_semaphore(%run_scoped3A : memref<!tpu.dma_semaphore, #tpu.memory_space<semaphore_mem>>)
      %dma_wait3A = tpu.memref_slice %arg2[%mul3A_2] : memref<4096xi32, #tpu.memory_space<hbm>> -> memref<128xi32, #tpu.memory_space<hbm>>
      %dma_wait3A_1038 = tpu.memref_slice %arg2[%mul3A_2] : memref<4096xi32, #tpu.memory_space<hbm>> -> memref<128xi32, #tpu.memory_space<hbm>>
      tpu.wait_dma2 semaphore(%run_scoped3A : memref<!tpu.dma_semaphore, #tpu.memory_space<semaphore_mem>>) src(%dma_wait3A_1038 : memref<128xi32, #tpu.memory_space<hbm>>) dst(%arg5 : memref<128xi32, #tpu.memory_space<vmem>>)
      tpu.yield
    }) : () -> ()
    %broadcast_in_dim3A = arith.constant 0 : i32
    %broadcast_in_dim3A_3 = vector.broadcast %broadcast_in_dim3A : i32 to vector<16xi32>
    %swap3A = arith.constant 0 : index
    %swap3A_4 = tpu.vector_load %arg6[%swap3A] {strides = array<i32>} : memref<128xi32, #tpu.memory_space<vmem>>, vector<16xi32>,
    tpu.vector_store %arg6[%swap3A], %broadcast_in_dim3A_3 {strides = array<i32>} : memref<128xi32, #tpu.memory_space<vmem>>, vector<16xi32>,
    %broadcast_in_dim3A_5 = arith.constant 0 : i32
    %broadcast_in_dim3A_6 = vector.broadcast %broadcast_in_dim3A_5 : i32 to vector<16xi32>
    %swap3A_7 = arith.constant 16 : index
    %swap3A_8 = tpu.vector_load %arg6[%swap3A_7] {strides = array<i32>} : memref<128xi32, #tpu.memory_space<vmem>>, vector<16xi32>,
    tpu.vector_store %arg6[%swap3A_7], %broadcast_in_dim3A_6 {strides = array<i32>} : memref<128xi32, #tpu.memory_space<vmem>>, vector<16xi32>,
    %broadcast_in_dim3A_9 = arith.constant 0 : i32
    %broadcast_in_dim3A_10 = vector.broadcast %broadcast_in_dim3A_9 : i32 to vector<16xi32>
    %swap3A_11 = arith.constant 32 : index
    %swap3A_12 = tpu.vector_load %arg6[%swap3A_11] {strides = array<i32>} : memref<128xi32, #tpu.memory_space<vmem>>, vector<16xi32>,
    tpu.vector_store %arg6[%swap3A_11], %broadcast_in_dim3A_10 {strides = array<i32>} : memref<128xi32, #tpu.memory_space<vmem>>, vector<16xi32>,
    %broadcast_in_dim3A_13 = arith.constant 0 : i32
    %broadcast_in_dim3A_14 = vector.broadcast %broadcast_in_dim3A_13 : i32 to vector<16xi32>
    %swap3A_15 = arith.constant 48 : index
    %swap3A_16 = tpu.vector_load %arg6[%swap3A_15] {strides = array<i32>} : memref<128xi32, #tpu.memory_space<vmem>>, vector<16xi32>,
    tpu.vector_store %arg6[%swap3A_15], %broadcast_in_dim3A_14 {strides = array<i32>} : memref<128xi32, #tpu.memory_space<vmem>>, vector<16xi32>,
    %broadcast_in_dim3A_17 = arith.constant 0 : i32
    %broadcast_in_dim3A_18 = vector.broadcast %broadcast_in_dim3A_17 : i32 to vector<16xi32>
    %swap3A_19 = arith.constant 64 : index
    %swap3A_20 = tpu.vector_load %arg6[%swap3A_19] {strides = array<i32>} : memref<128xi32, #tpu.memory_space<vmem>>, vector<16xi32>,
    tpu.vector_store %arg6[%swap3A_19], %broadcast_in_dim3A_18 {strides = array<i32>} : memref<128xi32, #tpu.memory_space<vmem>>, vector<16xi32>,
    %broadcast_in_dim3A_21 = arith.constant 0 : i32
    %broadcast_in_dim3A_22 = vector.broadcast %broadcast_in_dim3A_21 : i32 to vector<16xi32>
    %swap3A_23 = arith.constant 80 : index
    %swap3A_24 = tpu.vector_load %arg6[%swap3A_23] {strides = array<i32>} : memref<128xi32, #tpu.memory_space<vmem>>, vector<16xi32>,
    tpu.vector_store %arg6[%swap3A_23], %broadcast_in_dim3A_22 {strides = array<i32>} : memref<128xi32, #tpu.memory_space<vmem>>, vector<16xi32>,
    %broadcast_in_dim3A_25 = arith.constant 0 : i32
    %broadcast_in_dim3A_26 = vector.broadcast %broadcast_in_dim3A_25 : i32 to vector<16xi32>
    %swap3A_27 = arith.constant 96 : index
    %swap3A_28 = tpu.vector_load %arg6[%swap3A_27] {strides = array<i32>} : memref<128xi32, #tpu.memory_space<vmem>>, vector<16xi32>,
    tpu.vector_store %arg6[%swap3A_27], %broadcast_in_dim3A_26 {strides = array<i32>} : memref<128xi32, #tpu.memory_space<vmem>>, vector<16xi32>,
    %broadcast_in_dim3A_29 = arith.constant 0 : i32
    %broadcast_in_dim3A_30 = vector.broadcast %broadcast_in_dim3A_29 : i32 to vector<16xi32>
    %swap3A_31 = arith.constant 112 : index
    %swap3A_32 = tpu.vector_load %arg6[%swap3A_31] {strides = array<i32>} : memref<128xi32, #tpu.memory_space<vmem>>, vector<16xi32>,
    tpu.vector_store %arg6[%swap3A_31], %broadcast_in_dim3A_30 {strides = array<i32>} : memref<128xi32, #tpu.memory_space<vmem>>, vector<16xi32>,
    %scan3A = arith.constant 0 : i32
    %scan3A_33 = arith.constant 0 : i32
    %scan3A_34 = arith.constant 256 : i32
    %scan3A_35 = arith.addi %scan3A_33, %scan3A_34 : i32
    %scan3A_36 = arith.constant 1 : i32
    scf.for %scan3A_1037 = %scan3A_33 to %scan3A_35 step %scan3A_36  : i32 {
      %mul3A_1038 = arith.constant 16 : i32
      %mul3A_1039 = arith.muli %scan3A_1037, %mul3A_1038 : i32
      %multiple_of3A = tpu.assume_multiple %mul3A_1039, 16 : i32
      %broadcast_in_dim3A_1040 = arith.constant 0.000000e+00 : f32
      %broadcast_in_dim3A_1041 = vector.broadcast %broadcast_in_dim3A_1040 : f32 to vector<16xf32>
      %swap3A_1042 = arith.index_cast %multiple_of3A : i32 to index
      %swap3A_1043 = tpu.vector_load %arg9[%swap3A_1042] {strides = array<i32>} : memref<4096xf32, #tpu.memory_space<vmem>>, vector<16xf32>,
      tpu.vector_store %arg9[%swap3A_1042], %broadcast_in_dim3A_1041 {strides = array<i32>} : memref<4096xf32, #tpu.memory_space<vmem>>, vector<16xf32>,
    }
    %scan3A_37 = arith.constant 256 : i32
    %broadcast_in_dim3A_38 = arith.constant 15 : i32
    %broadcast_in_dim3A_39 = vector.broadcast %broadcast_in_dim3A_38 : i32 to vector<16xi32>
    %broadcast_in_dim3A_40 = arith.constant 0 : i32
    %broadcast_in_dim3A_41 = vector.broadcast %broadcast_in_dim3A_40 : i32 to vector<16xi32>
    %get3A = arith.constant 0 : index
    %get3A_42 = tpu.vector_load %arg5[%get3A] {strides = array<i32>} : memref<128xi32, #tpu.memory_space<vmem>>, vector<16xi32>,
    %gt3A = arith.constant 0 : i32
    %gt3A_43 = vector.broadcast %gt3A : i32 to vector<16xi32>
    %gt3A_44 = arith.cmpi sgt, %get3A_42, %gt3A_43 : vector<16xi32>
    %iota3A = tpu.iota {dimensions = array<i32: 0>} : vector<16xi32>
    %sub3A = arith.constant 1 : i32
    %sub3A_45 = vector.broadcast %sub3A : i32 to vector<16xi32>
    %sub3A_46 = arith.subi %iota3A, %sub3A_45 : vector<16xi32>
    %max3A = arith.constant 0 : i32
    %max3A_47 = vector.broadcast %max3A : i32 to vector<16xi32>
    %max3A_48 = arith.maxsi %sub3A_46, %max3A_47 : vector<16xi32>
    %lt3A = arith.constant 0 : i32
    %lt3A_49 = vector.broadcast %lt3A : i32 to vector<16xi32>
    %lt3A_50 = arith.cmpi slt, %max3A_48, %lt3A_49 : vector<16xi32>
    %add3A_51 = arith.constant 16 : i32
    %add3A_52 = vector.broadcast %add3A_51 : i32 to vector<16xi32>
    %add3A_53 = arith.addi %max3A_48, %add3A_52 : vector<16xi32>
    %select_n3A = arith.select %lt3A_50, %add3A_53, %max3A_48 : vector<16xi1>, vector<16xi32>
    %broadcast_in_dim3A_54 = vector.shape_cast %select_n3A : vector<16xi32> to vector<16x1xi32>
    %gather3A = vector.shape_cast %broadcast_in_dim3A_54 : vector<16x1xi32> to vector<16xi32>
    %gather3A_55 = tpu.dynamic_gather %get3A_42[%gather3A] in [0] : vector<16xi32>, vector<16xi32> -> vector<16xi32>
    %ge3A = arith.constant 1 : i32
    %ge3A_56 = vector.broadcast %ge3A : i32 to vector<16xi32>
    %ge3A_57 = arith.cmpi sge, %iota3A, %ge3A_56 : vector<16xi32>
    %jit3A = arith.constant 0 : i32
    %broadcast_in_dim3A_58 = vector.broadcast %jit3A : i32 to vector<16xi32>
    %select_n3A_59 = arith.select %ge3A_57, %gather3A_55, %broadcast_in_dim3A_58 : vector<16xi1>, vector<16xi32>
    %add3A_60 = arith.addi %get3A_42, %select_n3A_59 : vector<16xi32>
    %sub3A_61 = arith.constant 2 : i32
    %sub3A_62 = vector.broadcast %sub3A_61 : i32 to vector<16xi32>
    %sub3A_63 = arith.subi %iota3A, %sub3A_62 : vector<16xi32>
    %max3A_64 = arith.constant 0 : i32
    %max3A_65 = vector.broadcast %max3A_64 : i32 to vector<16xi32>
    %max3A_66 = arith.maxsi %sub3A_63, %max3A_65 : vector<16xi32>
    %lt3A_67 = arith.constant 0 : i32
    %lt3A_68 = vector.broadcast %lt3A_67 : i32 to vector<16xi32>
    %lt3A_69 = arith.cmpi slt, %max3A_66, %lt3A_68 : vector<16xi32>
    %add3A_70 = arith.constant 16 : i32
    %add3A_71 = vector.broadcast %add3A_70 : i32 to vector<16xi32>
    %add3A_72 = arith.addi %max3A_66, %add3A_71 : vector<16xi32>
    %select_n3A_73 = arith.select %lt3A_69, %add3A_72, %max3A_66 : vector<16xi1>, vector<16xi32>
    %broadcast_in_dim3A_74 = vector.shape_cast %select_n3A_73 : vector<16xi32> to vector<16x1xi32>
    %gather3A_75 = vector.shape_cast %broadcast_in_dim3A_74 : vector<16x1xi32> to vector<16xi32>
    %gather3A_76 = tpu.dynamic_gather %add3A_60[%gather3A_75] in [0] : vector<16xi32>, vector<16xi32> -> vector<16xi32>
    %ge3A_77 = arith.constant 2 : i32
    %ge3A_78 = vector.broadcast %ge3A_77 : i32 to vector<16xi32>
    %ge3A_79 = arith.cmpi sge, %iota3A, %ge3A_78 : vector<16xi32>
    %jit3A_80 = arith.constant 0 : i32
    %broadcast_in_dim3A_81 = vector.broadcast %jit3A_80 : i32 to vector<16xi32>
    %select_n3A_82 = arith.select %ge3A_79, %gather3A_76, %broadcast_in_dim3A_81 : vector<16xi1>, vector<16xi32>
    %add3A_83 = arith.addi %add3A_60, %select_n3A_82 : vector<16xi32>
    %sub3A_84 = arith.constant 4 : i32
    %sub3A_85 = vector.broadcast %sub3A_84 : i32 to vector<16xi32>
    %sub3A_86 = arith.subi %iota3A, %sub3A_85 : vector<16xi32>
    %max3A_87 = arith.constant 0 : i32
    %max3A_88 = vector.broadcast %max3A_87 : i32 to vector<16xi32>
    %max3A_89 = arith.maxsi %sub3A_86, %max3A_88 : vector<16xi32>
    %lt3A_90 = arith.constant 0 : i32
    %lt3A_91 = vector.broadcast %lt3A_90 : i32 to vector<16xi32>
    %lt3A_92 = arith.cmpi slt, %max3A_89, %lt3A_91 : vector<16xi32>
    %add3A_93 = arith.constant 16 : i32
    %add3A_94 = vector.broadcast %add3A_93 : i32 to vector<16xi32>
    %add3A_95 = arith.addi %max3A_89, %add3A_94 : vector<16xi32>
    %select_n3A_96 = arith.select %lt3A_92, %add3A_95, %max3A_89 : vector<16xi1>, vector<16xi32>
    %broadcast_in_dim3A_97 = vector.shape_cast %select_n3A_96 : vector<16xi32> to vector<16x1xi32>
    %gather3A_98 = vector.shape_cast %broadcast_in_dim3A_97 : vector<16x1xi32> to vector<16xi32>
    %gather3A_99 = tpu.dynamic_gather %add3A_83[%gather3A_98] in [0] : vector<16xi32>, vector<16xi32> -> vector<16xi32>
    %ge3A_100 = arith.constant 4 : i32
    %ge3A_101 = vector.broadcast %ge3A_100 : i32 to vector<16xi32>
    %ge3A_102 = arith.cmpi sge, %iota3A, %ge3A_101 : vector<16xi32>
    %jit3A_103 = arith.constant 0 : i32
    %broadcast_in_dim3A_104 = vector.broadcast %jit3A_103 : i32 to vector<16xi32>
    %select_n3A_105 = arith.select %ge3A_102, %gather3A_99, %broadcast_in_dim3A_104 : vector<16xi1>, vector<16xi32>
    %add3A_106 = arith.addi %add3A_83, %select_n3A_105 : vector<16xi32>
    %sub3A_107 = arith.constant 8 : i32
    %sub3A_108 = vector.broadcast %sub3A_107 : i32 to vector<16xi32>
    %sub3A_109 = arith.subi %iota3A, %sub3A_108 : vector<16xi32>
    %max3A_110 = arith.constant 0 : i32
    %max3A_111 = vector.broadcast %max3A_110 : i32 to vector<16xi32>
    %max3A_112 = arith.maxsi %sub3A_109, %max3A_111 : vector<16xi32>
    %lt3A_113 = arith.constant 0 : i32
    %lt3A_114 = vector.broadcast %lt3A_113 : i32 to vector<16xi32>
    %lt3A_115 = arith.cmpi slt, %max3A_112, %lt3A_114 : vector<16xi32>
    %add3A_116 = arith.constant 16 : i32
    %add3A_117 = vector.broadcast %add3A_116 : i32 to vector<16xi32>
    %add3A_118 = arith.addi %max3A_112, %add3A_117 : vector<16xi32>
    %select_n3A_119 = arith.select %lt3A_115, %add3A_118, %max3A_112 : vector<16xi1>, vector<16xi32>
    %broadcast_in_dim3A_120 = vector.shape_cast %select_n3A_119 : vector<16xi32> to vector<16x1xi32>
    %gather3A_121 = vector.shape_cast %broadcast_in_dim3A_120 : vector<16x1xi32> to vector<16xi32>
    %gather3A_122 = tpu.dynamic_gather %add3A_106[%gather3A_121] in [0] : vector<16xi32>, vector<16xi32> -> vector<16xi32>
    %ge3A_123 = arith.constant 8 : i32
    %ge3A_124 = vector.broadcast %ge3A_123 : i32 to vector<16xi32>
    %ge3A_125 = arith.cmpi sge, %iota3A, %ge3A_124 : vector<16xi32>
    %jit3A_126 = arith.constant 0 : i32
    %broadcast_in_dim3A_127 = vector.broadcast %jit3A_126 : i32 to vector<16xi32>
    %select_n3A_128 = arith.select %ge3A_125, %gather3A_122, %broadcast_in_dim3A_127 : vector<16xi1>, vector<16xi32>
    %add3A_129 = arith.addi %add3A_106, %select_n3A_128 : vector<16xi32>
    %add3A_130 = arith.addi %broadcast_in_dim3A_41, %add3A_129 : vector<16xi32>
    %sub3A_131 = arith.constant 1 : i32
    %sub3A_132 = vector.broadcast %sub3A_131 : i32 to vector<16xi32>
    %sub3A_133 = arith.subi %add3A_130, %sub3A_132 : vector<16xi32>
    %add3A_134 = arith.constant 0 : i32
    %add3A_135 = arith.addi %mul3A_2, %add3A_134 : i32
    %iota3A_136 = tpu.iota {dimensions = array<i32: 0>} : vector<16xi32>
    %add3A_137 = vector.broadcast %add3A_135 : i32 to vector<16xi32>
    %add3A_138 = arith.addi %add3A_137, %iota3A_136 : vector<16xi32>
    tpu.vector_store_idx %arg6[%sub3A_133], %add3A_138 masked %gt3A_44 : memref<128xi32, #tpu.memory_space<vmem>>[vector<16xi32>], vector<16xi32>, vector<16xi1>
    %lt3A_139 = arith.constant 0 : i32
    %lt3A_140 = vector.broadcast %lt3A_139 : i32 to vector<16xi32>
    %lt3A_141 = arith.cmpi slt, %broadcast_in_dim3A_39, %lt3A_140 : vector<16xi32>
    %add3A_142 = arith.constant 16 : i32
    %add3A_143 = vector.broadcast %add3A_142 : i32 to vector<16xi32>
    %add3A_144 = arith.addi %broadcast_in_dim3A_39, %add3A_143 : vector<16xi32>
    %select_n3A_145 = arith.select %lt3A_141, %add3A_144, %broadcast_in_dim3A_39 : vector<16xi1>, vector<16xi32>
    %broadcast_in_dim3A_146 = vector.shape_cast %select_n3A_145 : vector<16xi32> to vector<16x1xi32>
    %gather3A_147 = vector.shape_cast %broadcast_in_dim3A_146 : vector<16x1xi32> to vector<16xi32>
    %gather3A_148 = tpu.dynamic_gather %add3A_129[%gather3A_147] in [0] : vector<16xi32>, vector<16xi32> -> vector<16xi32>
    %add3A_149 = arith.addi %broadcast_in_dim3A_41, %gather3A_148 : vector<16xi32>
    %get3A_150 = arith.constant 16 : index
    %get3A_151 = tpu.vector_load %arg5[%get3A_150] {strides = array<i32>} : memref<128xi32, #tpu.memory_space<vmem>>, vector<16xi32>,
    %gt3A_152 = arith.constant 0 : i32
    %gt3A_153 = vector.broadcast %gt3A_152 : i32 to vector<16xi32>
    %gt3A_154 = arith.cmpi sgt, %get3A_151, %gt3A_153 : vector<16xi32>
    %iota3A_155 = tpu.iota {dimensions = array<i32: 0>} : vector<16xi32>
    %sub3A_156 = arith.constant 1 : i32
    %sub3A_157 = vector.broadcast %sub3A_156 : i32 to vector<16xi32>
    %sub3A_158 = arith.subi %iota3A_155, %sub3A_157 : vector<16xi32>
    %max3A_159 = arith.constant 0 : i32
    %max3A_160 = vector.broadcast %max3A_159 : i32 to vector<16xi32>
    %max3A_161 = arith.maxsi %sub3A_158, %max3A_160 : vector<16xi32>
    %lt3A_162 = arith.constant 0 : i32
    %lt3A_163 = vector.broadcast %lt3A_162 : i32 to vector<16xi32>
    %lt3A_164 = arith.cmpi slt, %max3A_161, %lt3A_163 : vector<16xi32>
    %add3A_165 = arith.constant 16 : i32
    %add3A_166 = vector.broadcast %add3A_165 : i32 to vector<16xi32>
    %add3A_167 = arith.addi %max3A_161, %add3A_166 : vector<16xi32>
    %select_n3A_168 = arith.select %lt3A_164, %add3A_167, %max3A_161 : vector<16xi1>, vector<16xi32>
    %broadcast_in_dim3A_169 = vector.shape_cast %select_n3A_168 : vector<16xi32> to vector<16x1xi32>
    %gather3A_170 = vector.shape_cast %broadcast_in_dim3A_169 : vector<16x1xi32> to vector<16xi32>
    %gather3A_171 = tpu.dynamic_gather %get3A_151[%gather3A_170] in [0] : vector<16xi32>, vector<16xi32> -> vector<16xi32>
    %ge3A_172 = arith.constant 1 : i32
    %ge3A_173 = vector.broadcast %ge3A_172 : i32 to vector<16xi32>
    %ge3A_174 = arith.cmpi sge, %iota3A_155, %ge3A_173 : vector<16xi32>
    %jit3A_175 = arith.constant 0 : i32
    %broadcast_in_dim3A_176 = vector.broadcast %jit3A_175 : i32 to vector<16xi32>
    %select_n3A_177 = arith.select %ge3A_174, %gather3A_171, %broadcast_in_dim3A_176 : vector<16xi1>, vector<16xi32>
    %add3A_178 = arith.addi %get3A_151, %select_n3A_177 : vector<16xi32>
    %sub3A_179 = arith.constant 2 : i32
    %sub3A_180 = vector.broadcast %sub3A_179 : i32 to vector<16xi32>
    %sub3A_181 = arith.subi %iota3A_155, %sub3A_180 : vector<16xi32>
    %max3A_182 = arith.constant 0 : i32
    %max3A_183 = vector.broadcast %max3A_182 : i32 to vector<16xi32>
    %max3A_184 = arith.maxsi %sub3A_181, %max3A_183 : vector<16xi32>
    %lt3A_185 = arith.constant 0 : i32
    %lt3A_186 = vector.broadcast %lt3A_185 : i32 to vector<16xi32>
    %lt3A_187 = arith.cmpi slt, %max3A_184, %lt3A_186 : vector<16xi32>
    %add3A_188 = arith.constant 16 : i32
    %add3A_189 = vector.broadcast %add3A_188 : i32 to vector<16xi32>
    %add3A_190 = arith.addi %max3A_184, %add3A_189 : vector<16xi32>
    %select_n3A_191 = arith.select %lt3A_187, %add3A_190, %max3A_184 : vector<16xi1>, vector<16xi32>
    %broadcast_in_dim3A_192 = vector.shape_cast %select_n3A_191 : vector<16xi32> to vector<16x1xi32>
    %gather3A_193 = vector.shape_cast %broadcast_in_dim3A_192 : vector<16x1xi32> to vector<16xi32>
    %gather3A_194 = tpu.dynamic_gather %add3A_178[%gather3A_193] in [0] : vector<16xi32>, vector<16xi32> -> vector<16xi32>
    %ge3A_195 = arith.constant 2 : i32
    %ge3A_196 = vector.broadcast %ge3A_195 : i32 to vector<16xi32>
    %ge3A_197 = arith.cmpi sge, %iota3A_155, %ge3A_196 : vector<16xi32>
    %jit3A_198 = arith.constant 0 : i32
    %broadcast_in_dim3A_199 = vector.broadcast %jit3A_198 : i32 to vector<16xi32>
    %select_n3A_200 = arith.select %ge3A_197, %gather3A_194, %broadcast_in_dim3A_199 : vector<16xi1>, vector<16xi32>
    %add3A_201 = arith.addi %add3A_178, %select_n3A_200 : vector<16xi32>
    %sub3A_202 = arith.constant 4 : i32
    %sub3A_203 = vector.broadcast %sub3A_202 : i32 to vector<16xi32>
    %sub3A_204 = arith.subi %iota3A_155, %sub3A_203 : vector<16xi32>
    %max3A_205 = arith.constant 0 : i32
    %max3A_206 = vector.broadcast %max3A_205 : i32 to vector<16xi32>
    %max3A_207 = arith.maxsi %sub3A_204, %max3A_206 : vector<16xi32>
    %lt3A_208 = arith.constant 0 : i32
    %lt3A_209 = vector.broadcast %lt3A_208 : i32 to vector<16xi32>
    %lt3A_210 = arith.cmpi slt, %max3A_207, %lt3A_209 : vector<16xi32>
    %add3A_211 = arith.constant 16 : i32
    %add3A_212 = vector.broadcast %add3A_211 : i32 to vector<16xi32>
    %add3A_213 = arith.addi %max3A_207, %add3A_212 : vector<16xi32>
    %select_n3A_214 = arith.select %lt3A_210, %add3A_213, %max3A_207 : vector<16xi1>, vector<16xi32>
    %broadcast_in_dim3A_215 = vector.shape_cast %select_n3A_214 : vector<16xi32> to vector<16x1xi32>
    %gather3A_216 = vector.shape_cast %broadcast_in_dim3A_215 : vector<16x1xi32> to vector<16xi32>
    %gather3A_217 = tpu.dynamic_gather %add3A_201[%gather3A_216] in [0] : vector<16xi32>, vector<16xi32> -> vector<16xi32>
    %ge3A_218 = arith.constant 4 : i32
    %ge3A_219 = vector.broadcast %ge3A_218 : i32 to vector<16xi32>
    %ge3A_220 = arith.cmpi sge, %iota3A_155, %ge3A_219 : vector<16xi32>
    %jit3A_221 = arith.constant 0 : i32
    %broadcast_in_dim3A_222 = vector.broadcast %jit3A_221 : i32 to vector<16xi32>
    %select_n3A_223 = arith.select %ge3A_220, %gather3A_217, %broadcast_in_dim3A_222 : vector<16xi1>, vector<16xi32>
    %add3A_224 = arith.addi %add3A_201, %select_n3A_223 : vector<16xi32>
    %sub3A_225 = arith.constant 8 : i32
    %sub3A_226 = vector.broadcast %sub3A_225 : i32 to vector<16xi32>
    %sub3A_227 = arith.subi %iota3A_155, %sub3A_226 : vector<16xi32>
    %max3A_228 = arith.constant 0 : i32
    %max3A_229 = vector.broadcast %max3A_228 : i32 to vector<16xi32>
    %max3A_230 = arith.maxsi %sub3A_227, %max3A_229 : vector<16xi32>
    %lt3A_231 = arith.constant 0 : i32
    %lt3A_232 = vector.broadcast %lt3A_231 : i32 to vector<16xi32>
    %lt3A_233 = arith.cmpi slt, %max3A_230, %lt3A_232 : vector<16xi32>
    %add3A_234 = arith.constant 16 : i32
    %add3A_235 = vector.broadcast %add3A_234 : i32 to vector<16xi32>
    %add3A_236 = arith.addi %max3A_230, %add3A_235 : vector<16xi32>
    %select_n3A_237 = arith.select %lt3A_233, %add3A_236, %max3A_230 : vector<16xi1>, vector<16xi32>
    %broadcast_in_dim3A_238 = vector.shape_cast %select_n3A_237 : vector<16xi32> to vector<16x1xi32>
    %gather3A_239 = vector.shape_cast %broadcast_in_dim3A_238 : vector<16x1xi32> to vector<16xi32>
    %gather3A_240 = tpu.dynamic_gather %add3A_224[%gather3A_239] in [0] : vector<16xi32>, vector<16xi32> -> vector<16xi32>
    %ge3A_241 = arith.constant 8 : i32
    %ge3A_242 = vector.broadcast %ge3A_241 : i32 to vector<16xi32>
    %ge3A_243 = arith.cmpi sge, %iota3A_155, %ge3A_242 : vector<16xi32>
    %jit3A_244 = arith.constant 0 : i32
    %broadcast_in_dim3A_245 = vector.broadcast %jit3A_244 : i32 to vector<16xi32>
    %select_n3A_246 = arith.select %ge3A_243, %gather3A_240, %broadcast_in_dim3A_245 : vector<16xi1>, vector<16xi32>
    %add3A_247 = arith.addi %add3A_224, %select_n3A_246 : vector<16xi32>
    %add3A_248 = arith.addi %add3A_149, %add3A_247 : vector<16xi32>
    %sub3A_249 = arith.constant 1 : i32
    %sub3A_250 = vector.broadcast %sub3A_249 : i32 to vector<16xi32>
    %sub3A_251 = arith.subi %add3A_248, %sub3A_250 : vector<16xi32>
    %add3A_252 = arith.constant 16 : i32
    %add3A_253 = arith.addi %mul3A_2, %add3A_252 : i32
    %iota3A_254 = tpu.iota {dimensions = array<i32: 0>} : vector<16xi32>
    %add3A_255 = vector.broadcast %add3A_253 : i32 to vector<16xi32>
    %add3A_256 = arith.addi %add3A_255, %iota3A_254 : vector<16xi32>
    tpu.vector_store_idx %arg6[%sub3A_251], %add3A_256 masked %gt3A_154 : memref<128xi32, #tpu.memory_space<vmem>>[vector<16xi32>], vector<16xi32>, vector<16xi1>
    %lt3A_257 = arith.constant 0 : i32
    %lt3A_258 = vector.broadcast %lt3A_257 : i32 to vector<16xi32>
    %lt3A_259 = arith.cmpi slt, %broadcast_in_dim3A_39, %lt3A_258 : vector<16xi32>
    %add3A_260 = arith.constant 16 : i32
    %add3A_261 = vector.broadcast %add3A_260 : i32 to vector<16xi32>
    %add3A_262 = arith.addi %broadcast_in_dim3A_39, %add3A_261 : vector<16xi32>
    %select_n3A_263 = arith.select %lt3A_259, %add3A_262, %broadcast_in_dim3A_39 : vector<16xi1>, vector<16xi32>
    %broadcast_in_dim3A_264 = vector.shape_cast %select_n3A_263 : vector<16xi32> to vector<16x1xi32>
    %gather3A_265 = vector.shape_cast %broadcast_in_dim3A_264 : vector<16x1xi32> to vector<16xi32>
    %gather3A_266 = tpu.dynamic_gather %add3A_247[%gather3A_265] in [0] : vector<16xi32>, vector<16xi32> -> vector<16xi32>
    %add3A_267 = arith.addi %add3A_149, %gather3A_266 : vector<16xi32>
    %get3A_268 = arith.constant 32 : index
    %get3A_269 = tpu.vector_load %arg5[%get3A_268] {strides = array<i32>} : memref<128xi32, #tpu.memory_space<vmem>>, vector<16xi32>,
    %gt3A_270 = arith.constant 0 : i32
    %gt3A_271 = vector.broadcast %gt3A_270 : i32 to vector<16xi32>
    %gt3A_272 = arith.cmpi sgt, %get3A_269, %gt3A_271 : vector<16xi32>
    %iota3A_273 = tpu.iota {dimensions = array<i32: 0>} : vector<16xi32>
    %sub3A_274 = arith.constant 1 : i32
    %sub3A_275 = vector.broadcast %sub3A_274 : i32 to vector<16xi32>
    %sub3A_276 = arith.subi %iota3A_273, %sub3A_275 : vector<16xi32>
    %max3A_277 = arith.constant 0 : i32
    %max3A_278 = vector.broadcast %max3A_277 : i32 to vector<16xi32>
    %max3A_279 = arith.maxsi %sub3A_276, %max3A_278 : vector<16xi32>
    %lt3A_280 = arith.constant 0 : i32
    %lt3A_281 = vector.broadcast %lt3A_280 : i32 to vector<16xi32>
    %lt3A_282 = arith.cmpi slt, %max3A_279, %lt3A_281 : vector<16xi32>
    %add3A_283 = arith.constant 16 : i32
    %add3A_284 = vector.broadcast %add3A_283 : i32 to vector<16xi32>
    %add3A_285 = arith.addi %max3A_279, %add3A_284 : vector<16xi32>
    %select_n3A_286 = arith.select %lt3A_282, %add3A_285, %max3A_279 : vector<16xi1>, vector<16xi32>
    %broadcast_in_dim3A_287 = vector.shape_cast %select_n3A_286 : vector<16xi32> to vector<16x1xi32>
    %gather3A_288 = vector.shape_cast %broadcast_in_dim3A_287 : vector<16x1xi32> to vector<16xi32>
    %gather3A_289 = tpu.dynamic_gather %get3A_269[%gather3A_288] in [0] : vector<16xi32>, vector<16xi32> -> vector<16xi32>
    %ge3A_290 = arith.constant 1 : i32
    %ge3A_291 = vector.broadcast %ge3A_290 : i32 to vector<16xi32>
    %ge3A_292 = arith.cmpi sge, %iota3A_273, %ge3A_291 : vector<16xi32>
    %jit3A_293 = arith.constant 0 : i32
    %broadcast_in_dim3A_294 = vector.broadcast %jit3A_293 : i32 to vector<16xi32>
    %select_n3A_295 = arith.select %ge3A_292, %gather3A_289, %broadcast_in_dim3A_294 : vector<16xi1>, vector<16xi32>
    %add3A_296 = arith.addi %get3A_269, %select_n3A_295 : vector<16xi32>
    %sub3A_297 = arith.constant 2 : i32
    %sub3A_298 = vector.broadcast %sub3A_297 : i32 to vector<16xi32>
    %sub3A_299 = arith.subi %iota3A_273, %sub3A_298 : vector<16xi32>
    %max3A_300 = arith.constant 0 : i32
    %max3A_301 = vector.broadcast %max3A_300 : i32 to vector<16xi32>
    %max3A_302 = arith.maxsi %sub3A_299, %max3A_301 : vector<16xi32>
    %lt3A_303 = arith.constant 0 : i32
    %lt3A_304 = vector.broadcast %lt3A_303 : i32 to vector<16xi32>
    %lt3A_305 = arith.cmpi slt, %max3A_302, %lt3A_304 : vector<16xi32>
    %add3A_306 = arith.constant 16 : i32
    %add3A_307 = vector.broadcast %add3A_306 : i32 to vector<16xi32>
    %add3A_308 = arith.addi %max3A_302, %add3A_307 : vector<16xi32>
    %select_n3A_309 = arith.select %lt3A_305, %add3A_308, %max3A_302 : vector<16xi1>, vector<16xi32>
    %broadcast_in_dim3A_310 = vector.shape_cast %select_n3A_309 : vector<16xi32> to vector<16x1xi32>
    %gather3A_311 = vector.shape_cast %broadcast_in_dim3A_310 : vector<16x1xi32> to vector<16xi32>
    %gather3A_312 = tpu.dynamic_gather %add3A_296[%gather3A_311] in [0] : vector<16xi32>, vector<16xi32> -> vector<16xi32>
    %ge3A_313 = arith.constant 2 : i32
    %ge3A_314 = vector.broadcast %ge3A_313 : i32 to vector<16xi32>
    %ge3A_315 = arith.cmpi sge, %iota3A_273, %ge3A_314 : vector<16xi32>
    %jit3A_316 = arith.constant 0 : i32
    %broadcast_in_dim3A_317 = vector.broadcast %jit3A_316 : i32 to vector<16xi32>
    %select_n3A_318 = arith.select %ge3A_315, %gather3A_312, %broadcast_in_dim3A_317 : vector<16xi1>, vector<16xi32>
    %add3A_319 = arith.addi %add3A_296, %select_n3A_318 : vector<16xi32>
    %sub3A_320 = arith.constant 4 : i32
    %sub3A_321 = vector.broadcast %sub3A_320 : i32 to vector<16xi32>
    %sub3A_322 = arith.subi %iota3A_273, %sub3A_321 : vector<16xi32>
    %max3A_323 = arith.constant 0 : i32
    %max3A_324 = vector.broadcast %max3A_323 : i32 to vector<16xi32>
    %max3A_325 = arith.maxsi %sub3A_322, %max3A_324 : vector<16xi32>
    %lt3A_326 = arith.constant 0 : i32
    %lt3A_327 = vector.broadcast %lt3A_326 : i32 to vector<16xi32>
    %lt3A_328 = arith.cmpi slt, %max3A_325, %lt3A_327 : vector<16xi32>
    %add3A_329 = arith.constant 16 : i32
    %add3A_330 = vector.broadcast %add3A_329 : i32 to vector<16xi32>
    %add3A_331 = arith.addi %max3A_325, %add3A_330 : vector<16xi32>
    %select_n3A_332 = arith.select %lt3A_328, %add3A_331, %max3A_325 : vector<16xi1>, vector<16xi32>
    %broadcast_in_dim3A_333 = vector.shape_cast %select_n3A_332 : vector<16xi32> to vector<16x1xi32>
    %gather3A_334 = vector.shape_cast %broadcast_in_dim3A_333 : vector<16x1xi32> to vector<16xi32>
    %gather3A_335 = tpu.dynamic_gather %add3A_319[%gather3A_334] in [0] : vector<16xi32>, vector<16xi32> -> vector<16xi32>
    %ge3A_336 = arith.constant 4 : i32
    %ge3A_337 = vector.broadcast %ge3A_336 : i32 to vector<16xi32>
    %ge3A_338 = arith.cmpi sge, %iota3A_273, %ge3A_337 : vector<16xi32>
    %jit3A_339 = arith.constant 0 : i32
    %broadcast_in_dim3A_340 = vector.broadcast %jit3A_339 : i32 to vector<16xi32>
    %select_n3A_341 = arith.select %ge3A_338, %gather3A_335, %broadcast_in_dim3A_340 : vector<16xi1>, vector<16xi32>
    %add3A_342 = arith.addi %add3A_319, %select_n3A_341 : vector<16xi32>
    %sub3A_343 = arith.constant 8 : i32
    %sub3A_344 = vector.broadcast %sub3A_343 : i32 to vector<16xi32>
    %sub3A_345 = arith.subi %iota3A_273, %sub3A_344 : vector<16xi32>
    %max3A_346 = arith.constant 0 : i32
    %max3A_347 = vector.broadcast %max3A_346 : i32 to vector<16xi32>
    %max3A_348 = arith.maxsi %sub3A_345, %max3A_347 : vector<16xi32>
    %lt3A_349 = arith.constant 0 : i32
    %lt3A_350 = vector.broadcast %lt3A_349 : i32 to vector<16xi32>
    %lt3A_351 = arith.cmpi slt, %max3A_348, %lt3A_350 : vector<16xi32>
    %add3A_352 = arith.constant 16 : i32
    %add3A_353 = vector.broadcast %add3A_352 : i32 to vector<16xi32>
    %add3A_354 = arith.addi %max3A_348, %add3A_353 : vector<16xi32>
    %select_n3A_355 = arith.select %lt3A_351, %add3A_354, %max3A_348 : vector<16xi1>, vector<16xi32>
    %broadcast_in_dim3A_356 = vector.shape_cast %select_n3A_355 : vector<16xi32> to vector<16x1xi32>
    %gather3A_357 = vector.shape_cast %broadcast_in_dim3A_356 : vector<16x1xi32> to vector<16xi32>
    %gather3A_358 = tpu.dynamic_gather %add3A_342[%gather3A_357] in [0] : vector<16xi32>, vector<16xi32> -> vector<16xi32>
    %ge3A_359 = arith.constant 8 : i32
    %ge3A_360 = vector.broadcast %ge3A_359 : i32 to vector<16xi32>
    %ge3A_361 = arith.cmpi sge, %iota3A_273, %ge3A_360 : vector<16xi32>
    %jit3A_362 = arith.constant 0 : i32
    %broadcast_in_dim3A_363 = vector.broadcast %jit3A_362 : i32 to vector<16xi32>
    %select_n3A_364 = arith.select %ge3A_361, %gather3A_358, %broadcast_in_dim3A_363 : vector<16xi1>, vector<16xi32>
    %add3A_365 = arith.addi %add3A_342, %select_n3A_364 : vector<16xi32>
    %add3A_366 = arith.addi %add3A_267, %add3A_365 : vector<16xi32>
    %sub3A_367 = arith.constant 1 : i32
    %sub3A_368 = vector.broadcast %sub3A_367 : i32 to vector<16xi32>
    %sub3A_369 = arith.subi %add3A_366, %sub3A_368 : vector<16xi32>
    %add3A_370 = arith.constant 32 : i32
    %add3A_371 = arith.addi %mul3A_2, %add3A_370 : i32
    %iota3A_372 = tpu.iota {dimensions = array<i32: 0>} : vector<16xi32>
    %add3A_373 = vector.broadcast %add3A_371 : i32 to vector<16xi32>
    %add3A_374 = arith.addi %add3A_373, %iota3A_372 : vector<16xi32>
    tpu.vector_store_idx %arg6[%sub3A_369], %add3A_374 masked %gt3A_272 : memref<128xi32, #tpu.memory_space<vmem>>[vector<16xi32>], vector<16xi32>, vector<16xi1>
    %lt3A_375 = arith.constant 0 : i32
    %lt3A_376 = vector.broadcast %lt3A_375 : i32 to vector<16xi32>
    %lt3A_377 = arith.cmpi slt, %broadcast_in_dim3A_39, %lt3A_376 : vector<16xi32>
    %add3A_378 = arith.constant 16 : i32
    %add3A_379 = vector.broadcast %add3A_378 : i32 to vector<16xi32>
    %add3A_380 = arith.addi %broadcast_in_dim3A_39, %add3A_379 : vector<16xi32>
    %select_n3A_381 = arith.select %lt3A_377, %add3A_380, %broadcast_in_dim3A_39 : vector<16xi1>, vector<16xi32>
    %broadcast_in_dim3A_382 = vector.shape_cast %select_n3A_381 : vector<16xi32> to vector<16x1xi32>
    %gather3A_383 = vector.shape_cast %broadcast_in_dim3A_382 : vector<16x1xi32> to vector<16xi32>
    %gather3A_384 = tpu.dynamic_gather %add3A_365[%gather3A_383] in [0] : vector<16xi32>, vector<16xi32> -> vector<16xi32>
    %add3A_385 = arith.addi %add3A_267, %gather3A_384 : vector<16xi32>
    %get3A_386 = arith.constant 48 : index
    %get3A_387 = tpu.vector_load %arg5[%get3A_386] {strides = array<i32>} : memref<128xi32, #tpu.memory_space<vmem>>, vector<16xi32>,
    %gt3A_388 = arith.constant 0 : i32
    %gt3A_389 = vector.broadcast %gt3A_388 : i32 to vector<16xi32>
    %gt3A_390 = arith.cmpi sgt, %get3A_387, %gt3A_389 : vector<16xi32>
    %iota3A_391 = tpu.iota {dimensions = array<i32: 0>} : vector<16xi32>
    %sub3A_392 = arith.constant 1 : i32
    %sub3A_393 = vector.broadcast %sub3A_392 : i32 to vector<16xi32>
    %sub3A_394 = arith.subi %iota3A_391, %sub3A_393 : vector<16xi32>
    %max3A_395 = arith.constant 0 : i32
    %max3A_396 = vector.broadcast %max3A_395 : i32 to vector<16xi32>
    %max3A_397 = arith.maxsi %sub3A_394, %max3A_396 : vector<16xi32>
    %lt3A_398 = arith.constant 0 : i32
    %lt3A_399 = vector.broadcast %lt3A_398 : i32 to vector<16xi32>
    %lt3A_400 = arith.cmpi slt, %max3A_397, %lt3A_399 : vector<16xi32>
    %add3A_401 = arith.constant 16 : i32
    %add3A_402 = vector.broadcast %add3A_401 : i32 to vector<16xi32>
    %add3A_403 = arith.addi %max3A_397, %add3A_402 : vector<16xi32>
    %select_n3A_404 = arith.select %lt3A_400, %add3A_403, %max3A_397 : vector<16xi1>, vector<16xi32>
    %broadcast_in_dim3A_405 = vector.shape_cast %select_n3A_404 : vector<16xi32> to vector<16x1xi32>
    %gather3A_406 = vector.shape_cast %broadcast_in_dim3A_405 : vector<16x1xi32> to vector<16xi32>
    %gather3A_407 = tpu.dynamic_gather %get3A_387[%gather3A_406] in [0] : vector<16xi32>, vector<16xi32> -> vector<16xi32>
    %ge3A_408 = arith.constant 1 : i32
    %ge3A_409 = vector.broadcast %ge3A_408 : i32 to vector<16xi32>
    %ge3A_410 = arith.cmpi sge, %iota3A_391, %ge3A_409 : vector<16xi32>
    %jit3A_411 = arith.constant 0 : i32
    %broadcast_in_dim3A_412 = vector.broadcast %jit3A_411 : i32 to vector<16xi32>
    %select_n3A_413 = arith.select %ge3A_410, %gather3A_407, %broadcast_in_dim3A_412 : vector<16xi1>, vector<16xi32>
    %add3A_414 = arith.addi %get3A_387, %select_n3A_413 : vector<16xi32>
    %sub3A_415 = arith.constant 2 : i32
    %sub3A_416 = vector.broadcast %sub3A_415 : i32 to vector<16xi32>
    %sub3A_417 = arith.subi %iota3A_391, %sub3A_416 : vector<16xi32>
    %max3A_418 = arith.constant 0 : i32
    %max3A_419 = vector.broadcast %max3A_418 : i32 to vector<16xi32>
    %max3A_420 = arith.maxsi %sub3A_417, %max3A_419 : vector<16xi32>
    %lt3A_421 = arith.constant 0 : i32
    %lt3A_422 = vector.broadcast %lt3A_421 : i32 to vector<16xi32>
    %lt3A_423 = arith.cmpi slt, %max3A_420, %lt3A_422 : vector<16xi32>
    %add3A_424 = arith.constant 16 : i32
    %add3A_425 = vector.broadcast %add3A_424 : i32 to vector<16xi32>
    %add3A_426 = arith.addi %max3A_420, %add3A_425 : vector<16xi32>
    %select_n3A_427 = arith.select %lt3A_423, %add3A_426, %max3A_420 : vector<16xi1>, vector<16xi32>
    %broadcast_in_dim3A_428 = vector.shape_cast %select_n3A_427 : vector<16xi32> to vector<16x1xi32>
    %gather3A_429 = vector.shape_cast %broadcast_in_dim3A_428 : vector<16x1xi32> to vector<16xi32>
    %gather3A_430 = tpu.dynamic_gather %add3A_414[%gather3A_429] in [0] : vector<16xi32>, vector<16xi32> -> vector<16xi32>
    %ge3A_431 = arith.constant 2 : i32
    %ge3A_432 = vector.broadcast %ge3A_431 : i32 to vector<16xi32>
    %ge3A_433 = arith.cmpi sge, %iota3A_391, %ge3A_432 : vector<16xi32>
    %jit3A_434 = arith.constant 0 : i32
    %broadcast_in_dim3A_435 = vector.broadcast %jit3A_434 : i32 to vector<16xi32>
    %select_n3A_436 = arith.select %ge3A_433, %gather3A_430, %broadcast_in_dim3A_435 : vector<16xi1>, vector<16xi32>
    %add3A_437 = arith.addi %add3A_414, %select_n3A_436 : vector<16xi32>
    %sub3A_438 = arith.constant 4 : i32
    %sub3A_439 = vector.broadcast %sub3A_438 : i32 to vector<16xi32>
    %sub3A_440 = arith.subi %iota3A_391, %sub3A_439 : vector<16xi32>
    %max3A_441 = arith.constant 0 : i32
    %max3A_442 = vector.broadcast %max3A_441 : i32 to vector<16xi32>
    %max3A_443 = arith.maxsi %sub3A_440, %max3A_442 : vector<16xi32>
    %lt3A_444 = arith.constant 0 : i32
    %lt3A_445 = vector.broadcast %lt3A_444 : i32 to vector<16xi32>
    %lt3A_446 = arith.cmpi slt, %max3A_443, %lt3A_445 : vector<16xi32>
    %add3A_447 = arith.constant 16 : i32
    %add3A_448 = vector.broadcast %add3A_447 : i32 to vector<16xi32>
    %add3A_449 = arith.addi %max3A_443, %add3A_448 : vector<16xi32>
    %select_n3A_450 = arith.select %lt3A_446, %add3A_449, %max3A_443 : vector<16xi1>, vector<16xi32>
    %broadcast_in_dim3A_451 = vector.shape_cast %select_n3A_450 : vector<16xi32> to vector<16x1xi32>
    %gather3A_452 = vector.shape_cast %broadcast_in_dim3A_451 : vector<16x1xi32> to vector<16xi32>
    %gather3A_453 = tpu.dynamic_gather %add3A_437[%gather3A_452] in [0] : vector<16xi32>, vector<16xi32> -> vector<16xi32>
    %ge3A_454 = arith.constant 4 : i32
    %ge3A_455 = vector.broadcast %ge3A_454 : i32 to vector<16xi32>
    %ge3A_456 = arith.cmpi sge, %iota3A_391, %ge3A_455 : vector<16xi32>
    %jit3A_457 = arith.constant 0 : i32
    %broadcast_in_dim3A_458 = vector.broadcast %jit3A_457 : i32 to vector<16xi32>
    %select_n3A_459 = arith.select %ge3A_456, %gather3A_453, %broadcast_in_dim3A_458 : vector<16xi1>, vector<16xi32>
    %add3A_460 = arith.addi %add3A_437, %select_n3A_459 : vector<16xi32>
    %sub3A_461 = arith.constant 8 : i32
    %sub3A_462 = vector.broadcast %sub3A_461 : i32 to vector<16xi32>
    %sub3A_463 = arith.subi %iota3A_391, %sub3A_462 : vector<16xi32>
    %max3A_464 = arith.constant 0 : i32
    %max3A_465 = vector.broadcast %max3A_464 : i32 to vector<16xi32>
    %max3A_466 = arith.maxsi %sub3A_463, %max3A_465 : vector<16xi32>
    %lt3A_467 = arith.constant 0 : i32
    %lt3A_468 = vector.broadcast %lt3A_467 : i32 to vector<16xi32>
    %lt3A_469 = arith.cmpi slt, %max3A_466, %lt3A_468 : vector<16xi32>
    %add3A_470 = arith.constant 16 : i32
    %add3A_471 = vector.broadcast %add3A_470 : i32 to vector<16xi32>
    %add3A_472 = arith.addi %max3A_466, %add3A_471 : vector<16xi32>
    %select_n3A_473 = arith.select %lt3A_469, %add3A_472, %max3A_466 : vector<16xi1>, vector<16xi32>
    %broadcast_in_dim3A_474 = vector.shape_cast %select_n3A_473 : vector<16xi32> to vector<16x1xi32>
    %gather3A_475 = vector.shape_cast %broadcast_in_dim3A_474 : vector<16x1xi32> to vector<16xi32>
    %gather3A_476 = tpu.dynamic_gather %add3A_460[%gather3A_475] in [0] : vector<16xi32>, vector<16xi32> -> vector<16xi32>
    %ge3A_477 = arith.constant 8 : i32
    %ge3A_478 = vector.broadcast %ge3A_477 : i32 to vector<16xi32>
    %ge3A_479 = arith.cmpi sge, %iota3A_391, %ge3A_478 : vector<16xi32>
    %jit3A_480 = arith.constant 0 : i32
    %broadcast_in_dim3A_481 = vector.broadcast %jit3A_480 : i32 to vector<16xi32>
    %select_n3A_482 = arith.select %ge3A_479, %gather3A_476, %broadcast_in_dim3A_481 : vector<16xi1>, vector<16xi32>
    %add3A_483 = arith.addi %add3A_460, %select_n3A_482 : vector<16xi32>
    %add3A_484 = arith.addi %add3A_385, %add3A_483 : vector<16xi32>
    %sub3A_485 = arith.constant 1 : i32
    %sub3A_486 = vector.broadcast %sub3A_485 : i32 to vector<16xi32>
    %sub3A_487 = arith.subi %add3A_484, %sub3A_486 : vector<16xi32>
    %add3A_488 = arith.constant 48 : i32
    %add3A_489 = arith.addi %mul3A_2, %add3A_488 : i32
    %iota3A_490 = tpu.iota {dimensions = array<i32: 0>} : vector<16xi32>
    %add3A_491 = vector.broadcast %add3A_489 : i32 to vector<16xi32>
    %add3A_492 = arith.addi %add3A_491, %iota3A_490 : vector<16xi32>
    tpu.vector_store_idx %arg6[%sub3A_487], %add3A_492 masked %gt3A_390 : memref<128xi32, #tpu.memory_space<vmem>>[vector<16xi32>], vector<16xi32>, vector<16xi1>
    %lt3A_493 = arith.constant 0 : i32
    %lt3A_494 = vector.broadcast %lt3A_493 : i32 to vector<16xi32>
    %lt3A_495 = arith.cmpi slt, %broadcast_in_dim3A_39, %lt3A_494 : vector<16xi32>
    %add3A_496 = arith.constant 16 : i32
    %add3A_497 = vector.broadcast %add3A_496 : i32 to vector<16xi32>
    %add3A_498 = arith.addi %broadcast_in_dim3A_39, %add3A_497 : vector<16xi32>
    %select_n3A_499 = arith.select %lt3A_495, %add3A_498, %broadcast_in_dim3A_39 : vector<16xi1>, vector<16xi32>
    %broadcast_in_dim3A_500 = vector.shape_cast %select_n3A_499 : vector<16xi32> to vector<16x1xi32>
    %gather3A_501 = vector.shape_cast %broadcast_in_dim3A_500 : vector<16x1xi32> to vector<16xi32>
    %gather3A_502 = tpu.dynamic_gather %add3A_483[%gather3A_501] in [0] : vector<16xi32>, vector<16xi32> -> vector<16xi32>
    %add3A_503 = arith.addi %add3A_385, %gather3A_502 : vector<16xi32>
    %get3A_504 = arith.constant 64 : index
    %get3A_505 = tpu.vector_load %arg5[%get3A_504] {strides = array<i32>} : memref<128xi32, #tpu.memory_space<vmem>>, vector<16xi32>,
    %gt3A_506 = arith.constant 0 : i32
    %gt3A_507 = vector.broadcast %gt3A_506 : i32 to vector<16xi32>
    %gt3A_508 = arith.cmpi sgt, %get3A_505, %gt3A_507 : vector<16xi32>
    %iota3A_509 = tpu.iota {dimensions = array<i32: 0>} : vector<16xi32>
    %sub3A_510 = arith.constant 1 : i32
    %sub3A_511 = vector.broadcast %sub3A_510 : i32 to vector<16xi32>
    %sub3A_512 = arith.subi %iota3A_509, %sub3A_511 : vector<16xi32>
    %max3A_513 = arith.constant 0 : i32
    %max3A_514 = vector.broadcast %max3A_513 : i32 to vector<16xi32>
    %max3A_515 = arith.maxsi %sub3A_512, %max3A_514 : vector<16xi32>
    %lt3A_516 = arith.constant 0 : i32
    %lt3A_517 = vector.broadcast %lt3A_516 : i32 to vector<16xi32>
    %lt3A_518 = arith.cmpi slt, %max3A_515, %lt3A_517 : vector<16xi32>
    %add3A_519 = arith.constant 16 : i32
    %add3A_520 = vector.broadcast %add3A_519 : i32 to vector<16xi32>
    %add3A_521 = arith.addi %max3A_515, %add3A_520 : vector<16xi32>
    %select_n3A_522 = arith.select %lt3A_518, %add3A_521, %max3A_515 : vector<16xi1>, vector<16xi32>
    %broadcast_in_dim3A_523 = vector.shape_cast %select_n3A_522 : vector<16xi32> to vector<16x1xi32>
    %gather3A_524 = vector.shape_cast %broadcast_in_dim3A_523 : vector<16x1xi32> to vector<16xi32>
    %gather3A_525 = tpu.dynamic_gather %get3A_505[%gather3A_524] in [0] : vector<16xi32>, vector<16xi32> -> vector<16xi32>
    %ge3A_526 = arith.constant 1 : i32
    %ge3A_527 = vector.broadcast %ge3A_526 : i32 to vector<16xi32>
    %ge3A_528 = arith.cmpi sge, %iota3A_509, %ge3A_527 : vector<16xi32>
    %jit3A_529 = arith.constant 0 : i32
    %broadcast_in_dim3A_530 = vector.broadcast %jit3A_529 : i32 to vector<16xi32>
    %select_n3A_531 = arith.select %ge3A_528, %gather3A_525, %broadcast_in_dim3A_530 : vector<16xi1>, vector<16xi32>
    %add3A_532 = arith.addi %get3A_505, %select_n3A_531 : vector<16xi32>
    %sub3A_533 = arith.constant 2 : i32
    %sub3A_534 = vector.broadcast %sub3A_533 : i32 to vector<16xi32>
    %sub3A_535 = arith.subi %iota3A_509, %sub3A_534 : vector<16xi32>
    %max3A_536 = arith.constant 0 : i32
    %max3A_537 = vector.broadcast %max3A_536 : i32 to vector<16xi32>
    %max3A_538 = arith.maxsi %sub3A_535, %max3A_537 : vector<16xi32>
    %lt3A_539 = arith.constant 0 : i32
    %lt3A_540 = vector.broadcast %lt3A_539 : i32 to vector<16xi32>
    %lt3A_541 = arith.cmpi slt, %max3A_538, %lt3A_540 : vector<16xi32>
    %add3A_542 = arith.constant 16 : i32
    %add3A_543 = vector.broadcast %add3A_542 : i32 to vector<16xi32>
    %add3A_544 = arith.addi %max3A_538, %add3A_543 : vector<16xi32>
    %select_n3A_545 = arith.select %lt3A_541, %add3A_544, %max3A_538 : vector<16xi1>, vector<16xi32>
    %broadcast_in_dim3A_546 = vector.shape_cast %select_n3A_545 : vector<16xi32> to vector<16x1xi32>
    %gather3A_547 = vector.shape_cast %broadcast_in_dim3A_546 : vector<16x1xi32> to vector<16xi32>
    %gather3A_548 = tpu.dynamic_gather %add3A_532[%gather3A_547] in [0] : vector<16xi32>, vector<16xi32> -> vector<16xi32>
    %ge3A_549 = arith.constant 2 : i32
    %ge3A_550 = vector.broadcast %ge3A_549 : i32 to vector<16xi32>
    %ge3A_551 = arith.cmpi sge, %iota3A_509, %ge3A_550 : vector<16xi32>
    %jit3A_552 = arith.constant 0 : i32
    %broadcast_in_dim3A_553 = vector.broadcast %jit3A_552 : i32 to vector<16xi32>
    %select_n3A_554 = arith.select %ge3A_551, %gather3A_548, %broadcast_in_dim3A_553 : vector<16xi1>, vector<16xi32>
    %add3A_555 = arith.addi %add3A_532, %select_n3A_554 : vector<16xi32>
    %sub3A_556 = arith.constant 4 : i32
    %sub3A_557 = vector.broadcast %sub3A_556 : i32 to vector<16xi32>
    %sub3A_558 = arith.subi %iota3A_509, %sub3A_557 : vector<16xi32>
    %max3A_559 = arith.constant 0 : i32
    %max3A_560 = vector.broadcast %max3A_559 : i32 to vector<16xi32>
    %max3A_561 = arith.maxsi %sub3A_558, %max3A_560 : vector<16xi32>
    %lt3A_562 = arith.constant 0 : i32
    %lt3A_563 = vector.broadcast %lt3A_562 : i32 to vector<16xi32>
    %lt3A_564 = arith.cmpi slt, %max3A_561, %lt3A_563 : vector<16xi32>
    %add3A_565 = arith.constant 16 : i32
    %add3A_566 = vector.broadcast %add3A_565 : i32 to vector<16xi32>
    %add3A_567 = arith.addi %max3A_561, %add3A_566 : vector<16xi32>
    %select_n3A_568 = arith.select %lt3A_564, %add3A_567, %max3A_561 : vector<16xi1>, vector<16xi32>
    %broadcast_in_dim3A_569 = vector.shape_cast %select_n3A_568 : vector<16xi32> to vector<16x1xi32>
    %gather3A_570 = vector.shape_cast %broadcast_in_dim3A_569 : vector<16x1xi32> to vector<16xi32>
    %gather3A_571 = tpu.dynamic_gather %add3A_555[%gather3A_570] in [0] : vector<16xi32>, vector<16xi32> -> vector<16xi32>
    %ge3A_572 = arith.constant 4 : i32
    %ge3A_573 = vector.broadcast %ge3A_572 : i32 to vector<16xi32>
    %ge3A_574 = arith.cmpi sge, %iota3A_509, %ge3A_573 : vector<16xi32>
    %jit3A_575 = arith.constant 0 : i32
    %broadcast_in_dim3A_576 = vector.broadcast %jit3A_575 : i32 to vector<16xi32>
    %select_n3A_577 = arith.select %ge3A_574, %gather3A_571, %broadcast_in_dim3A_576 : vector<16xi1>, vector<16xi32>
    %add3A_578 = arith.addi %add3A_555, %select_n3A_577 : vector<16xi32>
    %sub3A_579 = arith.constant 8 : i32
    %sub3A_580 = vector.broadcast %sub3A_579 : i32 to vector<16xi32>
    %sub3A_581 = arith.subi %iota3A_509, %sub3A_580 : vector<16xi32>
    %max3A_582 = arith.constant 0 : i32
    %max3A_583 = vector.broadcast %max3A_582 : i32 to vector<16xi32>
    %max3A_584 = arith.maxsi %sub3A_581, %max3A_583 : vector<16xi32>
    %lt3A_585 = arith.constant 0 : i32
    %lt3A_586 = vector.broadcast %lt3A_585 : i32 to vector<16xi32>
    %lt3A_587 = arith.cmpi slt, %max3A_584, %lt3A_586 : vector<16xi32>
    %add3A_588 = arith.constant 16 : i32
    %add3A_589 = vector.broadcast %add3A_588 : i32 to vector<16xi32>
    %add3A_590 = arith.addi %max3A_584, %add3A_589 : vector<16xi32>
    %select_n3A_591 = arith.select %lt3A_587, %add3A_590, %max3A_584 : vector<16xi1>, vector<16xi32>
    %broadcast_in_dim3A_592 = vector.shape_cast %select_n3A_591 : vector<16xi32> to vector<16x1xi32>
    %gather3A_593 = vector.shape_cast %broadcast_in_dim3A_592 : vector<16x1xi32> to vector<16xi32>
    %gather3A_594 = tpu.dynamic_gather %add3A_578[%gather3A_593] in [0] : vector<16xi32>, vector<16xi32> -> vector<16xi32>
    %ge3A_595 = arith.constant 8 : i32
    %ge3A_596 = vector.broadcast %ge3A_595 : i32 to vector<16xi32>
    %ge3A_597 = arith.cmpi sge, %iota3A_509, %ge3A_596 : vector<16xi32>
    %jit3A_598 = arith.constant 0 : i32
    %broadcast_in_dim3A_599 = vector.broadcast %jit3A_598 : i32 to vector<16xi32>
    %select_n3A_600 = arith.select %ge3A_597, %gather3A_594, %broadcast_in_dim3A_599 : vector<16xi1>, vector<16xi32>
    %add3A_601 = arith.addi %add3A_578, %select_n3A_600 : vector<16xi32>
    %add3A_602 = arith.addi %add3A_503, %add3A_601 : vector<16xi32>
    %sub3A_603 = arith.constant 1 : i32
    %sub3A_604 = vector.broadcast %sub3A_603 : i32 to vector<16xi32>
    %sub3A_605 = arith.subi %add3A_602, %sub3A_604 : vector<16xi32>
    %add3A_606 = arith.constant 64 : i32
    %add3A_607 = arith.addi %mul3A_2, %add3A_606 : i32
    %iota3A_608 = tpu.iota {dimensions = array<i32: 0>} : vector<16xi32>
    %add3A_609 = vector.broadcast %add3A_607 : i32 to vector<16xi32>
    %add3A_610 = arith.addi %add3A_609, %iota3A_608 : vector<16xi32>
    tpu.vector_store_idx %arg6[%sub3A_605], %add3A_610 masked %gt3A_508 : memref<128xi32, #tpu.memory_space<vmem>>[vector<16xi32>], vector<16xi32>, vector<16xi1>
    %lt3A_611 = arith.constant 0 : i32
    %lt3A_612 = vector.broadcast %lt3A_611 : i32 to vector<16xi32>
    %lt3A_613 = arith.cmpi slt, %broadcast_in_dim3A_39, %lt3A_612 : vector<16xi32>
    %add3A_614 = arith.constant 16 : i32
    %add3A_615 = vector.broadcast %add3A_614 : i32 to vector<16xi32>
    %add3A_616 = arith.addi %broadcast_in_dim3A_39, %add3A_615 : vector<16xi32>
    %select_n3A_617 = arith.select %lt3A_613, %add3A_616, %broadcast_in_dim3A_39 : vector<16xi1>, vector<16xi32>
    %broadcast_in_dim3A_618 = vector.shape_cast %select_n3A_617 : vector<16xi32> to vector<16x1xi32>
    %gather3A_619 = vector.shape_cast %broadcast_in_dim3A_618 : vector<16x1xi32> to vector<16xi32>
    %gather3A_620 = tpu.dynamic_gather %add3A_601[%gather3A_619] in [0] : vector<16xi32>, vector<16xi32> -> vector<16xi32>
    %add3A_621 = arith.addi %add3A_503, %gather3A_620 : vector<16xi32>
    %get3A_622 = arith.constant 80 : index
    %get3A_623 = tpu.vector_load %arg5[%get3A_622] {strides = array<i32>} : memref<128xi32, #tpu.memory_space<vmem>>, vector<16xi32>,
    %gt3A_624 = arith.constant 0 : i32
    %gt3A_625 = vector.broadcast %gt3A_624 : i32 to vector<16xi32>
    %gt3A_626 = arith.cmpi sgt, %get3A_623, %gt3A_625 : vector<16xi32>
    %iota3A_627 = tpu.iota {dimensions = array<i32: 0>} : vector<16xi32>
    %sub3A_628 = arith.constant 1 : i32
    %sub3A_629 = vector.broadcast %sub3A_628 : i32 to vector<16xi32>
    %sub3A_630 = arith.subi %iota3A_627, %sub3A_629 : vector<16xi32>
    %max3A_631 = arith.constant 0 : i32
    %max3A_632 = vector.broadcast %max3A_631 : i32 to vector<16xi32>
    %max3A_633 = arith.maxsi %sub3A_630, %max3A_632 : vector<16xi32>
    %lt3A_634 = arith.constant 0 : i32
    %lt3A_635 = vector.broadcast %lt3A_634 : i32 to vector<16xi32>
    %lt3A_636 = arith.cmpi slt, %max3A_633, %lt3A_635 : vector<16xi32>
    %add3A_637 = arith.constant 16 : i32
    %add3A_638 = vector.broadcast %add3A_637 : i32 to vector<16xi32>
    %add3A_639 = arith.addi %max3A_633, %add3A_638 : vector<16xi32>
    %select_n3A_640 = arith.select %lt3A_636, %add3A_639, %max3A_633 : vector<16xi1>, vector<16xi32>
    %broadcast_in_dim3A_641 = vector.shape_cast %select_n3A_640 : vector<16xi32> to vector<16x1xi32>
    %gather3A_642 = vector.shape_cast %broadcast_in_dim3A_641 : vector<16x1xi32> to vector<16xi32>
    %gather3A_643 = tpu.dynamic_gather %get3A_623[%gather3A_642] in [0] : vector<16xi32>, vector<16xi32> -> vector<16xi32>
    %ge3A_644 = arith.constant 1 : i32
    %ge3A_645 = vector.broadcast %ge3A_644 : i32 to vector<16xi32>
    %ge3A_646 = arith.cmpi sge, %iota3A_627, %ge3A_645 : vector<16xi32>
    %jit3A_647 = arith.constant 0 : i32
    %broadcast_in_dim3A_648 = vector.broadcast %jit3A_647 : i32 to vector<16xi32>
    %select_n3A_649 = arith.select %ge3A_646, %gather3A_643, %broadcast_in_dim3A_648 : vector<16xi1>, vector<16xi32>
    %add3A_650 = arith.addi %get3A_623, %select_n3A_649 : vector<16xi32>
    %sub3A_651 = arith.constant 2 : i32
    %sub3A_652 = vector.broadcast %sub3A_651 : i32 to vector<16xi32>
    %sub3A_653 = arith.subi %iota3A_627, %sub3A_652 : vector<16xi32>
    %max3A_654 = arith.constant 0 : i32
    %max3A_655 = vector.broadcast %max3A_654 : i32 to vector<16xi32>
    %max3A_656 = arith.maxsi %sub3A_653, %max3A_655 : vector<16xi32>
    %lt3A_657 = arith.constant 0 : i32
    %lt3A_658 = vector.broadcast %lt3A_657 : i32 to vector<16xi32>
    %lt3A_659 = arith.cmpi slt, %max3A_656, %lt3A_658 : vector<16xi32>
    %add3A_660 = arith.constant 16 : i32
    %add3A_661 = vector.broadcast %add3A_660 : i32 to vector<16xi32>
    %add3A_662 = arith.addi %max3A_656, %add3A_661 : vector<16xi32>
    %select_n3A_663 = arith.select %lt3A_659, %add3A_662, %max3A_656 : vector<16xi1>, vector<16xi32>
    %broadcast_in_dim3A_664 = vector.shape_cast %select_n3A_663 : vector<16xi32> to vector<16x1xi32>
    %gather3A_665 = vector.shape_cast %broadcast_in_dim3A_664 : vector<16x1xi32> to vector<16xi32>
    %gather3A_666 = tpu.dynamic_gather %add3A_650[%gather3A_665] in [0] : vector<16xi32>, vector<16xi32> -> vector<16xi32>
    %ge3A_667 = arith.constant 2 : i32
    %ge3A_668 = vector.broadcast %ge3A_667 : i32 to vector<16xi32>
    %ge3A_669 = arith.cmpi sge, %iota3A_627, %ge3A_668 : vector<16xi32>
    %jit3A_670 = arith.constant 0 : i32
    %broadcast_in_dim3A_671 = vector.broadcast %jit3A_670 : i32 to vector<16xi32>
    %select_n3A_672 = arith.select %ge3A_669, %gather3A_666, %broadcast_in_dim3A_671 : vector<16xi1>, vector<16xi32>
    %add3A_673 = arith.addi %add3A_650, %select_n3A_672 : vector<16xi32>
    %sub3A_674 = arith.constant 4 : i32
    %sub3A_675 = vector.broadcast %sub3A_674 : i32 to vector<16xi32>
    %sub3A_676 = arith.subi %iota3A_627, %sub3A_675 : vector<16xi32>
    %max3A_677 = arith.constant 0 : i32
    %max3A_678 = vector.broadcast %max3A_677 : i32 to vector<16xi32>
    %max3A_679 = arith.maxsi %sub3A_676, %max3A_678 : vector<16xi32>
    %lt3A_680 = arith.constant 0 : i32
    %lt3A_681 = vector.broadcast %lt3A_680 : i32 to vector<16xi32>
    %lt3A_682 = arith.cmpi slt, %max3A_679, %lt3A_681 : vector<16xi32>
    %add3A_683 = arith.constant 16 : i32
    %add3A_684 = vector.broadcast %add3A_683 : i32 to vector<16xi32>
    %add3A_685 = arith.addi %max3A_679, %add3A_684 : vector<16xi32>
    %select_n3A_686 = arith.select %lt3A_682, %add3A_685, %max3A_679 : vector<16xi1>, vector<16xi32>
    %broadcast_in_dim3A_687 = vector.shape_cast %select_n3A_686 : vector<16xi32> to vector<16x1xi32>
    %gather3A_688 = vector.shape_cast %broadcast_in_dim3A_687 : vector<16x1xi32> to vector<16xi32>
    %gather3A_689 = tpu.dynamic_gather %add3A_673[%gather3A_688] in [0] : vector<16xi32>, vector<16xi32> -> vector<16xi32>
    %ge3A_690 = arith.constant 4 : i32
    %ge3A_691 = vector.broadcast %ge3A_690 : i32 to vector<16xi32>
    %ge3A_692 = arith.cmpi sge, %iota3A_627, %ge3A_691 : vector<16xi32>
    %jit3A_693 = arith.constant 0 : i32
    %broadcast_in_dim3A_694 = vector.broadcast %jit3A_693 : i32 to vector<16xi32>
    %select_n3A_695 = arith.select %ge3A_692, %gather3A_689, %broadcast_in_dim3A_694 : vector<16xi1>, vector<16xi32>
    %add3A_696 = arith.addi %add3A_673, %select_n3A_695 : vector<16xi32>
    %sub3A_697 = arith.constant 8 : i32
    %sub3A_698 = vector.broadcast %sub3A_697 : i32 to vector<16xi32>
    %sub3A_699 = arith.subi %iota3A_627, %sub3A_698 : vector<16xi32>
    %max3A_700 = arith.constant 0 : i32
    %max3A_701 = vector.broadcast %max3A_700 : i32 to vector<16xi32>
    %max3A_702 = arith.maxsi %sub3A_699, %max3A_701 : vector<16xi32>
    %lt3A_703 = arith.constant 0 : i32
    %lt3A_704 = vector.broadcast %lt3A_703 : i32 to vector<16xi32>
    %lt3A_705 = arith.cmpi slt, %max3A_702, %lt3A_704 : vector<16xi32>
    %add3A_706 = arith.constant 16 : i32
    %add3A_707 = vector.broadcast %add3A_706 : i32 to vector<16xi32>
    %add3A_708 = arith.addi %max3A_702, %add3A_707 : vector<16xi32>
    %select_n3A_709 = arith.select %lt3A_705, %add3A_708, %max3A_702 : vector<16xi1>, vector<16xi32>
    %broadcast_in_dim3A_710 = vector.shape_cast %select_n3A_709 : vector<16xi32> to vector<16x1xi32>
    %gather3A_711 = vector.shape_cast %broadcast_in_dim3A_710 : vector<16x1xi32> to vector<16xi32>
    %gather3A_712 = tpu.dynamic_gather %add3A_696[%gather3A_711] in [0] : vector<16xi32>, vector<16xi32> -> vector<16xi32>
    %ge3A_713 = arith.constant 8 : i32
    %ge3A_714 = vector.broadcast %ge3A_713 : i32 to vector<16xi32>
    %ge3A_715 = arith.cmpi sge, %iota3A_627, %ge3A_714 : vector<16xi32>
    %jit3A_716 = arith.constant 0 : i32
    %broadcast_in_dim3A_717 = vector.broadcast %jit3A_716 : i32 to vector<16xi32>
    %select_n3A_718 = arith.select %ge3A_715, %gather3A_712, %broadcast_in_dim3A_717 : vector<16xi1>, vector<16xi32>
    %add3A_719 = arith.addi %add3A_696, %select_n3A_718 : vector<16xi32>
    %add3A_720 = arith.addi %add3A_621, %add3A_719 : vector<16xi32>
    %sub3A_721 = arith.constant 1 : i32
    %sub3A_722 = vector.broadcast %sub3A_721 : i32 to vector<16xi32>
    %sub3A_723 = arith.subi %add3A_720, %sub3A_722 : vector<16xi32>
    %add3A_724 = arith.constant 80 : i32
    %add3A_725 = arith.addi %mul3A_2, %add3A_724 : i32
    %iota3A_726 = tpu.iota {dimensions = array<i32: 0>} : vector<16xi32>
    %add3A_727 = vector.broadcast %add3A_725 : i32 to vector<16xi32>
    %add3A_728 = arith.addi %add3A_727, %iota3A_726 : vector<16xi32>
    tpu.vector_store_idx %arg6[%sub3A_723], %add3A_728 masked %gt3A_626 : memref<128xi32, #tpu.memory_space<vmem>>[vector<16xi32>], vector<16xi32>, vector<16xi1>
    %lt3A_729 = arith.constant 0 : i32
    %lt3A_730 = vector.broadcast %lt3A_729 : i32 to vector<16xi32>
    %lt3A_731 = arith.cmpi slt, %broadcast_in_dim3A_39, %lt3A_730 : vector<16xi32>
    %add3A_732 = arith.constant 16 : i32
    %add3A_733 = vector.broadcast %add3A_732 : i32 to vector<16xi32>
    %add3A_734 = arith.addi %broadcast_in_dim3A_39, %add3A_733 : vector<16xi32>
    %select_n3A_735 = arith.select %lt3A_731, %add3A_734, %broadcast_in_dim3A_39 : vector<16xi1>, vector<16xi32>
    %broadcast_in_dim3A_736 = vector.shape_cast %select_n3A_735 : vector<16xi32> to vector<16x1xi32>
    %gather3A_737 = vector.shape_cast %broadcast_in_dim3A_736 : vector<16x1xi32> to vector<16xi32>
    %gather3A_738 = tpu.dynamic_gather %add3A_719[%gather3A_737] in [0] : vector<16xi32>, vector<16xi32> -> vector<16xi32>
    %add3A_739 = arith.addi %add3A_621, %gather3A_738 : vector<16xi32>
    %get3A_740 = arith.constant 96 : index
    %get3A_741 = tpu.vector_load %arg5[%get3A_740] {strides = array<i32>} : memref<128xi32, #tpu.memory_space<vmem>>, vector<16xi32>,
    %gt3A_742 = arith.constant 0 : i32
    %gt3A_743 = vector.broadcast %gt3A_742 : i32 to vector<16xi32>
    %gt3A_744 = arith.cmpi sgt, %get3A_741, %gt3A_743 : vector<16xi32>
    %iota3A_745 = tpu.iota {dimensions = array<i32: 0>} : vector<16xi32>
    %sub3A_746 = arith.constant 1 : i32
    %sub3A_747 = vector.broadcast %sub3A_746 : i32 to vector<16xi32>
    %sub3A_748 = arith.subi %iota3A_745, %sub3A_747 : vector<16xi32>
    %max3A_749 = arith.constant 0 : i32
    %max3A_750 = vector.broadcast %max3A_749 : i32 to vector<16xi32>
    %max3A_751 = arith.maxsi %sub3A_748, %max3A_750 : vector<16xi32>
    %lt3A_752 = arith.constant 0 : i32
    %lt3A_753 = vector.broadcast %lt3A_752 : i32 to vector<16xi32>
    %lt3A_754 = arith.cmpi slt, %max3A_751, %lt3A_753 : vector<16xi32>
    %add3A_755 = arith.constant 16 : i32
    %add3A_756 = vector.broadcast %add3A_755 : i32 to vector<16xi32>
    %add3A_757 = arith.addi %max3A_751, %add3A_756 : vector<16xi32>
    %select_n3A_758 = arith.select %lt3A_754, %add3A_757, %max3A_751 : vector<16xi1>, vector<16xi32>
    %broadcast_in_dim3A_759 = vector.shape_cast %select_n3A_758 : vector<16xi32> to vector<16x1xi32>
    %gather3A_760 = vector.shape_cast %broadcast_in_dim3A_759 : vector<16x1xi32> to vector<16xi32>
    %gather3A_761 = tpu.dynamic_gather %get3A_741[%gather3A_760] in [0] : vector<16xi32>, vector<16xi32> -> vector<16xi32>
    %ge3A_762 = arith.constant 1 : i32
    %ge3A_763 = vector.broadcast %ge3A_762 : i32 to vector<16xi32>
    %ge3A_764 = arith.cmpi sge, %iota3A_745, %ge3A_763 : vector<16xi32>
    %jit3A_765 = arith.constant 0 : i32
    %broadcast_in_dim3A_766 = vector.broadcast %jit3A_765 : i32 to vector<16xi32>
    %select_n3A_767 = arith.select %ge3A_764, %gather3A_761, %broadcast_in_dim3A_766 : vector<16xi1>, vector<16xi32>
    %add3A_768 = arith.addi %get3A_741, %select_n3A_767 : vector<16xi32>
    %sub3A_769 = arith.constant 2 : i32
    %sub3A_770 = vector.broadcast %sub3A_769 : i32 to vector<16xi32>
    %sub3A_771 = arith.subi %iota3A_745, %sub3A_770 : vector<16xi32>
    %max3A_772 = arith.constant 0 : i32
    %max3A_773 = vector.broadcast %max3A_772 : i32 to vector<16xi32>
    %max3A_774 = arith.maxsi %sub3A_771, %max3A_773 : vector<16xi32>
    %lt3A_775 = arith.constant 0 : i32
    %lt3A_776 = vector.broadcast %lt3A_775 : i32 to vector<16xi32>
    %lt3A_777 = arith.cmpi slt, %max3A_774, %lt3A_776 : vector<16xi32>
    %add3A_778 = arith.constant 16 : i32
    %add3A_779 = vector.broadcast %add3A_778 : i32 to vector<16xi32>
    %add3A_780 = arith.addi %max3A_774, %add3A_779 : vector<16xi32>
    %select_n3A_781 = arith.select %lt3A_777, %add3A_780, %max3A_774 : vector<16xi1>, vector<16xi32>
    %broadcast_in_dim3A_782 = vector.shape_cast %select_n3A_781 : vector<16xi32> to vector<16x1xi32>
    %gather3A_783 = vector.shape_cast %broadcast_in_dim3A_782 : vector<16x1xi32> to vector<16xi32>
    %gather3A_784 = tpu.dynamic_gather %add3A_768[%gather3A_783] in [0] : vector<16xi32>, vector<16xi32> -> vector<16xi32>
    %ge3A_785 = arith.constant 2 : i32
    %ge3A_786 = vector.broadcast %ge3A_785 : i32 to vector<16xi32>
    %ge3A_787 = arith.cmpi sge, %iota3A_745, %ge3A_786 : vector<16xi32>
    %jit3A_788 = arith.constant 0 : i32
    %broadcast_in_dim3A_789 = vector.broadcast %jit3A_788 : i32 to vector<16xi32>
    %select_n3A_790 = arith.select %ge3A_787, %gather3A_784, %broadcast_in_dim3A_789 : vector<16xi1>, vector<16xi32>
    %add3A_791 = arith.addi %add3A_768, %select_n3A_790 : vector<16xi32>
    %sub3A_792 = arith.constant 4 : i32
    %sub3A_793 = vector.broadcast %sub3A_792 : i32 to vector<16xi32>
    %sub3A_794 = arith.subi %iota3A_745, %sub3A_793 : vector<16xi32>
    %max3A_795 = arith.constant 0 : i32
    %max3A_796 = vector.broadcast %max3A_795 : i32 to vector<16xi32>
    %max3A_797 = arith.maxsi %sub3A_794, %max3A_796 : vector<16xi32>
    %lt3A_798 = arith.constant 0 : i32
    %lt3A_799 = vector.broadcast %lt3A_798 : i32 to vector<16xi32>
    %lt3A_800 = arith.cmpi slt, %max3A_797, %lt3A_799 : vector<16xi32>
    %add3A_801 = arith.constant 16 : i32
    %add3A_802 = vector.broadcast %add3A_801 : i32 to vector<16xi32>
    %add3A_803 = arith.addi %max3A_797, %add3A_802 : vector<16xi32>
    %select_n3A_804 = arith.select %lt3A_800, %add3A_803, %max3A_797 : vector<16xi1>, vector<16xi32>
    %broadcast_in_dim3A_805 = vector.shape_cast %select_n3A_804 : vector<16xi32> to vector<16x1xi32>
    %gather3A_806 = vector.shape_cast %broadcast_in_dim3A_805 : vector<16x1xi32> to vector<16xi32>
    %gather3A_807 = tpu.dynamic_gather %add3A_791[%gather3A_806] in [0] : vector<16xi32>, vector<16xi32> -> vector<16xi32>
    %ge3A_808 = arith.constant 4 : i32
    %ge3A_809 = vector.broadcast %ge3A_808 : i32 to vector<16xi32>
    %ge3A_810 = arith.cmpi sge, %iota3A_745, %ge3A_809 : vector<16xi32>
    %jit3A_811 = arith.constant 0 : i32
    %broadcast_in_dim3A_812 = vector.broadcast %jit3A_811 : i32 to vector<16xi32>
    %select_n3A_813 = arith.select %ge3A_810, %gather3A_807, %broadcast_in_dim3A_812 : vector<16xi1>, vector<16xi32>
    %add3A_814 = arith.addi %add3A_791, %select_n3A_813 : vector<16xi32>
    %sub3A_815 = arith.constant 8 : i32
    %sub3A_816 = vector.broadcast %sub3A_815 : i32 to vector<16xi32>
    %sub3A_817 = arith.subi %iota3A_745, %sub3A_816 : vector<16xi32>
    %max3A_818 = arith.constant 0 : i32
    %max3A_819 = vector.broadcast %max3A_818 : i32 to vector<16xi32>
    %max3A_820 = arith.maxsi %sub3A_817, %max3A_819 : vector<16xi32>
    %lt3A_821 = arith.constant 0 : i32
    %lt3A_822 = vector.broadcast %lt3A_821 : i32 to vector<16xi32>
    %lt3A_823 = arith.cmpi slt, %max3A_820, %lt3A_822 : vector<16xi32>
    %add3A_824 = arith.constant 16 : i32
    %add3A_825 = vector.broadcast %add3A_824 : i32 to vector<16xi32>
    %add3A_826 = arith.addi %max3A_820, %add3A_825 : vector<16xi32>
    %select_n3A_827 = arith.select %lt3A_823, %add3A_826, %max3A_820 : vector<16xi1>, vector<16xi32>
    %broadcast_in_dim3A_828 = vector.shape_cast %select_n3A_827 : vector<16xi32> to vector<16x1xi32>
    %gather3A_829 = vector.shape_cast %broadcast_in_dim3A_828 : vector<16x1xi32> to vector<16xi32>
    %gather3A_830 = tpu.dynamic_gather %add3A_814[%gather3A_829] in [0] : vector<16xi32>, vector<16xi32> -> vector<16xi32>
    %ge3A_831 = arith.constant 8 : i32
    %ge3A_832 = vector.broadcast %ge3A_831 : i32 to vector<16xi32>
    %ge3A_833 = arith.cmpi sge, %iota3A_745, %ge3A_832 : vector<16xi32>
    %jit3A_834 = arith.constant 0 : i32
    %broadcast_in_dim3A_835 = vector.broadcast %jit3A_834 : i32 to vector<16xi32>
    %select_n3A_836 = arith.select %ge3A_833, %gather3A_830, %broadcast_in_dim3A_835 : vector<16xi1>, vector<16xi32>
    %add3A_837 = arith.addi %add3A_814, %select_n3A_836 : vector<16xi32>
    %add3A_838 = arith.addi %add3A_739, %add3A_837 : vector<16xi32>
    %sub3A_839 = arith.constant 1 : i32
    %sub3A_840 = vector.broadcast %sub3A_839 : i32 to vector<16xi32>
    %sub3A_841 = arith.subi %add3A_838, %sub3A_840 : vector<16xi32>
    %add3A_842 = arith.constant 96 : i32
    %add3A_843 = arith.addi %mul3A_2, %add3A_842 : i32
    %iota3A_844 = tpu.iota {dimensions = array<i32: 0>} : vector<16xi32>
    %add3A_845 = vector.broadcast %add3A_843 : i32 to vector<16xi32>
    %add3A_846 = arith.addi %add3A_845, %iota3A_844 : vector<16xi32>
    tpu.vector_store_idx %arg6[%sub3A_841], %add3A_846 masked %gt3A_744 : memref<128xi32, #tpu.memory_space<vmem>>[vector<16xi32>], vector<16xi32>, vector<16xi1>
    %lt3A_847 = arith.constant 0 : i32
    %lt3A_848 = vector.broadcast %lt3A_847 : i32 to vector<16xi32>
    %lt3A_849 = arith.cmpi slt, %broadcast_in_dim3A_39, %lt3A_848 : vector<16xi32>
    %add3A_850 = arith.constant 16 : i32
    %add3A_851 = vector.broadcast %add3A_850 : i32 to vector<16xi32>
    %add3A_852 = arith.addi %broadcast_in_dim3A_39, %add3A_851 : vector<16xi32>
    %select_n3A_853 = arith.select %lt3A_849, %add3A_852, %broadcast_in_dim3A_39 : vector<16xi1>, vector<16xi32>
    %broadcast_in_dim3A_854 = vector.shape_cast %select_n3A_853 : vector<16xi32> to vector<16x1xi32>
    %gather3A_855 = vector.shape_cast %broadcast_in_dim3A_854 : vector<16x1xi32> to vector<16xi32>
    %gather3A_856 = tpu.dynamic_gather %add3A_837[%gather3A_855] in [0] : vector<16xi32>, vector<16xi32> -> vector<16xi32>
    %add3A_857 = arith.addi %add3A_739, %gather3A_856 : vector<16xi32>
    %get3A_858 = arith.constant 112 : index
    %get3A_859 = tpu.vector_load %arg5[%get3A_858] {strides = array<i32>} : memref<128xi32, #tpu.memory_space<vmem>>, vector<16xi32>,
    %gt3A_860 = arith.constant 0 : i32
    %gt3A_861 = vector.broadcast %gt3A_860 : i32 to vector<16xi32>
    %gt3A_862 = arith.cmpi sgt, %get3A_859, %gt3A_861 : vector<16xi32>
    %iota3A_863 = tpu.iota {dimensions = array<i32: 0>} : vector<16xi32>
    %sub3A_864 = arith.constant 1 : i32
    %sub3A_865 = vector.broadcast %sub3A_864 : i32 to vector<16xi32>
    %sub3A_866 = arith.subi %iota3A_863, %sub3A_865 : vector<16xi32>
    %max3A_867 = arith.constant 0 : i32
    %max3A_868 = vector.broadcast %max3A_867 : i32 to vector<16xi32>
    %max3A_869 = arith.maxsi %sub3A_866, %max3A_868 : vector<16xi32>
    %lt3A_870 = arith.constant 0 : i32
    %lt3A_871 = vector.broadcast %lt3A_870 : i32 to vector<16xi32>
    %lt3A_872 = arith.cmpi slt, %max3A_869, %lt3A_871 : vector<16xi32>
    %add3A_873 = arith.constant 16 : i32
    %add3A_874 = vector.broadcast %add3A_873 : i32 to vector<16xi32>
    %add3A_875 = arith.addi %max3A_869, %add3A_874 : vector<16xi32>
    %select_n3A_876 = arith.select %lt3A_872, %add3A_875, %max3A_869 : vector<16xi1>, vector<16xi32>
    %broadcast_in_dim3A_877 = vector.shape_cast %select_n3A_876 : vector<16xi32> to vector<16x1xi32>
    %gather3A_878 = vector.shape_cast %broadcast_in_dim3A_877 : vector<16x1xi32> to vector<16xi32>
    %gather3A_879 = tpu.dynamic_gather %get3A_859[%gather3A_878] in [0] : vector<16xi32>, vector<16xi32> -> vector<16xi32>
    %ge3A_880 = arith.constant 1 : i32
    %ge3A_881 = vector.broadcast %ge3A_880 : i32 to vector<16xi32>
    %ge3A_882 = arith.cmpi sge, %iota3A_863, %ge3A_881 : vector<16xi32>
    %jit3A_883 = arith.constant 0 : i32
    %broadcast_in_dim3A_884 = vector.broadcast %jit3A_883 : i32 to vector<16xi32>
    %select_n3A_885 = arith.select %ge3A_882, %gather3A_879, %broadcast_in_dim3A_884 : vector<16xi1>, vector<16xi32>
    %add3A_886 = arith.addi %get3A_859, %select_n3A_885 : vector<16xi32>
    %sub3A_887 = arith.constant 2 : i32
    %sub3A_888 = vector.broadcast %sub3A_887 : i32 to vector<16xi32>
    %sub3A_889 = arith.subi %iota3A_863, %sub3A_888 : vector<16xi32>
    %max3A_890 = arith.constant 0 : i32
    %max3A_891 = vector.broadcast %max3A_890 : i32 to vector<16xi32>
    %max3A_892 = arith.maxsi %sub3A_889, %max3A_891 : vector<16xi32>
    %lt3A_893 = arith.constant 0 : i32
    %lt3A_894 = vector.broadcast %lt3A_893 : i32 to vector<16xi32>
    %lt3A_895 = arith.cmpi slt, %max3A_892, %lt3A_894 : vector<16xi32>
    %add3A_896 = arith.constant 16 : i32
    %add3A_897 = vector.broadcast %add3A_896 : i32 to vector<16xi32>
    %add3A_898 = arith.addi %max3A_892, %add3A_897 : vector<16xi32>
    %select_n3A_899 = arith.select %lt3A_895, %add3A_898, %max3A_892 : vector<16xi1>, vector<16xi32>
    %broadcast_in_dim3A_900 = vector.shape_cast %select_n3A_899 : vector<16xi32> to vector<16x1xi32>
    %gather3A_901 = vector.shape_cast %broadcast_in_dim3A_900 : vector<16x1xi32> to vector<16xi32>
    %gather3A_902 = tpu.dynamic_gather %add3A_886[%gather3A_901] in [0] : vector<16xi32>, vector<16xi32> -> vector<16xi32>
    %ge3A_903 = arith.constant 2 : i32
    %ge3A_904 = vector.broadcast %ge3A_903 : i32 to vector<16xi32>
    %ge3A_905 = arith.cmpi sge, %iota3A_863, %ge3A_904 : vector<16xi32>
    %jit3A_906 = arith.constant 0 : i32
    %broadcast_in_dim3A_907 = vector.broadcast %jit3A_906 : i32 to vector<16xi32>
    %select_n3A_908 = arith.select %ge3A_905, %gather3A_902, %broadcast_in_dim3A_907 : vector<16xi1>, vector<16xi32>
    %add3A_909 = arith.addi %add3A_886, %select_n3A_908 : vector<16xi32>
    %sub3A_910 = arith.constant 4 : i32
    %sub3A_911 = vector.broadcast %sub3A_910 : i32 to vector<16xi32>
    %sub3A_912 = arith.subi %iota3A_863, %sub3A_911 : vector<16xi32>
    %max3A_913 = arith.constant 0 : i32
    %max3A_914 = vector.broadcast %max3A_913 : i32 to vector<16xi32>
    %max3A_915 = arith.maxsi %sub3A_912, %max3A_914 : vector<16xi32>
    %lt3A_916 = arith.constant 0 : i32
    %lt3A_917 = vector.broadcast %lt3A_916 : i32 to vector<16xi32>
    %lt3A_918 = arith.cmpi slt, %max3A_915, %lt3A_917 : vector<16xi32>
    %add3A_919 = arith.constant 16 : i32
    %add3A_920 = vector.broadcast %add3A_919 : i32 to vector<16xi32>
    %add3A_921 = arith.addi %max3A_915, %add3A_920 : vector<16xi32>
    %select_n3A_922 = arith.select %lt3A_918, %add3A_921, %max3A_915 : vector<16xi1>, vector<16xi32>
    %broadcast_in_dim3A_923 = vector.shape_cast %select_n3A_922 : vector<16xi32> to vector<16x1xi32>
    %gather3A_924 = vector.shape_cast %broadcast_in_dim3A_923 : vector<16x1xi32> to vector<16xi32>
    %gather3A_925 = tpu.dynamic_gather %add3A_909[%gather3A_924] in [0] : vector<16xi32>, vector<16xi32> -> vector<16xi32>
    %ge3A_926 = arith.constant 4 : i32
    %ge3A_927 = vector.broadcast %ge3A_926 : i32 to vector<16xi32>
    %ge3A_928 = arith.cmpi sge, %iota3A_863, %ge3A_927 : vector<16xi32>
    %jit3A_929 = arith.constant 0 : i32
    %broadcast_in_dim3A_930 = vector.broadcast %jit3A_929 : i32 to vector<16xi32>
    %select_n3A_931 = arith.select %ge3A_928, %gather3A_925, %broadcast_in_dim3A_930 : vector<16xi1>, vector<16xi32>
    %add3A_932 = arith.addi %add3A_909, %select_n3A_931 : vector<16xi32>
    %sub3A_933 = arith.constant 8 : i32
    %sub3A_934 = vector.broadcast %sub3A_933 : i32 to vector<16xi32>
    %sub3A_935 = arith.subi %iota3A_863, %sub3A_934 : vector<16xi32>
    %max3A_936 = arith.constant 0 : i32
    %max3A_937 = vector.broadcast %max3A_936 : i32 to vector<16xi32>
    %max3A_938 = arith.maxsi %sub3A_935, %max3A_937 : vector<16xi32>
    %lt3A_939 = arith.constant 0 : i32
    %lt3A_940 = vector.broadcast %lt3A_939 : i32 to vector<16xi32>
    %lt3A_941 = arith.cmpi slt, %max3A_938, %lt3A_940 : vector<16xi32>
    %add3A_942 = arith.constant 16 : i32
    %add3A_943 = vector.broadcast %add3A_942 : i32 to vector<16xi32>
    %add3A_944 = arith.addi %max3A_938, %add3A_943 : vector<16xi32>
    %select_n3A_945 = arith.select %lt3A_941, %add3A_944, %max3A_938 : vector<16xi1>, vector<16xi32>
    %broadcast_in_dim3A_946 = vector.shape_cast %select_n3A_945 : vector<16xi32> to vector<16x1xi32>
    %gather3A_947 = vector.shape_cast %broadcast_in_dim3A_946 : vector<16x1xi32> to vector<16xi32>
    %gather3A_948 = tpu.dynamic_gather %add3A_932[%gather3A_947] in [0] : vector<16xi32>, vector<16xi32> -> vector<16xi32>
    %ge3A_949 = arith.constant 8 : i32
    %ge3A_950 = vector.broadcast %ge3A_949 : i32 to vector<16xi32>
    %ge3A_951 = arith.cmpi sge, %iota3A_863, %ge3A_950 : vector<16xi32>
    %jit3A_952 = arith.constant 0 : i32
    %broadcast_in_dim3A_953 = vector.broadcast %jit3A_952 : i32 to vector<16xi32>
    %select_n3A_954 = arith.select %ge3A_951, %gather3A_948, %broadcast_in_dim3A_953 : vector<16xi1>, vector<16xi32>
    %add3A_955 = arith.addi %add3A_932, %select_n3A_954 : vector<16xi32>
    %add3A_956 = arith.addi %add3A_857, %add3A_955 : vector<16xi32>
    %sub3A_957 = arith.constant 1 : i32
    %sub3A_958 = vector.broadcast %sub3A_957 : i32 to vector<16xi32>
    %sub3A_959 = arith.subi %add3A_956, %sub3A_958 : vector<16xi32>
    %add3A_960 = arith.constant 112 : i32
    %add3A_961 = arith.addi %mul3A_2, %add3A_960 : i32
    %iota3A_962 = tpu.iota {dimensions = array<i32: 0>} : vector<16xi32>
    %add3A_963 = vector.broadcast %add3A_961 : i32 to vector<16xi32>
    %add3A_964 = arith.addi %add3A_963, %iota3A_962 : vector<16xi32>
    tpu.vector_store_idx %arg6[%sub3A_959], %add3A_964 masked %gt3A_862 : memref<128xi32, #tpu.memory_space<vmem>>[vector<16xi32>], vector<16xi32>, vector<16xi1>
    %lt3A_965 = arith.constant 0 : i32
    %lt3A_966 = vector.broadcast %lt3A_965 : i32 to vector<16xi32>
    %lt3A_967 = arith.cmpi slt, %broadcast_in_dim3A_39, %lt3A_966 : vector<16xi32>
    %add3A_968 = arith.constant 16 : i32
    %add3A_969 = vector.broadcast %add3A_968 : i32 to vector<16xi32>
    %add3A_970 = arith.addi %broadcast_in_dim3A_39, %add3A_969 : vector<16xi32>
    %select_n3A_971 = arith.select %lt3A_967, %add3A_970, %broadcast_in_dim3A_39 : vector<16xi1>, vector<16xi32>
    %broadcast_in_dim3A_972 = vector.shape_cast %select_n3A_971 : vector<16xi32> to vector<16x1xi32>
    %gather3A_973 = vector.shape_cast %broadcast_in_dim3A_972 : vector<16x1xi32> to vector<16xi32>
    %gather3A_974 = tpu.dynamic_gather %add3A_955[%gather3A_973] in [0] : vector<16xi32>, vector<16xi32> -> vector<16xi32>
    %add3A_975 = arith.addi %add3A_857, %gather3A_974 : vector<16xi32>
    %slice3A = vector.extract_strided_slice %add3A_975 {offsets = [0], sizes = [1], strides = [1]} : vector<16xi32> to vector<1xi32>
    %squeeze3A = vector.extract %slice3A[0] : i32 from vector<1xi32>
    %add3A_976 = arith.constant 8 : i32
    %add3A_977 = arith.addi %squeeze3A, %add3A_976 : i32
    %sub3A_978 = arith.constant 1 : i32
    %sub3A_979 = arith.subi %add3A_977, %sub3A_978 : i32
    %jit3A_980 = arith.constant 8 : i32
    %div3A = arith.divsi %sub3A_979, %jit3A_980 : i32
    %sign3A = arith.constant 0 : i32
    %sign3A_981 = arith.cmpi sgt, %sub3A_979, %sign3A : i32
    %sign3A_982 = arith.extui %sign3A_981 : i1 to i32
    %sign3A_983 = arith.constant 0 : i32
    %sign3A_984 = arith.cmpi slt, %sub3A_979, %sign3A_983 : i32
    %sign3A_985 = arith.extui %sign3A_984 : i1 to i32
    %sign3A_986 = arith.subi %sign3A_982, %sign3A_985 : i32
    %sign3A_987 = arith.constant 0 : i32
    %sign3A_988 = arith.cmpi sgt, %jit3A_980, %sign3A_987 : i32
    %sign3A_989 = arith.extui %sign3A_988 : i1 to i32
    %sign3A_990 = arith.constant 0 : i32
    %sign3A_991 = arith.cmpi slt, %jit3A_980, %sign3A_990 : i32
    %sign3A_992 = arith.extui %sign3A_991 : i1 to i32
    %sign3A_993 = arith.subi %sign3A_989, %sign3A_992 : i32
    %ne3A = arith.cmpi ne, %sign3A_986, %sign3A_993 : i32
    %rem3A = arith.remsi %sub3A_979, %jit3A_980 : i32
    %ne3A_994 = arith.constant 0 : i32
    %ne3A_995 = arith.cmpi ne, %rem3A, %ne3A_994 : i32
    %and3A = arith.andi %ne3A, %ne3A_995 : i1
    %sub3A_996 = arith.constant 1 : i32
    %sub3A_997 = arith.subi %div3A, %sub3A_996 : i32
    %select_n3A_998 = arith.select %and3A, %sub3A_997, %div3A : i32
    %add3A_999 = arith.constant 1 : i32
    %add3A_1000 = arith.addi %select_n3A_998, %add3A_999 : i32
    %jit3A_1001 = arith.constant 2 : i32
    %div3A_1002 = arith.divsi %add3A_1000, %jit3A_1001 : i32
    %sign3A_1003 = arith.constant 0 : i32
    %sign3A_1004 = arith.cmpi sgt, %add3A_1000, %sign3A_1003 : i32
    %sign3A_1005 = arith.extui %sign3A_1004 : i1 to i32
    %sign3A_1006 = arith.constant 0 : i32
    %sign3A_1007 = arith.cmpi slt, %add3A_1000, %sign3A_1006 : i32
    %sign3A_1008 = arith.extui %sign3A_1007 : i1 to i32
    %sign3A_1009 = arith.subi %sign3A_1005, %sign3A_1008 : i32
    %sign3A_1010 = arith.constant 0 : i32
    %sign3A_1011 = arith.cmpi sgt, %jit3A_1001, %sign3A_1010 : i32
    %sign3A_1012 = arith.extui %sign3A_1011 : i1 to i32
    %sign3A_1013 = arith.constant 0 : i32
    %sign3A_1014 = arith.cmpi slt, %jit3A_1001, %sign3A_1013 : i32
    %sign3A_1015 = arith.extui %sign3A_1014 : i1 to i32
    %sign3A_1016 = arith.subi %sign3A_1012, %sign3A_1015 : i32
    %ne3A_1017 = arith.cmpi ne, %sign3A_1009, %sign3A_1016 : i32
    %rem3A_1018 = arith.remsi %add3A_1000, %jit3A_1001 : i32
    %ne3A_1019 = arith.constant 0 : i32
    %ne3A_1020 = arith.cmpi ne, %rem3A_1018, %ne3A_1019 : i32
    %and3A_1021 = arith.andi %ne3A_1017, %ne3A_1020 : i1
    %sub3A_1022 = arith.constant 1 : i32
    %sub3A_1023 = arith.subi %div3A_1002, %sub3A_1022 : i32
    %select_n3A_1024 = arith.select %and3A_1021, %sub3A_1023, %div3A_1002 : i32
    %gt3A_1025 = arith.constant 0 : i32
    %gt3A_1026 = arith.cmpi sgt, %select_n3A_998, %gt3A_1025 : i32
    %convert_element_type3A = arith.extui %gt3A_1026 : i1 to i32
    %cond3A = arith.constant 0 : i32
    %cond3A_1027 = arith.cmpi ne, %convert_element_type3A, %cond3A : i32
    scf.if %cond3A_1027 {
      %multiple_of3A = arith.constant 0 : i32
      %multiple_of3A_1037 = tpu.assume_multiple %multiple_of3A, 8 : i32
      %dma_start3A = tpu.memref_slice %arg6[%multiple_of3A_1037] : memref<128xi32, #tpu.memory_space<vmem>> -> memref<8xi32, #tpu.memory_space<vmem>>
      %dma_start3A_1038 = arith.constant 0 : i32
      %dma_start3A_1039 = arith.constant 0 : i32
      %dma_start3A_1040 = tpu.memref_slice %arg3[%dma_start3A_1038, %dma_start3A_1039] : memref<4096x4096xf32, #tpu.memory_space<hbm>> -> memref<4096x4096xf32, #tpu.memory_space<hbm>>
      tpu.enqueue_indirect_dma source(%dma_start3A_1040 : memref<4096x4096xf32, #tpu.memory_space<hbm>>) target(%arg7 : memref<8x4096xf32, #tpu.memory_space<vmem>>) offsets(%dma_start3A : memref<8xi32, #tpu.memory_space<vmem>>) semaphore(%arg10 : memref<!tpu.dma_semaphore, #tpu.memory_space<semaphore_mem>>)
    } else {
    }
    %while3A = arith.constant 0 : i32
    %while3A_1028 = arith.constant 0 : i32
    %while3A_1029 = arith.subi %select_n3A_1024, %while3A_1028 : i32
    %while3A_1030 = arith.addi %while3A_1028, %while3A_1029 : i32
    %while3A_1031 = arith.constant 1 : i32
    %while3A_1032 = arith.divsi %while3A_1029, %while3A_1031 : i32
    %while3A_1033 = arith.muli %while3A_1032, %while3A_1031 : i32
    %while3A_1034 = arith.addi %while3A_1028, %while3A_1033 : i32
    %while3A_1035 = arith.constant 1 : i32
    scf.for %while3A_1037 = %while3A_1028 to %while3A_1034 step %while3A_1035  : i32 {
      %mul3A_1038 = arith.constant 2 : i32
      %mul3A_1039 = arith.muli %while3A_1037, %mul3A_1038 : i32
      %add3A_1040 = arith.constant 1 : i32
      %add3A_1041 = arith.addi %mul3A_1039, %add3A_1040 : i32
      %lt3A_1042 = arith.cmpi slt, %add3A_1041, %select_n3A_998 : i32
      %convert_element_type3A_1043 = arith.extui %lt3A_1042 : i1 to i32
      %cond3A_1044 = arith.constant 0 : i32
      %cond3A_1045 = arith.cmpi ne, %convert_element_type3A_1043, %cond3A_1044 : i32
      scf.if %cond3A_1045 {
        %add3A_1111 = arith.constant 1 : i32
        %add3A_1112 = arith.addi %mul3A_1039, %add3A_1111 : i32
        %mul3A_1113 = arith.constant 8 : i32
        %mul3A_1114 = arith.muli %add3A_1112, %mul3A_1113 : i32
        %multiple_of3A_1115 = tpu.assume_multiple %mul3A_1114, 8 : i32
        %dma_start3A = tpu.memref_slice %arg6[%multiple_of3A_1115] : memref<128xi32, #tpu.memory_space<vmem>> -> memref<8xi32, #tpu.memory_space<vmem>>
        %dma_start3A_1116 = arith.constant 0 : i32
        %dma_start3A_1117 = arith.constant 0 : i32
        %dma_start3A_1118 = tpu.memref_slice %arg3[%dma_start3A_1116, %dma_start3A_1117] : memref<4096x4096xf32, #tpu.memory_space<hbm>> -> memref<4096x4096xf32, #tpu.memory_space<hbm>>
        tpu.enqueue_indirect_dma source(%dma_start3A_1118 : memref<4096x4096xf32, #tpu.memory_space<hbm>>) target(%arg8 : memref<8x4096xf32, #tpu.memory_space<vmem>>) offsets(%dma_start3A : memref<8xi32, #tpu.memory_space<vmem>>) semaphore(%arg11 : memref<!tpu.dma_semaphore, #tpu.memory_space<semaphore_mem>>)
      } else {
      }
      %mul3A_1046 = arith.constant 8 : i32
      %mul3A_1047 = arith.muli %mul3A_1039, %mul3A_1046 : i32
      %multiple_of3A = tpu.assume_multiple %mul3A_1047, 8 : i32
      %dma_wait3A = tpu.memref_slice %arg6[%multiple_of3A] : memref<128xi32, #tpu.memory_space<vmem>> -> memref<8xi32, #tpu.memory_space<vmem>>
      %dma_wait3A_1048 = arith.constant 0 : i32
      %dma_wait3A_1049 = arith.constant 0 : i32
      %dma_wait3A_1050 = tpu.memref_slice %arg3[%dma_wait3A_1048, %dma_wait3A_1049] : memref<4096x4096xf32, #tpu.memory_space<hbm>> -> memref<4096x4096xf32, #tpu.memory_space<hbm>>
      tpu.wait_indirect_dma semaphore(%arg10 : memref<!tpu.dma_semaphore, #tpu.memory_space<semaphore_mem>>) src(%dma_wait3A_1050 : memref<4096x4096xf32, #tpu.memory_space<hbm>>) dst(%arg7 : memref<8x4096xf32, #tpu.memory_space<vmem>>)
      %mul3A_1051 = arith.constant 8 : i32
      %mul3A_1052 = arith.muli %mul3A_1039, %mul3A_1051 : i32
      %add3A_1053 = arith.constant 0 : i32
      %add3A_1054 = arith.addi %mul3A_1052, %add3A_1053 : i32
      %lt3A_1055 = arith.cmpi slt, %add3A_1054, %squeeze3A : i32
      %convert_element_type3A_1056 = arith.extui %lt3A_1055 : i1 to i32
      %convert_element_type3A_1057 = arith.sitofp %convert_element_type3A_1056 : i32 to f32
      %add3A_1058 = arith.constant 1 : i32
      %add3A_1059 = arith.addi %mul3A_1052, %add3A_1058 : i32
      %lt3A_1060 = arith.cmpi slt, %add3A_1059, %squeeze3A : i32
      %convert_element_type3A_1061 = arith.extui %lt3A_1060 : i1 to i32
      %convert_element_type3A_1062 = arith.sitofp %convert_element_type3A_1061 : i32 to f32
      %add3A_1063 = arith.constant 2 : i32
      %add3A_1064 = arith.addi %mul3A_1052, %add3A_1063 : i32
      %lt3A_1065 = arith.cmpi slt, %add3A_1064, %squeeze3A : i32
      %convert_element_type3A_1066 = arith.extui %lt3A_1065 : i1 to i32
      %convert_element_type3A_1067 = arith.sitofp %convert_element_type3A_1066 : i32 to f32
      %add3A_1068 = arith.constant 3 : i32
      %add3A_1069 = arith.addi %mul3A_1052, %add3A_1068 : i32
      %lt3A_1070 = arith.cmpi slt, %add3A_1069, %squeeze3A : i32
      %convert_element_type3A_1071 = arith.extui %lt3A_1070 : i1 to i32
      %convert_element_type3A_1072 = arith.sitofp %convert_element_type3A_1071 : i32 to f32
      %add3A_1073 = arith.constant 4 : i32
      %add3A_1074 = arith.addi %mul3A_1052, %add3A_1073 : i32
      %lt3A_1075 = arith.cmpi slt, %add3A_1074, %squeeze3A : i32
      %convert_element_type3A_1076 = arith.extui %lt3A_1075 : i1 to i32
      %convert_element_type3A_1077 = arith.sitofp %convert_element_type3A_1076 : i32 to f32
      %add3A_1078 = arith.constant 5 : i32
      %add3A_1079 = arith.addi %mul3A_1052, %add3A_1078 : i32
      %lt3A_1080 = arith.cmpi slt, %add3A_1079, %squeeze3A : i32
      %convert_element_type3A_1081 = arith.extui %lt3A_1080 : i1 to i32
      %convert_element_type3A_1082 = arith.sitofp %convert_element_type3A_1081 : i32 to f32
      %add3A_1083 = arith.constant 6 : i32
      %add3A_1084 = arith.addi %mul3A_1052, %add3A_1083 : i32
      %lt3A_1085 = arith.cmpi slt, %add3A_1084, %squeeze3A : i32
      %convert_element_type3A_1086 = arith.extui %lt3A_1085 : i1 to i32
      %convert_element_type3A_1087 = arith.sitofp %convert_element_type3A_1086 : i32 to f32
      %add3A_1088 = arith.constant 7 : i32
      %add3A_1089 = arith.addi %mul3A_1052, %add3A_1088 : i32
      %lt3A_1090 = arith.cmpi slt, %add3A_1089, %squeeze3A : i32
      %convert_element_type3A_1091 = arith.extui %lt3A_1090 : i1 to i32
      %convert_element_type3A_1092 = arith.sitofp %convert_element_type3A_1091 : i32 to f32
      %scan3A_1093 = arith.constant 0 : i32
      %scan3A_1094 = arith.constant 0 : i32
      %scan3A_1095 = arith.constant 256 : i32
      %scan3A_1096 = arith.addi %scan3A_1094, %scan3A_1095 : i32
      %scan3A_1097 = arith.constant 1 : i32
      scf.for %scan3A_1111 = %scan3A_1094 to %scan3A_1096 step %scan3A_1097  : i32 {
        %mul3A_1112 = arith.constant 16 : i32
        %mul3A_1113 = arith.muli %scan3A_1111, %mul3A_1112 : i32
        %multiple_of3A_1114 = tpu.assume_multiple %mul3A_1113, 16 : i32
        %get3A_1115 = arith.index_cast %multiple_of3A_1114 : i32 to index
        %get3A_1116 = tpu.vector_load %arg9[%get3A_1115] {strides = array<i32>} : memref<4096xf32, #tpu.memory_space<vmem>>, vector<16xf32>,
        %get3A_1117 = arith.constant 0 : i32
        %get3A_1118 = arith.index_cast %get3A_1117 : i32 to index
        %get3A_1119 = arith.index_cast %multiple_of3A_1114 : i32 to index
        %get3A_1120 = tpu.vector_load %arg7[%get3A_1118, %get3A_1119] {strides = array<i32>} : memref<8x4096xf32, #tpu.memory_space<vmem>>, vector<16xf32>,
        %bitcast_convert_type3A = tpu.bitcast %get3A_1120 : vector<16xf32> -> vector<16xi32>
        %shift_right_logical3A = arith.constant 16 : i32
        %shift_right_logical3A_1121 = vector.broadcast %shift_right_logical3A : i32 to vector<16xi32>
        %shift_right_logical3A_1122 = arith.shrui %bitcast_convert_type3A, %shift_right_logical3A_1121 : vector<16xi32>
        %and3A_1123 = arith.constant 1 : i32
        %and3A_1124 = vector.broadcast %and3A_1123 : i32 to vector<16xi32>
        %and3A_1125 = arith.andi %shift_right_logical3A_1122, %and3A_1124 : vector<16xi32>
        %add3A_1126 = arith.constant 32767 : i32
        %add3A_1127 = vector.broadcast %add3A_1126 : i32 to vector<16xi32>
        %add3A_1128 = arith.addi %add3A_1127, %and3A_1125 : vector<16xi32>
        %add3A_1129 = arith.addi %bitcast_convert_type3A, %add3A_1128 : vector<16xi32>
        %and3A_1130 = arith.constant -65536 : i32
        %and3A_1131 = vector.broadcast %and3A_1130 : i32 to vector<16xi32>
        %and3A_1132 = arith.andi %add3A_1129, %and3A_1131 : vector<16xi32>
        %bitcast_convert_type3A_1133 = tpu.bitcast %and3A_1132 : vector<16xi32> -> vector<16xf32>
        %mul3A_1134 = vector.broadcast %convert_element_type3A_1057 : f32 to vector<16xf32>
        %mul3A_1135 = arith.mulf %bitcast_convert_type3A_1133, %mul3A_1134 : vector<16xf32>
        %add3A_1136 = arith.addf %get3A_1116, %mul3A_1135 : vector<16xf32>
        %get3A_1137 = arith.constant 1 : i32
        %get3A_1138 = arith.index_cast %get3A_1137 : i32 to index
        %get3A_1139 = arith.index_cast %multiple_of3A_1114 : i32 to index
        %get3A_1140 = tpu.vector_load %arg7[%get3A_1138, %get3A_1139] {strides = array<i32>} : memref<8x4096xf32, #tpu.memory_space<vmem>>, vector<16xf32>,
        %bitcast_convert_type3A_1141 = tpu.bitcast %get3A_1140 : vector<16xf32> -> vector<16xi32>
        %shift_right_logical3A_1142 = arith.constant 16 : i32
        %shift_right_logical3A_1143 = vector.broadcast %shift_right_logical3A_1142 : i32 to vector<16xi32>
        %shift_right_logical3A_1144 = arith.shrui %bitcast_convert_type3A_1141, %shift_right_logical3A_1143 : vector<16xi32>
        %and3A_1145 = arith.constant 1 : i32
        %and3A_1146 = vector.broadcast %and3A_1145 : i32 to vector<16xi32>
        %and3A_1147 = arith.andi %shift_right_logical3A_1144, %and3A_1146 : vector<16xi32>
        %add3A_1148 = arith.constant 32767 : i32
        %add3A_1149 = vector.broadcast %add3A_1148 : i32 to vector<16xi32>
        %add3A_1150 = arith.addi %add3A_1149, %and3A_1147 : vector<16xi32>
        %add3A_1151 = arith.addi %bitcast_convert_type3A_1141, %add3A_1150 : vector<16xi32>
        %and3A_1152 = arith.constant -65536 : i32
        %and3A_1153 = vector.broadcast %and3A_1152 : i32 to vector<16xi32>
        %and3A_1154 = arith.andi %add3A_1151, %and3A_1153 : vector<16xi32>
        %bitcast_convert_type3A_1155 = tpu.bitcast %and3A_1154 : vector<16xi32> -> vector<16xf32>
        %mul3A_1156 = vector.broadcast %convert_element_type3A_1062 : f32 to vector<16xf32>
        %mul3A_1157 = arith.mulf %bitcast_convert_type3A_1155, %mul3A_1156 : vector<16xf32>
        %add3A_1158 = arith.addf %add3A_1136, %mul3A_1157 : vector<16xf32>
        %get3A_1159 = arith.constant 2 : i32
        %get3A_1160 = arith.index_cast %get3A_1159 : i32 to index
        %get3A_1161 = arith.index_cast %multiple_of3A_1114 : i32 to index
        %get3A_1162 = tpu.vector_load %arg7[%get3A_1160, %get3A_1161] {strides = array<i32>} : memref<8x4096xf32, #tpu.memory_space<vmem>>, vector<16xf32>,
        %bitcast_convert_type3A_1163 = tpu.bitcast %get3A_1162 : vector<16xf32> -> vector<16xi32>
        %shift_right_logical3A_1164 = arith.constant 16 : i32
        %shift_right_logical3A_1165 = vector.broadcast %shift_right_logical3A_1164 : i32 to vector<16xi32>
        %shift_right_logical3A_1166 = arith.shrui %bitcast_convert_type3A_1163, %shift_right_logical3A_1165 : vector<16xi32>
        %and3A_1167 = arith.constant 1 : i32
        %and3A_1168 = vector.broadcast %and3A_1167 : i32 to vector<16xi32>
        %and3A_1169 = arith.andi %shift_right_logical3A_1166, %and3A_1168 : vector<16xi32>
        %add3A_1170 = arith.constant 32767 : i32
        %add3A_1171 = vector.broadcast %add3A_1170 : i32 to vector<16xi32>
        %add3A_1172 = arith.addi %add3A_1171, %and3A_1169 : vector<16xi32>
        %add3A_1173 = arith.addi %bitcast_convert_type3A_1163, %add3A_1172 : vector<16xi32>
        %and3A_1174 = arith.constant -65536 : i32
        %and3A_1175 = vector.broadcast %and3A_1174 : i32 to vector<16xi32>
        %and3A_1176 = arith.andi %add3A_1173, %and3A_1175 : vector<16xi32>
        %bitcast_convert_type3A_1177 = tpu.bitcast %and3A_1176 : vector<16xi32> -> vector<16xf32>
        %mul3A_1178 = vector.broadcast %convert_element_type3A_1067 : f32 to vector<16xf32>
        %mul3A_1179 = arith.mulf %bitcast_convert_type3A_1177, %mul3A_1178 : vector<16xf32>
        %add3A_1180 = arith.addf %add3A_1158, %mul3A_1179 : vector<16xf32>
        %get3A_1181 = arith.constant 3 : i32
        %get3A_1182 = arith.index_cast %get3A_1181 : i32 to index
        %get3A_1183 = arith.index_cast %multiple_of3A_1114 : i32 to index
        %get3A_1184 = tpu.vector_load %arg7[%get3A_1182, %get3A_1183] {strides = array<i32>} : memref<8x4096xf32, #tpu.memory_space<vmem>>, vector<16xf32>,
        %bitcast_convert_type3A_1185 = tpu.bitcast %get3A_1184 : vector<16xf32> -> vector<16xi32>
        %shift_right_logical3A_1186 = arith.constant 16 : i32
        %shift_right_logical3A_1187 = vector.broadcast %shift_right_logical3A_1186 : i32 to vector<16xi32>
        %shift_right_logical3A_1188 = arith.shrui %bitcast_convert_type3A_1185, %shift_right_logical3A_1187 : vector<16xi32>
        %and3A_1189 = arith.constant 1 : i32
        %and3A_1190 = vector.broadcast %and3A_1189 : i32 to vector<16xi32>
        %and3A_1191 = arith.andi %shift_right_logical3A_1188, %and3A_1190 : vector<16xi32>
        %add3A_1192 = arith.constant 32767 : i32
        %add3A_1193 = vector.broadcast %add3A_1192 : i32 to vector<16xi32>
        %add3A_1194 = arith.addi %add3A_1193, %and3A_1191 : vector<16xi32>
        %add3A_1195 = arith.addi %bitcast_convert_type3A_1185, %add3A_1194 : vector<16xi32>
        %and3A_1196 = arith.constant -65536 : i32
        %and3A_1197 = vector.broadcast %and3A_1196 : i32 to vector<16xi32>
        %and3A_1198 = arith.andi %add3A_1195, %and3A_1197 : vector<16xi32>
        %bitcast_convert_type3A_1199 = tpu.bitcast %and3A_1198 : vector<16xi32> -> vector<16xf32>
        %mul3A_1200 = vector.broadcast %convert_element_type3A_1072 : f32 to vector<16xf32>
        %mul3A_1201 = arith.mulf %bitcast_convert_type3A_1199, %mul3A_1200 : vector<16xf32>
        %add3A_1202 = arith.addf %add3A_1180, %mul3A_1201 : vector<16xf32>
        %get3A_1203 = arith.constant 4 : i32
        %get3A_1204 = arith.index_cast %get3A_1203 : i32 to index
        %get3A_1205 = arith.index_cast %multiple_of3A_1114 : i32 to index
        %get3A_1206 = tpu.vector_load %arg7[%get3A_1204, %get3A_1205] {strides = array<i32>} : memref<8x4096xf32, #tpu.memory_space<vmem>>, vector<16xf32>,
        %bitcast_convert_type3A_1207 = tpu.bitcast %get3A_1206 : vector<16xf32> -> vector<16xi32>
        %shift_right_logical3A_1208 = arith.constant 16 : i32
        %shift_right_logical3A_1209 = vector.broadcast %shift_right_logical3A_1208 : i32 to vector<16xi32>
        %shift_right_logical3A_1210 = arith.shrui %bitcast_convert_type3A_1207, %shift_right_logical3A_1209 : vector<16xi32>
        %and3A_1211 = arith.constant 1 : i32
        %and3A_1212 = vector.broadcast %and3A_1211 : i32 to vector<16xi32>
        %and3A_1213 = arith.andi %shift_right_logical3A_1210, %and3A_1212 : vector<16xi32>
        %add3A_1214 = arith.constant 32767 : i32
        %add3A_1215 = vector.broadcast %add3A_1214 : i32 to vector<16xi32>
        %add3A_1216 = arith.addi %add3A_1215, %and3A_1213 : vector<16xi32>
        %add3A_1217 = arith.addi %bitcast_convert_type3A_1207, %add3A_1216 : vector<16xi32>
        %and3A_1218 = arith.constant -65536 : i32
        %and3A_1219 = vector.broadcast %and3A_1218 : i32 to vector<16xi32>
        %and3A_1220 = arith.andi %add3A_1217, %and3A_1219 : vector<16xi32>
        %bitcast_convert_type3A_1221 = tpu.bitcast %and3A_1220 : vector<16xi32> -> vector<16xf32>
        %mul3A_1222 = vector.broadcast %convert_element_type3A_1077 : f32 to vector<16xf32>
        %mul3A_1223 = arith.mulf %bitcast_convert_type3A_1221, %mul3A_1222 : vector<16xf32>
        %add3A_1224 = arith.addf %add3A_1202, %mul3A_1223 : vector<16xf32>
        %get3A_1225 = arith.constant 5 : i32
        %get3A_1226 = arith.index_cast %get3A_1225 : i32 to index
        %get3A_1227 = arith.index_cast %multiple_of3A_1114 : i32 to index
        %get3A_1228 = tpu.vector_load %arg7[%get3A_1226, %get3A_1227] {strides = array<i32>} : memref<8x4096xf32, #tpu.memory_space<vmem>>, vector<16xf32>,
        %bitcast_convert_type3A_1229 = tpu.bitcast %get3A_1228 : vector<16xf32> -> vector<16xi32>
        %shift_right_logical3A_1230 = arith.constant 16 : i32
        %shift_right_logical3A_1231 = vector.broadcast %shift_right_logical3A_1230 : i32 to vector<16xi32>
        %shift_right_logical3A_1232 = arith.shrui %bitcast_convert_type3A_1229, %shift_right_logical3A_1231 : vector<16xi32>
        %and3A_1233 = arith.constant 1 : i32
        %and3A_1234 = vector.broadcast %and3A_1233 : i32 to vector<16xi32>
        %and3A_1235 = arith.andi %shift_right_logical3A_1232, %and3A_1234 : vector<16xi32>
        %add3A_1236 = arith.constant 32767 : i32
        %add3A_1237 = vector.broadcast %add3A_1236 : i32 to vector<16xi32>
        %add3A_1238 = arith.addi %add3A_1237, %and3A_1235 : vector<16xi32>
        %add3A_1239 = arith.addi %bitcast_convert_type3A_1229, %add3A_1238 : vector<16xi32>
        %and3A_1240 = arith.constant -65536 : i32
        %and3A_1241 = vector.broadcast %and3A_1240 : i32 to vector<16xi32>
        %and3A_1242 = arith.andi %add3A_1239, %and3A_1241 : vector<16xi32>
        %bitcast_convert_type3A_1243 = tpu.bitcast %and3A_1242 : vector<16xi32> -> vector<16xf32>
        %mul3A_1244 = vector.broadcast %convert_element_type3A_1082 : f32 to vector<16xf32>
        %mul3A_1245 = arith.mulf %bitcast_convert_type3A_1243, %mul3A_1244 : vector<16xf32>
        %add3A_1246 = arith.addf %add3A_1224, %mul3A_1245 : vector<16xf32>
        %get3A_1247 = arith.constant 6 : i32
        %get3A_1248 = arith.index_cast %get3A_1247 : i32 to index
        %get3A_1249 = arith.index_cast %multiple_of3A_1114 : i32 to index
        %get3A_1250 = tpu.vector_load %arg7[%get3A_1248, %get3A_1249] {strides = array<i32>} : memref<8x4096xf32, #tpu.memory_space<vmem>>, vector<16xf32>,
        %bitcast_convert_type3A_1251 = tpu.bitcast %get3A_1250 : vector<16xf32> -> vector<16xi32>
        %shift_right_logical3A_1252 = arith.constant 16 : i32
        %shift_right_logical3A_1253 = vector.broadcast %shift_right_logical3A_1252 : i32 to vector<16xi32>
        %shift_right_logical3A_1254 = arith.shrui %bitcast_convert_type3A_1251, %shift_right_logical3A_1253 : vector<16xi32>
        %and3A_1255 = arith.constant 1 : i32
        %and3A_1256 = vector.broadcast %and3A_1255 : i32 to vector<16xi32>
        %and3A_1257 = arith.andi %shift_right_logical3A_1254, %and3A_1256 : vector<16xi32>
        %add3A_1258 = arith.constant 32767 : i32
        %add3A_1259 = vector.broadcast %add3A_1258 : i32 to vector<16xi32>
        %add3A_1260 = arith.addi %add3A_1259, %and3A_1257 : vector<16xi32>
        %add3A_1261 = arith.addi %bitcast_convert_type3A_1251, %add3A_1260 : vector<16xi32>
        %and3A_1262 = arith.constant -65536 : i32
        %and3A_1263 = vector.broadcast %and3A_1262 : i32 to vector<16xi32>
        %and3A_1264 = arith.andi %add3A_1261, %and3A_1263 : vector<16xi32>
        %bitcast_convert_type3A_1265 = tpu.bitcast %and3A_1264 : vector<16xi32> -> vector<16xf32>
        %mul3A_1266 = vector.broadcast %convert_element_type3A_1087 : f32 to vector<16xf32>
        %mul3A_1267 = arith.mulf %bitcast_convert_type3A_1265, %mul3A_1266 : vector<16xf32>
        %add3A_1268 = arith.addf %add3A_1246, %mul3A_1267 : vector<16xf32>
        %get3A_1269 = arith.constant 7 : i32
        %get3A_1270 = arith.index_cast %get3A_1269 : i32 to index
        %get3A_1271 = arith.index_cast %multiple_of3A_1114 : i32 to index
        %get3A_1272 = tpu.vector_load %arg7[%get3A_1270, %get3A_1271] {strides = array<i32>} : memref<8x4096xf32, #tpu.memory_space<vmem>>, vector<16xf32>,
        %bitcast_convert_type3A_1273 = tpu.bitcast %get3A_1272 : vector<16xf32> -> vector<16xi32>
        %shift_right_logical3A_1274 = arith.constant 16 : i32
        %shift_right_logical3A_1275 = vector.broadcast %shift_right_logical3A_1274 : i32 to vector<16xi32>
        %shift_right_logical3A_1276 = arith.shrui %bitcast_convert_type3A_1273, %shift_right_logical3A_1275 : vector<16xi32>
        %and3A_1277 = arith.constant 1 : i32
        %and3A_1278 = vector.broadcast %and3A_1277 : i32 to vector<16xi32>
        %and3A_1279 = arith.andi %shift_right_logical3A_1276, %and3A_1278 : vector<16xi32>
        %add3A_1280 = arith.constant 32767 : i32
        %add3A_1281 = vector.broadcast %add3A_1280 : i32 to vector<16xi32>
        %add3A_1282 = arith.addi %add3A_1281, %and3A_1279 : vector<16xi32>
        %add3A_1283 = arith.addi %bitcast_convert_type3A_1273, %add3A_1282 : vector<16xi32>
        %and3A_1284 = arith.constant -65536 : i32
        %and3A_1285 = vector.broadcast %and3A_1284 : i32 to vector<16xi32>
        %and3A_1286 = arith.andi %add3A_1283, %and3A_1285 : vector<16xi32>
        %bitcast_convert_type3A_1287 = tpu.bitcast %and3A_1286 : vector<16xi32> -> vector<16xf32>
        %mul3A_1288 = vector.broadcast %convert_element_type3A_1092 : f32 to vector<16xf32>
        %mul3A_1289 = arith.mulf %bitcast_convert_type3A_1287, %mul3A_1288 : vector<16xf32>
        %add3A_1290 = arith.addf %add3A_1268, %mul3A_1289 : vector<16xf32>
        %swap3A_1291 = arith.index_cast %multiple_of3A_1114 : i32 to index
        %swap3A_1292 = tpu.vector_load %arg9[%swap3A_1291] {strides = array<i32>} : memref<4096xf32, #tpu.memory_space<vmem>>, vector<16xf32>,
        tpu.vector_store %arg9[%swap3A_1291], %add3A_1290 {strides = array<i32>} : memref<4096xf32, #tpu.memory_space<vmem>>, vector<16xf32>,
      }
      %scan3A_1098 = arith.constant 256 : i32
      %add3A_1099 = arith.constant 2 : i32
      %add3A_1100 = arith.addi %mul3A_1039, %add3A_1099 : i32
      %lt3A_1101 = arith.cmpi slt, %add3A_1100, %select_n3A_998 : i32
      %convert_element_type3A_1102 = arith.extui %lt3A_1101 : i1 to i32
      %cond3A_1103 = arith.constant 0 : i32
      %cond3A_1104 = arith.cmpi ne, %convert_element_type3A_1102, %cond3A_1103 : i32
      scf.if %cond3A_1104 {
        %add3A_1111 = arith.constant 2 : i32
        %add3A_1112 = arith.addi %mul3A_1039, %add3A_1111 : i32
        %mul3A_1113 = arith.constant 8 : i32
        %mul3A_1114 = arith.muli %add3A_1112, %mul3A_1113 : i32
        %multiple_of3A_1115 = tpu.assume_multiple %mul3A_1114, 8 : i32
        %dma_start3A = tpu.memref_slice %arg6[%multiple_of3A_1115] : memref<128xi32, #tpu.memory_space<vmem>> -> memref<8xi32, #tpu.memory_space<vmem>>
        %dma_start3A_1116 = arith.constant 0 : i32
        %dma_start3A_1117 = arith.constant 0 : i32
        %dma_start3A_1118 = tpu.memref_slice %arg3[%dma_start3A_1116, %dma_start3A_1117] : memref<4096x4096xf32, #tpu.memory_space<hbm>> -> memref<4096x4096xf32, #tpu.memory_space<hbm>>
        tpu.enqueue_indirect_dma source(%dma_start3A_1118 : memref<4096x4096xf32, #tpu.memory_space<hbm>>) target(%arg7 : memref<8x4096xf32, #tpu.memory_space<vmem>>) offsets(%dma_start3A : memref<8xi32, #tpu.memory_space<vmem>>) semaphore(%arg10 : memref<!tpu.dma_semaphore, #tpu.memory_space<semaphore_mem>>)
      } else {
      }
      %add3A_1105 = arith.constant 1 : i32
      %add3A_1106 = arith.addi %mul3A_1039, %add3A_1105 : i32
      %lt3A_1107 = arith.cmpi slt, %add3A_1106, %select_n3A_998 : i32
      %convert_element_type3A_1108 = arith.extui %lt3A_1107 : i1 to i32
      %cond3A_1109 = arith.constant 0 : i32
      %cond3A_1110 = arith.cmpi ne, %convert_element_type3A_1108, %cond3A_1109 : i32
      scf.if %cond3A_1110 {
        %add3A_1111 = arith.constant 1 : i32
        %add3A_1112 = arith.addi %mul3A_1039, %add3A_1111 : i32
        %mul3A_1113 = arith.constant 8 : i32
        %mul3A_1114 = arith.muli %add3A_1112, %mul3A_1113 : i32
        %multiple_of3A_1115 = tpu.assume_multiple %mul3A_1114, 8 : i32
        %dma_wait3A_1116 = tpu.memref_slice %arg6[%multiple_of3A_1115] : memref<128xi32, #tpu.memory_space<vmem>> -> memref<8xi32, #tpu.memory_space<vmem>>
        %dma_wait3A_1117 = arith.constant 0 : i32
        %dma_wait3A_1118 = arith.constant 0 : i32
        %dma_wait3A_1119 = tpu.memref_slice %arg3[%dma_wait3A_1117, %dma_wait3A_1118] : memref<4096x4096xf32, #tpu.memory_space<hbm>> -> memref<4096x4096xf32, #tpu.memory_space<hbm>>
        tpu.wait_indirect_dma semaphore(%arg11 : memref<!tpu.dma_semaphore, #tpu.memory_space<semaphore_mem>>) src(%dma_wait3A_1119 : memref<4096x4096xf32, #tpu.memory_space<hbm>>) dst(%arg8 : memref<8x4096xf32, #tpu.memory_space<vmem>>)
        %add3A_1120 = arith.constant 1 : i32
        %add3A_1121 = arith.addi %mul3A_1039, %add3A_1120 : i32
        %mul3A_1122 = arith.constant 8 : i32
        %mul3A_1123 = arith.muli %add3A_1121, %mul3A_1122 : i32
        %add3A_1124 = arith.constant 0 : i32
        %add3A_1125 = arith.addi %mul3A_1123, %add3A_1124 : i32
        %lt3A_1126 = arith.cmpi slt, %add3A_1125, %squeeze3A : i32
        %convert_element_type3A_1127 = arith.extui %lt3A_1126 : i1 to i32
        %convert_element_type3A_1128 = arith.sitofp %convert_element_type3A_1127 : i32 to f32
        %add3A_1129 = arith.constant 1 : i32
        %add3A_1130 = arith.addi %mul3A_1123, %add3A_1129 : i32
        %lt3A_1131 = arith.cmpi slt, %add3A_1130, %squeeze3A : i32
        %convert_element_type3A_1132 = arith.extui %lt3A_1131 : i1 to i32
        %convert_element_type3A_1133 = arith.sitofp %convert_element_type3A_1132 : i32 to f32
        %add3A_1134 = arith.constant 2 : i32
        %add3A_1135 = arith.addi %mul3A_1123, %add3A_1134 : i32
        %lt3A_1136 = arith.cmpi slt, %add3A_1135, %squeeze3A : i32
        %convert_element_type3A_1137 = arith.extui %lt3A_1136 : i1 to i32
        %convert_element_type3A_1138 = arith.sitofp %convert_element_type3A_1137 : i32 to f32
        %add3A_1139 = arith.constant 3 : i32
        %add3A_1140 = arith.addi %mul3A_1123, %add3A_1139 : i32
        %lt3A_1141 = arith.cmpi slt, %add3A_1140, %squeeze3A : i32
        %convert_element_type3A_1142 = arith.extui %lt3A_1141 : i1 to i32
        %convert_element_type3A_1143 = arith.sitofp %convert_element_type3A_1142 : i32 to f32
        %add3A_1144 = arith.constant 4 : i32
        %add3A_1145 = arith.addi %mul3A_1123, %add3A_1144 : i32
        %lt3A_1146 = arith.cmpi slt, %add3A_1145, %squeeze3A : i32
        %convert_element_type3A_1147 = arith.extui %lt3A_1146 : i1 to i32
        %convert_element_type3A_1148 = arith.sitofp %convert_element_type3A_1147 : i32 to f32
        %add3A_1149 = arith.constant 5 : i32
        %add3A_1150 = arith.addi %mul3A_1123, %add3A_1149 : i32
        %lt3A_1151 = arith.cmpi slt, %add3A_1150, %squeeze3A : i32
        %convert_element_type3A_1152 = arith.extui %lt3A_1151 : i1 to i32
        %convert_element_type3A_1153 = arith.sitofp %convert_element_type3A_1152 : i32 to f32
        %add3A_1154 = arith.constant 6 : i32
        %add3A_1155 = arith.addi %mul3A_1123, %add3A_1154 : i32
        %lt3A_1156 = arith.cmpi slt, %add3A_1155, %squeeze3A : i32
        %convert_element_type3A_1157 = arith.extui %lt3A_1156 : i1 to i32
        %convert_element_type3A_1158 = arith.sitofp %convert_element_type3A_1157 : i32 to f32
        %add3A_1159 = arith.constant 7 : i32
        %add3A_1160 = arith.addi %mul3A_1123, %add3A_1159 : i32
        %lt3A_1161 = arith.cmpi slt, %add3A_1160, %squeeze3A : i32
        %convert_element_type3A_1162 = arith.extui %lt3A_1161 : i1 to i32
        %convert_element_type3A_1163 = arith.sitofp %convert_element_type3A_1162 : i32 to f32
        %scan3A_1164 = arith.constant 0 : i32
        %scan3A_1165 = arith.constant 0 : i32
        %scan3A_1166 = arith.constant 256 : i32
        %scan3A_1167 = arith.addi %scan3A_1165, %scan3A_1166 : i32
        %scan3A_1168 = arith.constant 1 : i32
        scf.for %scan3A_1170 = %scan3A_1165 to %scan3A_1167 step %scan3A_1168  : i32 {
          %mul3A_1171 = arith.constant 16 : i32
          %mul3A_1172 = arith.muli %scan3A_1170, %mul3A_1171 : i32
          %multiple_of3A_1173 = tpu.assume_multiple %mul3A_1172, 16 : i32
          %get3A_1174 = arith.index_cast %multiple_of3A_1173 : i32 to index
          %get3A_1175 = tpu.vector_load %arg9[%get3A_1174] {strides = array<i32>} : memref<4096xf32, #tpu.memory_space<vmem>>, vector<16xf32>,
          %get3A_1176 = arith.constant 0 : i32
          %get3A_1177 = arith.index_cast %get3A_1176 : i32 to index
          %get3A_1178 = arith.index_cast %multiple_of3A_1173 : i32 to index
          %get3A_1179 = tpu.vector_load %arg8[%get3A_1177, %get3A_1178] {strides = array<i32>} : memref<8x4096xf32, #tpu.memory_space<vmem>>, vector<16xf32>,
          %bitcast_convert_type3A = tpu.bitcast %get3A_1179 : vector<16xf32> -> vector<16xi32>
          %shift_right_logical3A = arith.constant 16 : i32
          %shift_right_logical3A_1180 = vector.broadcast %shift_right_logical3A : i32 to vector<16xi32>
          %shift_right_logical3A_1181 = arith.shrui %bitcast_convert_type3A, %shift_right_logical3A_1180 : vector<16xi32>
          %and3A_1182 = arith.constant 1 : i32
          %and3A_1183 = vector.broadcast %and3A_1182 : i32 to vector<16xi32>
          %and3A_1184 = arith.andi %shift_right_logical3A_1181, %and3A_1183 : vector<16xi32>
          %add3A_1185 = arith.constant 32767 : i32
          %add3A_1186 = vector.broadcast %add3A_1185 : i32 to vector<16xi32>
          %add3A_1187 = arith.addi %add3A_1186, %and3A_1184 : vector<16xi32>
          %add3A_1188 = arith.addi %bitcast_convert_type3A, %add3A_1187 : vector<16xi32>
          %and3A_1189 = arith.constant -65536 : i32
          %and3A_1190 = vector.broadcast %and3A_1189 : i32 to vector<16xi32>
          %and3A_1191 = arith.andi %add3A_1188, %and3A_1190 : vector<16xi32>
          %bitcast_convert_type3A_1192 = tpu.bitcast %and3A_1191 : vector<16xi32> -> vector<16xf32>
          %mul3A_1193 = vector.broadcast %convert_element_type3A_1128 : f32 to vector<16xf32>
          %mul3A_1194 = arith.mulf %bitcast_convert_type3A_1192, %mul3A_1193 : vector<16xf32>
          %add3A_1195 = arith.addf %get3A_1175, %mul3A_1194 : vector<16xf32>
          %get3A_1196 = arith.constant 1 : i32
          %get3A_1197 = arith.index_cast %get3A_1196 : i32 to index
          %get3A_1198 = arith.index_cast %multiple_of3A_1173 : i32 to index
          %get3A_1199 = tpu.vector_load %arg8[%get3A_1197, %get3A_1198] {strides = array<i32>} : memref<8x4096xf32, #tpu.memory_space<vmem>>, vector<16xf32>,
          %bitcast_convert_type3A_1200 = tpu.bitcast %get3A_1199 : vector<16xf32> -> vector<16xi32>
          %shift_right_logical3A_1201 = arith.constant 16 : i32
          %shift_right_logical3A_1202 = vector.broadcast %shift_right_logical3A_1201 : i32 to vector<16xi32>
          %shift_right_logical3A_1203 = arith.shrui %bitcast_convert_type3A_1200, %shift_right_logical3A_1202 : vector<16xi32>
          %and3A_1204 = arith.constant 1 : i32
          %and3A_1205 = vector.broadcast %and3A_1204 : i32 to vector<16xi32>
          %and3A_1206 = arith.andi %shift_right_logical3A_1203, %and3A_1205 : vector<16xi32>
          %add3A_1207 = arith.constant 32767 : i32
          %add3A_1208 = vector.broadcast %add3A_1207 : i32 to vector<16xi32>
          %add3A_1209 = arith.addi %add3A_1208, %and3A_1206 : vector<16xi32>
          %add3A_1210 = arith.addi %bitcast_convert_type3A_1200, %add3A_1209 : vector<16xi32>
          %and3A_1211 = arith.constant -65536 : i32
          %and3A_1212 = vector.broadcast %and3A_1211 : i32 to vector<16xi32>
          %and3A_1213 = arith.andi %add3A_1210, %and3A_1212 : vector<16xi32>
          %bitcast_convert_type3A_1214 = tpu.bitcast %and3A_1213 : vector<16xi32> -> vector<16xf32>
          %mul3A_1215 = vector.broadcast %convert_element_type3A_1133 : f32 to vector<16xf32>
          %mul3A_1216 = arith.mulf %bitcast_convert_type3A_1214, %mul3A_1215 : vector<16xf32>
          %add3A_1217 = arith.addf %add3A_1195, %mul3A_1216 : vector<16xf32>
          %get3A_1218 = arith.constant 2 : i32
          %get3A_1219 = arith.index_cast %get3A_1218 : i32 to index
          %get3A_1220 = arith.index_cast %multiple_of3A_1173 : i32 to index
          %get3A_1221 = tpu.vector_load %arg8[%get3A_1219, %get3A_1220] {strides = array<i32>} : memref<8x4096xf32, #tpu.memory_space<vmem>>, vector<16xf32>,
          %bitcast_convert_type3A_1222 = tpu.bitcast %get3A_1221 : vector<16xf32> -> vector<16xi32>
          %shift_right_logical3A_1223 = arith.constant 16 : i32
          %shift_right_logical3A_1224 = vector.broadcast %shift_right_logical3A_1223 : i32 to vector<16xi32>
          %shift_right_logical3A_1225 = arith.shrui %bitcast_convert_type3A_1222, %shift_right_logical3A_1224 : vector<16xi32>
          %and3A_1226 = arith.constant 1 : i32
          %and3A_1227 = vector.broadcast %and3A_1226 : i32 to vector<16xi32>
          %and3A_1228 = arith.andi %shift_right_logical3A_1225, %and3A_1227 : vector<16xi32>
          %add3A_1229 = arith.constant 32767 : i32
          %add3A_1230 = vector.broadcast %add3A_1229 : i32 to vector<16xi32>
          %add3A_1231 = arith.addi %add3A_1230, %and3A_1228 : vector<16xi32>
          %add3A_1232 = arith.addi %bitcast_convert_type3A_1222, %add3A_1231 : vector<16xi32>
          %and3A_1233 = arith.constant -65536 : i32
          %and3A_1234 = vector.broadcast %and3A_1233 : i32 to vector<16xi32>
          %and3A_1235 = arith.andi %add3A_1232, %and3A_1234 : vector<16xi32>
          %bitcast_convert_type3A_1236 = tpu.bitcast %and3A_1235 : vector<16xi32> -> vector<16xf32>
          %mul3A_1237 = vector.broadcast %convert_element_type3A_1138 : f32 to vector<16xf32>
          %mul3A_1238 = arith.mulf %bitcast_convert_type3A_1236, %mul3A_1237 : vector<16xf32>
          %add3A_1239 = arith.addf %add3A_1217, %mul3A_1238 : vector<16xf32>
          %get3A_1240 = arith.constant 3 : i32
          %get3A_1241 = arith.index_cast %get3A_1240 : i32 to index
          %get3A_1242 = arith.index_cast %multiple_of3A_1173 : i32 to index
          %get3A_1243 = tpu.vector_load %arg8[%get3A_1241, %get3A_1242] {strides = array<i32>} : memref<8x4096xf32, #tpu.memory_space<vmem>>, vector<16xf32>,
          %bitcast_convert_type3A_1244 = tpu.bitcast %get3A_1243 : vector<16xf32> -> vector<16xi32>
          %shift_right_logical3A_1245 = arith.constant 16 : i32
          %shift_right_logical3A_1246 = vector.broadcast %shift_right_logical3A_1245 : i32 to vector<16xi32>
          %shift_right_logical3A_1247 = arith.shrui %bitcast_convert_type3A_1244, %shift_right_logical3A_1246 : vector<16xi32>
          %and3A_1248 = arith.constant 1 : i32
          %and3A_1249 = vector.broadcast %and3A_1248 : i32 to vector<16xi32>
          %and3A_1250 = arith.andi %shift_right_logical3A_1247, %and3A_1249 : vector<16xi32>
          %add3A_1251 = arith.constant 32767 : i32
          %add3A_1252 = vector.broadcast %add3A_1251 : i32 to vector<16xi32>
          %add3A_1253 = arith.addi %add3A_1252, %and3A_1250 : vector<16xi32>
          %add3A_1254 = arith.addi %bitcast_convert_type3A_1244, %add3A_1253 : vector<16xi32>
          %and3A_1255 = arith.constant -65536 : i32
          %and3A_1256 = vector.broadcast %and3A_1255 : i32 to vector<16xi32>
          %and3A_1257 = arith.andi %add3A_1254, %and3A_1256 : vector<16xi32>
          %bitcast_convert_type3A_1258 = tpu.bitcast %and3A_1257 : vector<16xi32> -> vector<16xf32>
          %mul3A_1259 = vector.broadcast %convert_element_type3A_1143 : f32 to vector<16xf32>
          %mul3A_1260 = arith.mulf %bitcast_convert_type3A_1258, %mul3A_1259 : vector<16xf32>
          %add3A_1261 = arith.addf %add3A_1239, %mul3A_1260 : vector<16xf32>
          %get3A_1262 = arith.constant 4 : i32
          %get3A_1263 = arith.index_cast %get3A_1262 : i32 to index
          %get3A_1264 = arith.index_cast %multiple_of3A_1173 : i32 to index
          %get3A_1265 = tpu.vector_load %arg8[%get3A_1263, %get3A_1264] {strides = array<i32>} : memref<8x4096xf32, #tpu.memory_space<vmem>>, vector<16xf32>,
          %bitcast_convert_type3A_1266 = tpu.bitcast %get3A_1265 : vector<16xf32> -> vector<16xi32>
          %shift_right_logical3A_1267 = arith.constant 16 : i32
          %shift_right_logical3A_1268 = vector.broadcast %shift_right_logical3A_1267 : i32 to vector<16xi32>
          %shift_right_logical3A_1269 = arith.shrui %bitcast_convert_type3A_1266, %shift_right_logical3A_1268 : vector<16xi32>
          %and3A_1270 = arith.constant 1 : i32
          %and3A_1271 = vector.broadcast %and3A_1270 : i32 to vector<16xi32>
          %and3A_1272 = arith.andi %shift_right_logical3A_1269, %and3A_1271 : vector<16xi32>
          %add3A_1273 = arith.constant 32767 : i32
          %add3A_1274 = vector.broadcast %add3A_1273 : i32 to vector<16xi32>
          %add3A_1275 = arith.addi %add3A_1274, %and3A_1272 : vector<16xi32>
          %add3A_1276 = arith.addi %bitcast_convert_type3A_1266, %add3A_1275 : vector<16xi32>
          %and3A_1277 = arith.constant -65536 : i32
          %and3A_1278 = vector.broadcast %and3A_1277 : i32 to vector<16xi32>
          %and3A_1279 = arith.andi %add3A_1276, %and3A_1278 : vector<16xi32>
          %bitcast_convert_type3A_1280 = tpu.bitcast %and3A_1279 : vector<16xi32> -> vector<16xf32>
          %mul3A_1281 = vector.broadcast %convert_element_type3A_1148 : f32 to vector<16xf32>
          %mul3A_1282 = arith.mulf %bitcast_convert_type3A_1280, %mul3A_1281 : vector<16xf32>
          %add3A_1283 = arith.addf %add3A_1261, %mul3A_1282 : vector<16xf32>
          %get3A_1284 = arith.constant 5 : i32
          %get3A_1285 = arith.index_cast %get3A_1284 : i32 to index
          %get3A_1286 = arith.index_cast %multiple_of3A_1173 : i32 to index
          %get3A_1287 = tpu.vector_load %arg8[%get3A_1285, %get3A_1286] {strides = array<i32>} : memref<8x4096xf32, #tpu.memory_space<vmem>>, vector<16xf32>,
          %bitcast_convert_type3A_1288 = tpu.bitcast %get3A_1287 : vector<16xf32> -> vector<16xi32>
          %shift_right_logical3A_1289 = arith.constant 16 : i32
          %shift_right_logical3A_1290 = vector.broadcast %shift_right_logical3A_1289 : i32 to vector<16xi32>
          %shift_right_logical3A_1291 = arith.shrui %bitcast_convert_type3A_1288, %shift_right_logical3A_1290 : vector<16xi32>
          %and3A_1292 = arith.constant 1 : i32
          %and3A_1293 = vector.broadcast %and3A_1292 : i32 to vector<16xi32>
          %and3A_1294 = arith.andi %shift_right_logical3A_1291, %and3A_1293 : vector<16xi32>
          %add3A_1295 = arith.constant 32767 : i32
          %add3A_1296 = vector.broadcast %add3A_1295 : i32 to vector<16xi32>
          %add3A_1297 = arith.addi %add3A_1296, %and3A_1294 : vector<16xi32>
          %add3A_1298 = arith.addi %bitcast_convert_type3A_1288, %add3A_1297 : vector<16xi32>
          %and3A_1299 = arith.constant -65536 : i32
          %and3A_1300 = vector.broadcast %and3A_1299 : i32 to vector<16xi32>
          %and3A_1301 = arith.andi %add3A_1298, %and3A_1300 : vector<16xi32>
          %bitcast_convert_type3A_1302 = tpu.bitcast %and3A_1301 : vector<16xi32> -> vector<16xf32>
          %mul3A_1303 = vector.broadcast %convert_element_type3A_1153 : f32 to vector<16xf32>
          %mul3A_1304 = arith.mulf %bitcast_convert_type3A_1302, %mul3A_1303 : vector<16xf32>
          %add3A_1305 = arith.addf %add3A_1283, %mul3A_1304 : vector<16xf32>
          %get3A_1306 = arith.constant 6 : i32
          %get3A_1307 = arith.index_cast %get3A_1306 : i32 to index
          %get3A_1308 = arith.index_cast %multiple_of3A_1173 : i32 to index
          %get3A_1309 = tpu.vector_load %arg8[%get3A_1307, %get3A_1308] {strides = array<i32>} : memref<8x4096xf32, #tpu.memory_space<vmem>>, vector<16xf32>,
          %bitcast_convert_type3A_1310 = tpu.bitcast %get3A_1309 : vector<16xf32> -> vector<16xi32>
          %shift_right_logical3A_1311 = arith.constant 16 : i32
          %shift_right_logical3A_1312 = vector.broadcast %shift_right_logical3A_1311 : i32 to vector<16xi32>
          %shift_right_logical3A_1313 = arith.shrui %bitcast_convert_type3A_1310, %shift_right_logical3A_1312 : vector<16xi32>
          %and3A_1314 = arith.constant 1 : i32
          %and3A_1315 = vector.broadcast %and3A_1314 : i32 to vector<16xi32>
          %and3A_1316 = arith.andi %shift_right_logical3A_1313, %and3A_1315 : vector<16xi32>
          %add3A_1317 = arith.constant 32767 : i32
          %add3A_1318 = vector.broadcast %add3A_1317 : i32 to vector<16xi32>
          %add3A_1319 = arith.addi %add3A_1318, %and3A_1316 : vector<16xi32>
          %add3A_1320 = arith.addi %bitcast_convert_type3A_1310, %add3A_1319 : vector<16xi32>
          %and3A_1321 = arith.constant -65536 : i32
          %and3A_1322 = vector.broadcast %and3A_1321 : i32 to vector<16xi32>
          %and3A_1323 = arith.andi %add3A_1320, %and3A_1322 : vector<16xi32>
          %bitcast_convert_type3A_1324 = tpu.bitcast %and3A_1323 : vector<16xi32> -> vector<16xf32>
          %mul3A_1325 = vector.broadcast %convert_element_type3A_1158 : f32 to vector<16xf32>
          %mul3A_1326 = arith.mulf %bitcast_convert_type3A_1324, %mul3A_1325 : vector<16xf32>
          %add3A_1327 = arith.addf %add3A_1305, %mul3A_1326 : vector<16xf32>
          %get3A_1328 = arith.constant 7 : i32
          %get3A_1329 = arith.index_cast %get3A_1328 : i32 to index
          %get3A_1330 = arith.index_cast %multiple_of3A_1173 : i32 to index
          %get3A_1331 = tpu.vector_load %arg8[%get3A_1329, %get3A_1330] {strides = array<i32>} : memref<8x4096xf32, #tpu.memory_space<vmem>>, vector<16xf32>,
          %bitcast_convert_type3A_1332 = tpu.bitcast %get3A_1331 : vector<16xf32> -> vector<16xi32>
          %shift_right_logical3A_1333 = arith.constant 16 : i32
          %shift_right_logical3A_1334 = vector.broadcast %shift_right_logical3A_1333 : i32 to vector<16xi32>
          %shift_right_logical3A_1335 = arith.shrui %bitcast_convert_type3A_1332, %shift_right_logical3A_1334 : vector<16xi32>
          %and3A_1336 = arith.constant 1 : i32
          %and3A_1337 = vector.broadcast %and3A_1336 : i32 to vector<16xi32>
          %and3A_1338 = arith.andi %shift_right_logical3A_1335, %and3A_1337 : vector<16xi32>
          %add3A_1339 = arith.constant 32767 : i32
          %add3A_1340 = vector.broadcast %add3A_1339 : i32 to vector<16xi32>
          %add3A_1341 = arith.addi %add3A_1340, %and3A_1338 : vector<16xi32>
          %add3A_1342 = arith.addi %bitcast_convert_type3A_1332, %add3A_1341 : vector<16xi32>
          %and3A_1343 = arith.constant -65536 : i32
          %and3A_1344 = vector.broadcast %and3A_1343 : i32 to vector<16xi32>
          %and3A_1345 = arith.andi %add3A_1342, %and3A_1344 : vector<16xi32>
          %bitcast_convert_type3A_1346 = tpu.bitcast %and3A_1345 : vector<16xi32> -> vector<16xf32>
          %mul3A_1347 = vector.broadcast %convert_element_type3A_1163 : f32 to vector<16xf32>
          %mul3A_1348 = arith.mulf %bitcast_convert_type3A_1346, %mul3A_1347 : vector<16xf32>
          %add3A_1349 = arith.addf %add3A_1327, %mul3A_1348 : vector<16xf32>
          %swap3A_1350 = arith.index_cast %multiple_of3A_1173 : i32 to index
          %swap3A_1351 = tpu.vector_load %arg9[%swap3A_1350] {strides = array<i32>} : memref<4096xf32, #tpu.memory_space<vmem>>, vector<16xf32>,
          tpu.vector_store %arg9[%swap3A_1350], %add3A_1349 {strides = array<i32>} : memref<4096xf32, #tpu.memory_space<vmem>>, vector<16xf32>,
        }
        %scan3A_1169 = arith.constant 256 : i32
      } else {
      }
    }
    %while3A_1036 = arith.constant 1 : i32
    scf.for %while3A_1037 = %while3A_1034 to %while3A_1030 step %while3A_1036  : i32 {
      %mul3A_1038 = arith.constant 2 : i32
      %mul3A_1039 = arith.muli %while3A_1037, %mul3A_1038 : i32
      %add3A_1040 = arith.constant 1 : i32
      %add3A_1041 = arith.addi %mul3A_1039, %add3A_1040 : i32
      %lt3A_1042 = arith.cmpi slt, %add3A_1041, %select_n3A_998 : i32
      %convert_element_type3A_1043 = arith.extui %lt3A_1042 : i1 to i32
      %cond3A_1044 = arith.constant 0 : i32
      %cond3A_1045 = arith.cmpi ne, %convert_element_type3A_1043, %cond3A_1044 : i32
      scf.if %cond3A_1045 {
        %add3A_1111 = arith.constant 1 : i32
        %add3A_1112 = arith.addi %mul3A_1039, %add3A_1111 : i32
        %mul3A_1113 = arith.constant 8 : i32
        %mul3A_1114 = arith.muli %add3A_1112, %mul3A_1113 : i32
        %multiple_of3A_1115 = tpu.assume_multiple %mul3A_1114, 8 : i32
        %dma_start3A = tpu.memref_slice %arg6[%multiple_of3A_1115] : memref<128xi32, #tpu.memory_space<vmem>> -> memref<8xi32, #tpu.memory_space<vmem>>
        %dma_start3A_1116 = arith.constant 0 : i32
        %dma_start3A_1117 = arith.constant 0 : i32
        %dma_start3A_1118 = tpu.memref_slice %arg3[%dma_start3A_1116, %dma_start3A_1117] : memref<4096x4096xf32, #tpu.memory_space<hbm>> -> memref<4096x4096xf32, #tpu.memory_space<hbm>>
        tpu.enqueue_indirect_dma source(%dma_start3A_1118 : memref<4096x4096xf32, #tpu.memory_space<hbm>>) target(%arg8 : memref<8x4096xf32, #tpu.memory_space<vmem>>) offsets(%dma_start3A : memref<8xi32, #tpu.memory_space<vmem>>) semaphore(%arg11 : memref<!tpu.dma_semaphore, #tpu.memory_space<semaphore_mem>>)
      } else {
      }
      %mul3A_1046 = arith.constant 8 : i32
      %mul3A_1047 = arith.muli %mul3A_1039, %mul3A_1046 : i32
      %multiple_of3A = tpu.assume_multiple %mul3A_1047, 8 : i32
      %dma_wait3A = tpu.memref_slice %arg6[%multiple_of3A] : memref<128xi32, #tpu.memory_space<vmem>> -> memref<8xi32, #tpu.memory_space<vmem>>
      %dma_wait3A_1048 = arith.constant 0 : i32
      %dma_wait3A_1049 = arith.constant 0 : i32
      %dma_wait3A_1050 = tpu.memref_slice %arg3[%dma_wait3A_1048, %dma_wait3A_1049] : memref<4096x4096xf32, #tpu.memory_space<hbm>> -> memref<4096x4096xf32, #tpu.memory_space<hbm>>
      tpu.wait_indirect_dma semaphore(%arg10 : memref<!tpu.dma_semaphore, #tpu.memory_space<semaphore_mem>>) src(%dma_wait3A_1050 : memref<4096x4096xf32, #tpu.memory_space<hbm>>) dst(%arg7 : memref<8x4096xf32, #tpu.memory_space<vmem>>)
      %mul3A_1051 = arith.constant 8 : i32
      %mul3A_1052 = arith.muli %mul3A_1039, %mul3A_1051 : i32
      %add3A_1053 = arith.constant 0 : i32
      %add3A_1054 = arith.addi %mul3A_1052, %add3A_1053 : i32
      %lt3A_1055 = arith.cmpi slt, %add3A_1054, %squeeze3A : i32
      %convert_element_type3A_1056 = arith.extui %lt3A_1055 : i1 to i32
      %convert_element_type3A_1057 = arith.sitofp %convert_element_type3A_1056 : i32 to f32
      %add3A_1058 = arith.constant 1 : i32
      %add3A_1059 = arith.addi %mul3A_1052, %add3A_1058 : i32
      %lt3A_1060 = arith.cmpi slt, %add3A_1059, %squeeze3A : i32
      %convert_element_type3A_1061 = arith.extui %lt3A_1060 : i1 to i32
      %convert_element_type3A_1062 = arith.sitofp %convert_element_type3A_1061 : i32 to f32
      %add3A_1063 = arith.constant 2 : i32
      %add3A_1064 = arith.addi %mul3A_1052, %add3A_1063 : i32
      %lt3A_1065 = arith.cmpi slt, %add3A_1064, %squeeze3A : i32
      %convert_element_type3A_1066 = arith.extui %lt3A_1065 : i1 to i32
      %convert_element_type3A_1067 = arith.sitofp %convert_element_type3A_1066 : i32 to f32
      %add3A_1068 = arith.constant 3 : i32
      %add3A_1069 = arith.addi %mul3A_1052, %add3A_1068 : i32
      %lt3A_1070 = arith.cmpi slt, %add3A_1069, %squeeze3A : i32
      %convert_element_type3A_1071 = arith.extui %lt3A_1070 : i1 to i32
      %convert_element_type3A_1072 = arith.sitofp %convert_element_type3A_1071 : i32 to f32
      %add3A_1073 = arith.constant 4 : i32
      %add3A_1074 = arith.addi %mul3A_1052, %add3A_1073 : i32
      %lt3A_1075 = arith.cmpi slt, %add3A_1074, %squeeze3A : i32
      %convert_element_type3A_1076 = arith.extui %lt3A_1075 : i1 to i32
      %convert_element_type3A_1077 = arith.sitofp %convert_element_type3A_1076 : i32 to f32
      %add3A_1078 = arith.constant 5 : i32
      %add3A_1079 = arith.addi %mul3A_1052, %add3A_1078 : i32
      %lt3A_1080 = arith.cmpi slt, %add3A_1079, %squeeze3A : i32
      %convert_element_type3A_1081 = arith.extui %lt3A_1080 : i1 to i32
      %convert_element_type3A_1082 = arith.sitofp %convert_element_type3A_1081 : i32 to f32
      %add3A_1083 = arith.constant 6 : i32
      %add3A_1084 = arith.addi %mul3A_1052, %add3A_1083 : i32
      %lt3A_1085 = arith.cmpi slt, %add3A_1084, %squeeze3A : i32
      %convert_element_type3A_1086 = arith.extui %lt3A_1085 : i1 to i32
      %convert_element_type3A_1087 = arith.sitofp %convert_element_type3A_1086 : i32 to f32
      %add3A_1088 = arith.constant 7 : i32
      %add3A_1089 = arith.addi %mul3A_1052, %add3A_1088 : i32
      %lt3A_1090 = arith.cmpi slt, %add3A_1089, %squeeze3A : i32
      %convert_element_type3A_1091 = arith.extui %lt3A_1090 : i1 to i32
      %convert_element_type3A_1092 = arith.sitofp %convert_element_type3A_1091 : i32 to f32
      %scan3A_1093 = arith.constant 0 : i32
      %scan3A_1094 = arith.constant 0 : i32
      %scan3A_1095 = arith.constant 256 : i32
      %scan3A_1096 = arith.addi %scan3A_1094, %scan3A_1095 : i32
      %scan3A_1097 = arith.constant 1 : i32
      scf.for %scan3A_1111 = %scan3A_1094 to %scan3A_1096 step %scan3A_1097  : i32 {
        %mul3A_1112 = arith.constant 16 : i32
        %mul3A_1113 = arith.muli %scan3A_1111, %mul3A_1112 : i32
        %multiple_of3A_1114 = tpu.assume_multiple %mul3A_1113, 16 : i32
        %get3A_1115 = arith.index_cast %multiple_of3A_1114 : i32 to index
        %get3A_1116 = tpu.vector_load %arg9[%get3A_1115] {strides = array<i32>} : memref<4096xf32, #tpu.memory_space<vmem>>, vector<16xf32>,
        %get3A_1117 = arith.constant 0 : i32
        %get3A_1118 = arith.index_cast %get3A_1117 : i32 to index
        %get3A_1119 = arith.index_cast %multiple_of3A_1114 : i32 to index
        %get3A_1120 = tpu.vector_load %arg7[%get3A_1118, %get3A_1119] {strides = array<i32>} : memref<8x4096xf32, #tpu.memory_space<vmem>>, vector<16xf32>,
        %bitcast_convert_type3A = tpu.bitcast %get3A_1120 : vector<16xf32> -> vector<16xi32>
        %shift_right_logical3A = arith.constant 16 : i32
        %shift_right_logical3A_1121 = vector.broadcast %shift_right_logical3A : i32 to vector<16xi32>
        %shift_right_logical3A_1122 = arith.shrui %bitcast_convert_type3A, %shift_right_logical3A_1121 : vector<16xi32>
        %and3A_1123 = arith.constant 1 : i32
        %and3A_1124 = vector.broadcast %and3A_1123 : i32 to vector<16xi32>
        %and3A_1125 = arith.andi %shift_right_logical3A_1122, %and3A_1124 : vector<16xi32>
        %add3A_1126 = arith.constant 32767 : i32
        %add3A_1127 = vector.broadcast %add3A_1126 : i32 to vector<16xi32>
        %add3A_1128 = arith.addi %add3A_1127, %and3A_1125 : vector<16xi32>
        %add3A_1129 = arith.addi %bitcast_convert_type3A, %add3A_1128 : vector<16xi32>
        %and3A_1130 = arith.constant -65536 : i32
        %and3A_1131 = vector.broadcast %and3A_1130 : i32 to vector<16xi32>
        %and3A_1132 = arith.andi %add3A_1129, %and3A_1131 : vector<16xi32>
        %bitcast_convert_type3A_1133 = tpu.bitcast %and3A_1132 : vector<16xi32> -> vector<16xf32>
        %mul3A_1134 = vector.broadcast %convert_element_type3A_1057 : f32 to vector<16xf32>
        %mul3A_1135 = arith.mulf %bitcast_convert_type3A_1133, %mul3A_1134 : vector<16xf32>
        %add3A_1136 = arith.addf %get3A_1116, %mul3A_1135 : vector<16xf32>
        %get3A_1137 = arith.constant 1 : i32
        %get3A_1138 = arith.index_cast %get3A_1137 : i32 to index
        %get3A_1139 = arith.index_cast %multiple_of3A_1114 : i32 to index
        %get3A_1140 = tpu.vector_load %arg7[%get3A_1138, %get3A_1139] {strides = array<i32>} : memref<8x4096xf32, #tpu.memory_space<vmem>>, vector<16xf32>,
        %bitcast_convert_type3A_1141 = tpu.bitcast %get3A_1140 : vector<16xf32> -> vector<16xi32>
        %shift_right_logical3A_1142 = arith.constant 16 : i32
        %shift_right_logical3A_1143 = vector.broadcast %shift_right_logical3A_1142 : i32 to vector<16xi32>
        %shift_right_logical3A_1144 = arith.shrui %bitcast_convert_type3A_1141, %shift_right_logical3A_1143 : vector<16xi32>
        %and3A_1145 = arith.constant 1 : i32
        %and3A_1146 = vector.broadcast %and3A_1145 : i32 to vector<16xi32>
        %and3A_1147 = arith.andi %shift_right_logical3A_1144, %and3A_1146 : vector<16xi32>
        %add3A_1148 = arith.constant 32767 : i32
        %add3A_1149 = vector.broadcast %add3A_1148 : i32 to vector<16xi32>
        %add3A_1150 = arith.addi %add3A_1149, %and3A_1147 : vector<16xi32>
        %add3A_1151 = arith.addi %bitcast_convert_type3A_1141, %add3A_1150 : vector<16xi32>
        %and3A_1152 = arith.constant -65536 : i32
        %and3A_1153 = vector.broadcast %and3A_1152 : i32 to vector<16xi32>
        %and3A_1154 = arith.andi %add3A_1151, %and3A_1153 : vector<16xi32>
        %bitcast_convert_type3A_1155 = tpu.bitcast %and3A_1154 : vector<16xi32> -> vector<16xf32>
        %mul3A_1156 = vector.broadcast %convert_element_type3A_1062 : f32 to vector<16xf32>
        %mul3A_1157 = arith.mulf %bitcast_convert_type3A_1155, %mul3A_1156 : vector<16xf32>
        %add3A_1158 = arith.addf %add3A_1136, %mul3A_1157 : vector<16xf32>
        %get3A_1159 = arith.constant 2 : i32
        %get3A_1160 = arith.index_cast %get3A_1159 : i32 to index
        %get3A_1161 = arith.index_cast %multiple_of3A_1114 : i32 to index
        %get3A_1162 = tpu.vector_load %arg7[%get3A_1160, %get3A_1161] {strides = array<i32>} : memref<8x4096xf32, #tpu.memory_space<vmem>>, vector<16xf32>,
        %bitcast_convert_type3A_1163 = tpu.bitcast %get3A_1162 : vector<16xf32> -> vector<16xi32>
        %shift_right_logical3A_1164 = arith.constant 16 : i32
        %shift_right_logical3A_1165 = vector.broadcast %shift_right_logical3A_1164 : i32 to vector<16xi32>
        %shift_right_logical3A_1166 = arith.shrui %bitcast_convert_type3A_1163, %shift_right_logical3A_1165 : vector<16xi32>
        %and3A_1167 = arith.constant 1 : i32
        %and3A_1168 = vector.broadcast %and3A_1167 : i32 to vector<16xi32>
        %and3A_1169 = arith.andi %shift_right_logical3A_1166, %and3A_1168 : vector<16xi32>
        %add3A_1170 = arith.constant 32767 : i32
        %add3A_1171 = vector.broadcast %add3A_1170 : i32 to vector<16xi32>
        %add3A_1172 = arith.addi %add3A_1171, %and3A_1169 : vector<16xi32>
        %add3A_1173 = arith.addi %bitcast_convert_type3A_1163, %add3A_1172 : vector<16xi32>
        %and3A_1174 = arith.constant -65536 : i32
        %and3A_1175 = vector.broadcast %and3A_1174 : i32 to vector<16xi32>
        %and3A_1176 = arith.andi %add3A_1173, %and3A_1175 : vector<16xi32>
        %bitcast_convert_type3A_1177 = tpu.bitcast %and3A_1176 : vector<16xi32> -> vector<16xf32>
        %mul3A_1178 = vector.broadcast %convert_element_type3A_1067 : f32 to vector<16xf32>
        %mul3A_1179 = arith.mulf %bitcast_convert_type3A_1177, %mul3A_1178 : vector<16xf32>
        %add3A_1180 = arith.addf %add3A_1158, %mul3A_1179 : vector<16xf32>
        %get3A_1181 = arith.constant 3 : i32
        %get3A_1182 = arith.index_cast %get3A_1181 : i32 to index
        %get3A_1183 = arith.index_cast %multiple_of3A_1114 : i32 to index
        %get3A_1184 = tpu.vector_load %arg7[%get3A_1182, %get3A_1183] {strides = array<i32>} : memref<8x4096xf32, #tpu.memory_space<vmem>>, vector<16xf32>,
        %bitcast_convert_type3A_1185 = tpu.bitcast %get3A_1184 : vector<16xf32> -> vector<16xi32>
        %shift_right_logical3A_1186 = arith.constant 16 : i32
        %shift_right_logical3A_1187 = vector.broadcast %shift_right_logical3A_1186 : i32 to vector<16xi32>
        %shift_right_logical3A_1188 = arith.shrui %bitcast_convert_type3A_1185, %shift_right_logical3A_1187 : vector<16xi32>
        %and3A_1189 = arith.constant 1 : i32
        %and3A_1190 = vector.broadcast %and3A_1189 : i32 to vector<16xi32>
        %and3A_1191 = arith.andi %shift_right_logical3A_1188, %and3A_1190 : vector<16xi32>
        %add3A_1192 = arith.constant 32767 : i32
        %add3A_1193 = vector.broadcast %add3A_1192 : i32 to vector<16xi32>
        %add3A_1194 = arith.addi %add3A_1193, %and3A_1191 : vector<16xi32>
        %add3A_1195 = arith.addi %bitcast_convert_type3A_1185, %add3A_1194 : vector<16xi32>
        %and3A_1196 = arith.constant -65536 : i32
        %and3A_1197 = vector.broadcast %and3A_1196 : i32 to vector<16xi32>
        %and3A_1198 = arith.andi %add3A_1195, %and3A_1197 : vector<16xi32>
        %bitcast_convert_type3A_1199 = tpu.bitcast %and3A_1198 : vector<16xi32> -> vector<16xf32>
        %mul3A_1200 = vector.broadcast %convert_element_type3A_1072 : f32 to vector<16xf32>
        %mul3A_1201 = arith.mulf %bitcast_convert_type3A_1199, %mul3A_1200 : vector<16xf32>
        %add3A_1202 = arith.addf %add3A_1180, %mul3A_1201 : vector<16xf32>
        %get3A_1203 = arith.constant 4 : i32
        %get3A_1204 = arith.index_cast %get3A_1203 : i32 to index
        %get3A_1205 = arith.index_cast %multiple_of3A_1114 : i32 to index
        %get3A_1206 = tpu.vector_load %arg7[%get3A_1204, %get3A_1205] {strides = array<i32>} : memref<8x4096xf32, #tpu.memory_space<vmem>>, vector<16xf32>,
        %bitcast_convert_type3A_1207 = tpu.bitcast %get3A_1206 : vector<16xf32> -> vector<16xi32>
        %shift_right_logical3A_1208 = arith.constant 16 : i32
        %shift_right_logical3A_1209 = vector.broadcast %shift_right_logical3A_1208 : i32 to vector<16xi32>
        %shift_right_logical3A_1210 = arith.shrui %bitcast_convert_type3A_1207, %shift_right_logical3A_1209 : vector<16xi32>
        %and3A_1211 = arith.constant 1 : i32
        %and3A_1212 = vector.broadcast %and3A_1211 : i32 to vector<16xi32>
        %and3A_1213 = arith.andi %shift_right_logical3A_1210, %and3A_1212 : vector<16xi32>
        %add3A_1214 = arith.constant 32767 : i32
        %add3A_1215 = vector.broadcast %add3A_1214 : i32 to vector<16xi32>
        %add3A_1216 = arith.addi %add3A_1215, %and3A_1213 : vector<16xi32>
        %add3A_1217 = arith.addi %bitcast_convert_type3A_1207, %add3A_1216 : vector<16xi32>
        %and3A_1218 = arith.constant -65536 : i32
        %and3A_1219 = vector.broadcast %and3A_1218 : i32 to vector<16xi32>
        %and3A_1220 = arith.andi %add3A_1217, %and3A_1219 : vector<16xi32>
        %bitcast_convert_type3A_1221 = tpu.bitcast %and3A_1220 : vector<16xi32> -> vector<16xf32>
        %mul3A_1222 = vector.broadcast %convert_element_type3A_1077 : f32 to vector<16xf32>
        %mul3A_1223 = arith.mulf %bitcast_convert_type3A_1221, %mul3A_1222 : vector<16xf32>
        %add3A_1224 = arith.addf %add3A_1202, %mul3A_1223 : vector<16xf32>
        %get3A_1225 = arith.constant 5 : i32
        %get3A_1226 = arith.index_cast %get3A_1225 : i32 to index
        %get3A_1227 = arith.index_cast %multiple_of3A_1114 : i32 to index
        %get3A_1228 = tpu.vector_load %arg7[%get3A_1226, %get3A_1227] {strides = array<i32>} : memref<8x4096xf32, #tpu.memory_space<vmem>>, vector<16xf32>,
        %bitcast_convert_type3A_1229 = tpu.bitcast %get3A_1228 : vector<16xf32> -> vector<16xi32>
        %shift_right_logical3A_1230 = arith.constant 16 : i32
        %shift_right_logical3A_1231 = vector.broadcast %shift_right_logical3A_1230 : i32 to vector<16xi32>
        %shift_right_logical3A_1232 = arith.shrui %bitcast_convert_type3A_1229, %shift_right_logical3A_1231 : vector<16xi32>
        %and3A_1233 = arith.constant 1 : i32
        %and3A_1234 = vector.broadcast %and3A_1233 : i32 to vector<16xi32>
        %and3A_1235 = arith.andi %shift_right_logical3A_1232, %and3A_1234 : vector<16xi32>
        %add3A_1236 = arith.constant 32767 : i32
        %add3A_1237 = vector.broadcast %add3A_1236 : i32 to vector<16xi32>
        %add3A_1238 = arith.addi %add3A_1237, %and3A_1235 : vector<16xi32>
        %add3A_1239 = arith.addi %bitcast_convert_type3A_1229, %add3A_1238 : vector<16xi32>
        %and3A_1240 = arith.constant -65536 : i32
        %and3A_1241 = vector.broadcast %and3A_1240 : i32 to vector<16xi32>
        %and3A_1242 = arith.andi %add3A_1239, %and3A_1241 : vector<16xi32>
        %bitcast_convert_type3A_1243 = tpu.bitcast %and3A_1242 : vector<16xi32> -> vector<16xf32>
        %mul3A_1244 = vector.broadcast %convert_element_type3A_1082 : f32 to vector<16xf32>
        %mul3A_1245 = arith.mulf %bitcast_convert_type3A_1243, %mul3A_1244 : vector<16xf32>
        %add3A_1246 = arith.addf %add3A_1224, %mul3A_1245 : vector<16xf32>
        %get3A_1247 = arith.constant 6 : i32
        %get3A_1248 = arith.index_cast %get3A_1247 : i32 to index
        %get3A_1249 = arith.index_cast %multiple_of3A_1114 : i32 to index
        %get3A_1250 = tpu.vector_load %arg7[%get3A_1248, %get3A_1249] {strides = array<i32>} : memref<8x4096xf32, #tpu.memory_space<vmem>>, vector<16xf32>,
        %bitcast_convert_type3A_1251 = tpu.bitcast %get3A_1250 : vector<16xf32> -> vector<16xi32>
        %shift_right_logical3A_1252 = arith.constant 16 : i32
        %shift_right_logical3A_1253 = vector.broadcast %shift_right_logical3A_1252 : i32 to vector<16xi32>
        %shift_right_logical3A_1254 = arith.shrui %bitcast_convert_type3A_1251, %shift_right_logical3A_1253 : vector<16xi32>
        %and3A_1255 = arith.constant 1 : i32
        %and3A_1256 = vector.broadcast %and3A_1255 : i32 to vector<16xi32>
        %and3A_1257 = arith.andi %shift_right_logical3A_1254, %and3A_1256 : vector<16xi32>
        %add3A_1258 = arith.constant 32767 : i32
        %add3A_1259 = vector.broadcast %add3A_1258 : i32 to vector<16xi32>
        %add3A_1260 = arith.addi %add3A_1259, %and3A_1257 : vector<16xi32>
        %add3A_1261 = arith.addi %bitcast_convert_type3A_1251, %add3A_1260 : vector<16xi32>
        %and3A_1262 = arith.constant -65536 : i32
        %and3A_1263 = vector.broadcast %and3A_1262 : i32 to vector<16xi32>
        %and3A_1264 = arith.andi %add3A_1261, %and3A_1263 : vector<16xi32>
        %bitcast_convert_type3A_1265 = tpu.bitcast %and3A_1264 : vector<16xi32> -> vector<16xf32>
        %mul3A_1266 = vector.broadcast %convert_element_type3A_1087 : f32 to vector<16xf32>
        %mul3A_1267 = arith.mulf %bitcast_convert_type3A_1265, %mul3A_1266 : vector<16xf32>
        %add3A_1268 = arith.addf %add3A_1246, %mul3A_1267 : vector<16xf32>
        %get3A_1269 = arith.constant 7 : i32
        %get3A_1270 = arith.index_cast %get3A_1269 : i32 to index
        %get3A_1271 = arith.index_cast %multiple_of3A_1114 : i32 to index
        %get3A_1272 = tpu.vector_load %arg7[%get3A_1270, %get3A_1271] {strides = array<i32>} : memref<8x4096xf32, #tpu.memory_space<vmem>>, vector<16xf32>,
        %bitcast_convert_type3A_1273 = tpu.bitcast %get3A_1272 : vector<16xf32> -> vector<16xi32>
        %shift_right_logical3A_1274 = arith.constant 16 : i32
        %shift_right_logical3A_1275 = vector.broadcast %shift_right_logical3A_1274 : i32 to vector<16xi32>
        %shift_right_logical3A_1276 = arith.shrui %bitcast_convert_type3A_1273, %shift_right_logical3A_1275 : vector<16xi32>
        %and3A_1277 = arith.constant 1 : i32
        %and3A_1278 = vector.broadcast %and3A_1277 : i32 to vector<16xi32>
        %and3A_1279 = arith.andi %shift_right_logical3A_1276, %and3A_1278 : vector<16xi32>
        %add3A_1280 = arith.constant 32767 : i32
        %add3A_1281 = vector.broadcast %add3A_1280 : i32 to vector<16xi32>
        %add3A_1282 = arith.addi %add3A_1281, %and3A_1279 : vector<16xi32>
        %add3A_1283 = arith.addi %bitcast_convert_type3A_1273, %add3A_1282 : vector<16xi32>
        %and3A_1284 = arith.constant -65536 : i32
        %and3A_1285 = vector.broadcast %and3A_1284 : i32 to vector<16xi32>
        %and3A_1286 = arith.andi %add3A_1283, %and3A_1285 : vector<16xi32>
        %bitcast_convert_type3A_1287 = tpu.bitcast %and3A_1286 : vector<16xi32> -> vector<16xf32>
        %mul3A_1288 = vector.broadcast %convert_element_type3A_1092 : f32 to vector<16xf32>
        %mul3A_1289 = arith.mulf %bitcast_convert_type3A_1287, %mul3A_1288 : vector<16xf32>
        %add3A_1290 = arith.addf %add3A_1268, %mul3A_1289 : vector<16xf32>
        %swap3A_1291 = arith.index_cast %multiple_of3A_1114 : i32 to index
        %swap3A_1292 = tpu.vector_load %arg9[%swap3A_1291] {strides = array<i32>} : memref<4096xf32, #tpu.memory_space<vmem>>, vector<16xf32>,
        tpu.vector_store %arg9[%swap3A_1291], %add3A_1290 {strides = array<i32>} : memref<4096xf32, #tpu.memory_space<vmem>>, vector<16xf32>,
      }
      %scan3A_1098 = arith.constant 256 : i32
      %add3A_1099 = arith.constant 2 : i32
      %add3A_1100 = arith.addi %mul3A_1039, %add3A_1099 : i32
      %lt3A_1101 = arith.cmpi slt, %add3A_1100, %select_n3A_998 : i32
      %convert_element_type3A_1102 = arith.extui %lt3A_1101 : i1 to i32
      %cond3A_1103 = arith.constant 0 : i32
      %cond3A_1104 = arith.cmpi ne, %convert_element_type3A_1102, %cond3A_1103 : i32
      scf.if %cond3A_1104 {
        %add3A_1111 = arith.constant 2 : i32
        %add3A_1112 = arith.addi %mul3A_1039, %add3A_1111 : i32
        %mul3A_1113 = arith.constant 8 : i32
        %mul3A_1114 = arith.muli %add3A_1112, %mul3A_1113 : i32
        %multiple_of3A_1115 = tpu.assume_multiple %mul3A_1114, 8 : i32
        %dma_start3A = tpu.memref_slice %arg6[%multiple_of3A_1115] : memref<128xi32, #tpu.memory_space<vmem>> -> memref<8xi32, #tpu.memory_space<vmem>>
        %dma_start3A_1116 = arith.constant 0 : i32
        %dma_start3A_1117 = arith.constant 0 : i32
        %dma_start3A_1118 = tpu.memref_slice %arg3[%dma_start3A_1116, %dma_start3A_1117] : memref<4096x4096xf32, #tpu.memory_space<hbm>> -> memref<4096x4096xf32, #tpu.memory_space<hbm>>
        tpu.enqueue_indirect_dma source(%dma_start3A_1118 : memref<4096x4096xf32, #tpu.memory_space<hbm>>) target(%arg7 : memref<8x4096xf32, #tpu.memory_space<vmem>>) offsets(%dma_start3A : memref<8xi32, #tpu.memory_space<vmem>>) semaphore(%arg10 : memref<!tpu.dma_semaphore, #tpu.memory_space<semaphore_mem>>)
      } else {
      }
      %add3A_1105 = arith.constant 1 : i32
      %add3A_1106 = arith.addi %mul3A_1039, %add3A_1105 : i32
      %lt3A_1107 = arith.cmpi slt, %add3A_1106, %select_n3A_998 : i32
      %convert_element_type3A_1108 = arith.extui %lt3A_1107 : i1 to i32
      %cond3A_1109 = arith.constant 0 : i32
      %cond3A_1110 = arith.cmpi ne, %convert_element_type3A_1108, %cond3A_1109 : i32
      scf.if %cond3A_1110 {
        %add3A_1111 = arith.constant 1 : i32
        %add3A_1112 = arith.addi %mul3A_1039, %add3A_1111 : i32
        %mul3A_1113 = arith.constant 8 : i32
        %mul3A_1114 = arith.muli %add3A_1112, %mul3A_1113 : i32
        %multiple_of3A_1115 = tpu.assume_multiple %mul3A_1114, 8 : i32
        %dma_wait3A_1116 = tpu.memref_slice %arg6[%multiple_of3A_1115] : memref<128xi32, #tpu.memory_space<vmem>> -> memref<8xi32, #tpu.memory_space<vmem>>
        %dma_wait3A_1117 = arith.constant 0 : i32
        %dma_wait3A_1118 = arith.constant 0 : i32
        %dma_wait3A_1119 = tpu.memref_slice %arg3[%dma_wait3A_1117, %dma_wait3A_1118] : memref<4096x4096xf32, #tpu.memory_space<hbm>> -> memref<4096x4096xf32, #tpu.memory_space<hbm>>
        tpu.wait_indirect_dma semaphore(%arg11 : memref<!tpu.dma_semaphore, #tpu.memory_space<semaphore_mem>>) src(%dma_wait3A_1119 : memref<4096x4096xf32, #tpu.memory_space<hbm>>) dst(%arg8 : memref<8x4096xf32, #tpu.memory_space<vmem>>)
        %add3A_1120 = arith.constant 1 : i32
        %add3A_1121 = arith.addi %mul3A_1039, %add3A_1120 : i32
        %mul3A_1122 = arith.constant 8 : i32
        %mul3A_1123 = arith.muli %add3A_1121, %mul3A_1122 : i32
        %add3A_1124 = arith.constant 0 : i32
        %add3A_1125 = arith.addi %mul3A_1123, %add3A_1124 : i32
        %lt3A_1126 = arith.cmpi slt, %add3A_1125, %squeeze3A : i32
        %convert_element_type3A_1127 = arith.extui %lt3A_1126 : i1 to i32
        %convert_element_type3A_1128 = arith.sitofp %convert_element_type3A_1127 : i32 to f32
        %add3A_1129 = arith.constant 1 : i32
        %add3A_1130 = arith.addi %mul3A_1123, %add3A_1129 : i32
        %lt3A_1131 = arith.cmpi slt, %add3A_1130, %squeeze3A : i32
        %convert_element_type3A_1132 = arith.extui %lt3A_1131 : i1 to i32
        %convert_element_type3A_1133 = arith.sitofp %convert_element_type3A_1132 : i32 to f32
        %add3A_1134 = arith.constant 2 : i32
        %add3A_1135 = arith.addi %mul3A_1123, %add3A_1134 : i32
        %lt3A_1136 = arith.cmpi slt, %add3A_1135, %squeeze3A : i32
        %convert_element_type3A_1137 = arith.extui %lt3A_1136 : i1 to i32
        %convert_element_type3A_1138 = arith.sitofp %convert_element_type3A_1137 : i32 to f32
        %add3A_1139 = arith.constant 3 : i32
        %add3A_1140 = arith.addi %mul3A_1123, %add3A_1139 : i32
        %lt3A_1141 = arith.cmpi slt, %add3A_1140, %squeeze3A : i32
        %convert_element_type3A_1142 = arith.extui %lt3A_1141 : i1 to i32
        %convert_element_type3A_1143 = arith.sitofp %convert_element_type3A_1142 : i32 to f32
        %add3A_1144 = arith.constant 4 : i32
        %add3A_1145 = arith.addi %mul3A_1123, %add3A_1144 : i32
        %lt3A_1146 = arith.cmpi slt, %add3A_1145, %squeeze3A : i32
        %convert_element_type3A_1147 = arith.extui %lt3A_1146 : i1 to i32
        %convert_element_type3A_1148 = arith.sitofp %convert_element_type3A_1147 : i32 to f32
        %add3A_1149 = arith.constant 5 : i32
        %add3A_1150 = arith.addi %mul3A_1123, %add3A_1149 : i32
        %lt3A_1151 = arith.cmpi slt, %add3A_1150, %squeeze3A : i32
        %convert_element_type3A_1152 = arith.extui %lt3A_1151 : i1 to i32
        %convert_element_type3A_1153 = arith.sitofp %convert_element_type3A_1152 : i32 to f32
        %add3A_1154 = arith.constant 6 : i32
        %add3A_1155 = arith.addi %mul3A_1123, %add3A_1154 : i32
        %lt3A_1156 = arith.cmpi slt, %add3A_1155, %squeeze3A : i32
        %convert_element_type3A_1157 = arith.extui %lt3A_1156 : i1 to i32
        %convert_element_type3A_1158 = arith.sitofp %convert_element_type3A_1157 : i32 to f32
        %add3A_1159 = arith.constant 7 : i32
        %add3A_1160 = arith.addi %mul3A_1123, %add3A_1159 : i32
        %lt3A_1161 = arith.cmpi slt, %add3A_1160, %squeeze3A : i32
        %convert_element_type3A_1162 = arith.extui %lt3A_1161 : i1 to i32
        %convert_element_type3A_1163 = arith.sitofp %convert_element_type3A_1162 : i32 to f32
        %scan3A_1164 = arith.constant 0 : i32
        %scan3A_1165 = arith.constant 0 : i32
        %scan3A_1166 = arith.constant 256 : i32
        %scan3A_1167 = arith.addi %scan3A_1165, %scan3A_1166 : i32
        %scan3A_1168 = arith.constant 1 : i32
        scf.for %scan3A_1170 = %scan3A_1165 to %scan3A_1167 step %scan3A_1168  : i32 {
          %mul3A_1171 = arith.constant 16 : i32
          %mul3A_1172 = arith.muli %scan3A_1170, %mul3A_1171 : i32
          %multiple_of3A_1173 = tpu.assume_multiple %mul3A_1172, 16 : i32
          %get3A_1174 = arith.index_cast %multiple_of3A_1173 : i32 to index
          %get3A_1175 = tpu.vector_load %arg9[%get3A_1174] {strides = array<i32>} : memref<4096xf32, #tpu.memory_space<vmem>>, vector<16xf32>,
          %get3A_1176 = arith.constant 0 : i32
          %get3A_1177 = arith.index_cast %get3A_1176 : i32 to index
          %get3A_1178 = arith.index_cast %multiple_of3A_1173 : i32 to index
          %get3A_1179 = tpu.vector_load %arg8[%get3A_1177, %get3A_1178] {strides = array<i32>} : memref<8x4096xf32, #tpu.memory_space<vmem>>, vector<16xf32>,
          %bitcast_convert_type3A = tpu.bitcast %get3A_1179 : vector<16xf32> -> vector<16xi32>
          %shift_right_logical3A = arith.constant 16 : i32
          %shift_right_logical3A_1180 = vector.broadcast %shift_right_logical3A : i32 to vector<16xi32>
          %shift_right_logical3A_1181 = arith.shrui %bitcast_convert_type3A, %shift_right_logical3A_1180 : vector<16xi32>
          %and3A_1182 = arith.constant 1 : i32
          %and3A_1183 = vector.broadcast %and3A_1182 : i32 to vector<16xi32>
          %and3A_1184 = arith.andi %shift_right_logical3A_1181, %and3A_1183 : vector<16xi32>
          %add3A_1185 = arith.constant 32767 : i32
          %add3A_1186 = vector.broadcast %add3A_1185 : i32 to vector<16xi32>
          %add3A_1187 = arith.addi %add3A_1186, %and3A_1184 : vector<16xi32>
          %add3A_1188 = arith.addi %bitcast_convert_type3A, %add3A_1187 : vector<16xi32>
          %and3A_1189 = arith.constant -65536 : i32
          %and3A_1190 = vector.broadcast %and3A_1189 : i32 to vector<16xi32>
          %and3A_1191 = arith.andi %add3A_1188, %and3A_1190 : vector<16xi32>
          %bitcast_convert_type3A_1192 = tpu.bitcast %and3A_1191 : vector<16xi32> -> vector<16xf32>
          %mul3A_1193 = vector.broadcast %convert_element_type3A_1128 : f32 to vector<16xf32>
          %mul3A_1194 = arith.mulf %bitcast_convert_type3A_1192, %mul3A_1193 : vector<16xf32>
          %add3A_1195 = arith.addf %get3A_1175, %mul3A_1194 : vector<16xf32>
          %get3A_1196 = arith.constant 1 : i32
          %get3A_1197 = arith.index_cast %get3A_1196 : i32 to index
          %get3A_1198 = arith.index_cast %multiple_of3A_1173 : i32 to index
          %get3A_1199 = tpu.vector_load %arg8[%get3A_1197, %get3A_1198] {strides = array<i32>} : memref<8x4096xf32, #tpu.memory_space<vmem>>, vector<16xf32>,
          %bitcast_convert_type3A_1200 = tpu.bitcast %get3A_1199 : vector<16xf32> -> vector<16xi32>
          %shift_right_logical3A_1201 = arith.constant 16 : i32
          %shift_right_logical3A_1202 = vector.broadcast %shift_right_logical3A_1201 : i32 to vector<16xi32>
          %shift_right_logical3A_1203 = arith.shrui %bitcast_convert_type3A_1200, %shift_right_logical3A_1202 : vector<16xi32>
          %and3A_1204 = arith.constant 1 : i32
          %and3A_1205 = vector.broadcast %and3A_1204 : i32 to vector<16xi32>
          %and3A_1206 = arith.andi %shift_right_logical3A_1203, %and3A_1205 : vector<16xi32>
          %add3A_1207 = arith.constant 32767 : i32
          %add3A_1208 = vector.broadcast %add3A_1207 : i32 to vector<16xi32>
          %add3A_1209 = arith.addi %add3A_1208, %and3A_1206 : vector<16xi32>
          %add3A_1210 = arith.addi %bitcast_convert_type3A_1200, %add3A_1209 : vector<16xi32>
          %and3A_1211 = arith.constant -65536 : i32
          %and3A_1212 = vector.broadcast %and3A_1211 : i32 to vector<16xi32>
          %and3A_1213 = arith.andi %add3A_1210, %and3A_1212 : vector<16xi32>
          %bitcast_convert_type3A_1214 = tpu.bitcast %and3A_1213 : vector<16xi32> -> vector<16xf32>
          %mul3A_1215 = vector.broadcast %convert_element_type3A_1133 : f32 to vector<16xf32>
          %mul3A_1216 = arith.mulf %bitcast_convert_type3A_1214, %mul3A_1215 : vector<16xf32>
          %add3A_1217 = arith.addf %add3A_1195, %mul3A_1216 : vector<16xf32>
          %get3A_1218 = arith.constant 2 : i32
          %get3A_1219 = arith.index_cast %get3A_1218 : i32 to index
          %get3A_1220 = arith.index_cast %multiple_of3A_1173 : i32 to index
          %get3A_1221 = tpu.vector_load %arg8[%get3A_1219, %get3A_1220] {strides = array<i32>} : memref<8x4096xf32, #tpu.memory_space<vmem>>, vector<16xf32>,
          %bitcast_convert_type3A_1222 = tpu.bitcast %get3A_1221 : vector<16xf32> -> vector<16xi32>
          %shift_right_logical3A_1223 = arith.constant 16 : i32
          %shift_right_logical3A_1224 = vector.broadcast %shift_right_logical3A_1223 : i32 to vector<16xi32>
          %shift_right_logical3A_1225 = arith.shrui %bitcast_convert_type3A_1222, %shift_right_logical3A_1224 : vector<16xi32>
          %and3A_1226 = arith.constant 1 : i32
          %and3A_1227 = vector.broadcast %and3A_1226 : i32 to vector<16xi32>
          %and3A_1228 = arith.andi %shift_right_logical3A_1225, %and3A_1227 : vector<16xi32>
          %add3A_1229 = arith.constant 32767 : i32
          %add3A_1230 = vector.broadcast %add3A_1229 : i32 to vector<16xi32>
          %add3A_1231 = arith.addi %add3A_1230, %and3A_1228 : vector<16xi32>
          %add3A_1232 = arith.addi %bitcast_convert_type3A_1222, %add3A_1231 : vector<16xi32>
          %and3A_1233 = arith.constant -65536 : i32
          %and3A_1234 = vector.broadcast %and3A_1233 : i32 to vector<16xi32>
          %and3A_1235 = arith.andi %add3A_1232, %and3A_1234 : vector<16xi32>
          %bitcast_convert_type3A_1236 = tpu.bitcast %and3A_1235 : vector<16xi32> -> vector<16xf32>
          %mul3A_1237 = vector.broadcast %convert_element_type3A_1138 : f32 to vector<16xf32>
          %mul3A_1238 = arith.mulf %bitcast_convert_type3A_1236, %mul3A_1237 : vector<16xf32>
          %add3A_1239 = arith.addf %add3A_1217, %mul3A_1238 : vector<16xf32>
          %get3A_1240 = arith.constant 3 : i32
          %get3A_1241 = arith.index_cast %get3A_1240 : i32 to index
          %get3A_1242 = arith.index_cast %multiple_of3A_1173 : i32 to index
          %get3A_1243 = tpu.vector_load %arg8[%get3A_1241, %get3A_1242] {strides = array<i32>} : memref<8x4096xf32, #tpu.memory_space<vmem>>, vector<16xf32>,
          %bitcast_convert_type3A_1244 = tpu.bitcast %get3A_1243 : vector<16xf32> -> vector<16xi32>
          %shift_right_logical3A_1245 = arith.constant 16 : i32
          %shift_right_logical3A_1246 = vector.broadcast %shift_right_logical3A_1245 : i32 to vector<16xi32>
          %shift_right_logical3A_1247 = arith.shrui %bitcast_convert_type3A_1244, %shift_right_logical3A_1246 : vector<16xi32>
          %and3A_1248 = arith.constant 1 : i32
          %and3A_1249 = vector.broadcast %and3A_1248 : i32 to vector<16xi32>
          %and3A_1250 = arith.andi %shift_right_logical3A_1247, %and3A_1249 : vector<16xi32>
          %add3A_1251 = arith.constant 32767 : i32
          %add3A_1252 = vector.broadcast %add3A_1251 : i32 to vector<16xi32>
          %add3A_1253 = arith.addi %add3A_1252, %and3A_1250 : vector<16xi32>
          %add3A_1254 = arith.addi %bitcast_convert_type3A_1244, %add3A_1253 : vector<16xi32>
          %and3A_1255 = arith.constant -65536 : i32
          %and3A_1256 = vector.broadcast %and3A_1255 : i32 to vector<16xi32>
          %and3A_1257 = arith.andi %add3A_1254, %and3A_1256 : vector<16xi32>
          %bitcast_convert_type3A_1258 = tpu.bitcast %and3A_1257 : vector<16xi32> -> vector<16xf32>
          %mul3A_1259 = vector.broadcast %convert_element_type3A_1143 : f32 to vector<16xf32>
          %mul3A_1260 = arith.mulf %bitcast_convert_type3A_1258, %mul3A_1259 : vector<16xf32>
          %add3A_1261 = arith.addf %add3A_1239, %mul3A_1260 : vector<16xf32>
          %get3A_1262 = arith.constant 4 : i32
          %get3A_1263 = arith.index_cast %get3A_1262 : i32 to index
          %get3A_1264 = arith.index_cast %multiple_of3A_1173 : i32 to index
          %get3A_1265 = tpu.vector_load %arg8[%get3A_1263, %get3A_1264] {strides = array<i32>} : memref<8x4096xf32, #tpu.memory_space<vmem>>, vector<16xf32>,
          %bitcast_convert_type3A_1266 = tpu.bitcast %get3A_1265 : vector<16xf32> -> vector<16xi32>
          %shift_right_logical3A_1267 = arith.constant 16 : i32
          %shift_right_logical3A_1268 = vector.broadcast %shift_right_logical3A_1267 : i32 to vector<16xi32>
          %shift_right_logical3A_1269 = arith.shrui %bitcast_convert_type3A_1266, %shift_right_logical3A_1268 : vector<16xi32>
          %and3A_1270 = arith.constant 1 : i32
          %and3A_1271 = vector.broadcast %and3A_1270 : i32 to vector<16xi32>
          %and3A_1272 = arith.andi %shift_right_logical3A_1269, %and3A_1271 : vector<16xi32>
          %add3A_1273 = arith.constant 32767 : i32
          %add3A_1274 = vector.broadcast %add3A_1273 : i32 to vector<16xi32>
          %add3A_1275 = arith.addi %add3A_1274, %and3A_1272 : vector<16xi32>
          %add3A_1276 = arith.addi %bitcast_convert_type3A_1266, %add3A_1275 : vector<16xi32>
          %and3A_1277 = arith.constant -65536 : i32
          %and3A_1278 = vector.broadcast %and3A_1277 : i32 to vector<16xi32>
          %and3A_1279 = arith.andi %add3A_1276, %and3A_1278 : vector<16xi32>
          %bitcast_convert_type3A_1280 = tpu.bitcast %and3A_1279 : vector<16xi32> -> vector<16xf32>
          %mul3A_1281 = vector.broadcast %convert_element_type3A_1148 : f32 to vector<16xf32>
          %mul3A_1282 = arith.mulf %bitcast_convert_type3A_1280, %mul3A_1281 : vector<16xf32>
          %add3A_1283 = arith.addf %add3A_1261, %mul3A_1282 : vector<16xf32>
          %get3A_1284 = arith.constant 5 : i32
          %get3A_1285 = arith.index_cast %get3A_1284 : i32 to index
          %get3A_1286 = arith.index_cast %multiple_of3A_1173 : i32 to index
          %get3A_1287 = tpu.vector_load %arg8[%get3A_1285, %get3A_1286] {strides = array<i32>} : memref<8x4096xf32, #tpu.memory_space<vmem>>, vector<16xf32>,
          %bitcast_convert_type3A_1288 = tpu.bitcast %get3A_1287 : vector<16xf32> -> vector<16xi32>
          %shift_right_logical3A_1289 = arith.constant 16 : i32
          %shift_right_logical3A_1290 = vector.broadcast %shift_right_logical3A_1289 : i32 to vector<16xi32>
          %shift_right_logical3A_1291 = arith.shrui %bitcast_convert_type3A_1288, %shift_right_logical3A_1290 : vector<16xi32>
          %and3A_1292 = arith.constant 1 : i32
          %and3A_1293 = vector.broadcast %and3A_1292 : i32 to vector<16xi32>
          %and3A_1294 = arith.andi %shift_right_logical3A_1291, %and3A_1293 : vector<16xi32>
          %add3A_1295 = arith.constant 32767 : i32
          %add3A_1296 = vector.broadcast %add3A_1295 : i32 to vector<16xi32>
          %add3A_1297 = arith.addi %add3A_1296, %and3A_1294 : vector<16xi32>
          %add3A_1298 = arith.addi %bitcast_convert_type3A_1288, %add3A_1297 : vector<16xi32>
          %and3A_1299 = arith.constant -65536 : i32
          %and3A_1300 = vector.broadcast %and3A_1299 : i32 to vector<16xi32>
          %and3A_1301 = arith.andi %add3A_1298, %and3A_1300 : vector<16xi32>
          %bitcast_convert_type3A_1302 = tpu.bitcast %and3A_1301 : vector<16xi32> -> vector<16xf32>
          %mul3A_1303 = vector.broadcast %convert_element_type3A_1153 : f32 to vector<16xf32>
          %mul3A_1304 = arith.mulf %bitcast_convert_type3A_1302, %mul3A_1303 : vector<16xf32>
          %add3A_1305 = arith.addf %add3A_1283, %mul3A_1304 : vector<16xf32>
          %get3A_1306 = arith.constant 6 : i32
          %get3A_1307 = arith.index_cast %get3A_1306 : i32 to index
          %get3A_1308 = arith.index_cast %multiple_of3A_1173 : i32 to index
          %get3A_1309 = tpu.vector_load %arg8[%get3A_1307, %get3A_1308] {strides = array<i32>} : memref<8x4096xf32, #tpu.memory_space<vmem>>, vector<16xf32>,
          %bitcast_convert_type3A_1310 = tpu.bitcast %get3A_1309 : vector<16xf32> -> vector<16xi32>
          %shift_right_logical3A_1311 = arith.constant 16 : i32
          %shift_right_logical3A_1312 = vector.broadcast %shift_right_logical3A_1311 : i32 to vector<16xi32>
          %shift_right_logical3A_1313 = arith.shrui %bitcast_convert_type3A_1310, %shift_right_logical3A_1312 : vector<16xi32>
          %and3A_1314 = arith.constant 1 : i32
          %and3A_1315 = vector.broadcast %and3A_1314 : i32 to vector<16xi32>
          %and3A_1316 = arith.andi %shift_right_logical3A_1313, %and3A_1315 : vector<16xi32>
          %add3A_1317 = arith.constant 32767 : i32
          %add3A_1318 = vector.broadcast %add3A_1317 : i32 to vector<16xi32>
          %add3A_1319 = arith.addi %add3A_1318, %and3A_1316 : vector<16xi32>
          %add3A_1320 = arith.addi %bitcast_convert_type3A_1310, %add3A_1319 : vector<16xi32>
          %and3A_1321 = arith.constant -65536 : i32
          %and3A_1322 = vector.broadcast %and3A_1321 : i32 to vector<16xi32>
          %and3A_1323 = arith.andi %add3A_1320, %and3A_1322 : vector<16xi32>
          %bitcast_convert_type3A_1324 = tpu.bitcast %and3A_1323 : vector<16xi32> -> vector<16xf32>
          %mul3A_1325 = vector.broadcast %convert_element_type3A_1158 : f32 to vector<16xf32>
          %mul3A_1326 = arith.mulf %bitcast_convert_type3A_1324, %mul3A_1325 : vector<16xf32>
          %add3A_1327 = arith.addf %add3A_1305, %mul3A_1326 : vector<16xf32>
          %get3A_1328 = arith.constant 7 : i32
          %get3A_1329 = arith.index_cast %get3A_1328 : i32 to index
          %get3A_1330 = arith.index_cast %multiple_of3A_1173 : i32 to index
          %get3A_1331 = tpu.vector_load %arg8[%get3A_1329, %get3A_1330] {strides = array<i32>} : memref<8x4096xf32, #tpu.memory_space<vmem>>, vector<16xf32>,
          %bitcast_convert_type3A_1332 = tpu.bitcast %get3A_1331 : vector<16xf32> -> vector<16xi32>
          %shift_right_logical3A_1333 = arith.constant 16 : i32
          %shift_right_logical3A_1334 = vector.broadcast %shift_right_logical3A_1333 : i32 to vector<16xi32>
          %shift_right_logical3A_1335 = arith.shrui %bitcast_convert_type3A_1332, %shift_right_logical3A_1334 : vector<16xi32>
          %and3A_1336 = arith.constant 1 : i32
          %and3A_1337 = vector.broadcast %and3A_1336 : i32 to vector<16xi32>
          %and3A_1338 = arith.andi %shift_right_logical3A_1335, %and3A_1337 : vector<16xi32>
          %add3A_1339 = arith.constant 32767 : i32
          %add3A_1340 = vector.broadcast %add3A_1339 : i32 to vector<16xi32>
          %add3A_1341 = arith.addi %add3A_1340, %and3A_1338 : vector<16xi32>
          %add3A_1342 = arith.addi %bitcast_convert_type3A_1332, %add3A_1341 : vector<16xi32>
          %and3A_1343 = arith.constant -65536 : i32
          %and3A_1344 = vector.broadcast %and3A_1343 : i32 to vector<16xi32>
          %and3A_1345 = arith.andi %add3A_1342, %and3A_1344 : vector<16xi32>
          %bitcast_convert_type3A_1346 = tpu.bitcast %and3A_1345 : vector<16xi32> -> vector<16xf32>
          %mul3A_1347 = vector.broadcast %convert_element_type3A_1163 : f32 to vector<16xf32>
          %mul3A_1348 = arith.mulf %bitcast_convert_type3A_1346, %mul3A_1347 : vector<16xf32>
          %add3A_1349 = arith.addf %add3A_1327, %mul3A_1348 : vector<16xf32>
          %swap3A_1350 = arith.index_cast %multiple_of3A_1173 : i32 to index
          %swap3A_1351 = tpu.vector_load %arg9[%swap3A_1350] {strides = array<i32>} : memref<4096xf32, #tpu.memory_space<vmem>>, vector<16xf32>,
          tpu.vector_store %arg9[%swap3A_1350], %add3A_1349 {strides = array<i32>} : memref<4096xf32, #tpu.memory_space<vmem>>, vector<16xf32>,
        }
        %scan3A_1169 = arith.constant 256 : i32
      } else {
      }
    }
    "tpu.region"() ({
      %run_scoped3A = tpu.sem_alloc : memref<!tpu.dma_semaphore, #tpu.memory_space<semaphore_mem>>
      %dma_start3A = arith.constant 0 : i32
      %dma_start3A_1037 = tpu.memref_slice %arg4[%add3A, %dma_start3A] : memref<32x4096xf32, #tpu.memory_space<hbm>> -> memref<1x4096xf32, #tpu.memory_space<hbm>>
      %dma_start3A_1038 = tpu.memref_squeeze %dma_start3A_1037 : memref<1x4096xf32, #tpu.memory_space<hbm>> -> memref<4096xf32, #tpu.memory_space<hbm>>
      %dma_start3A_1039 = arith.constant 0 : i32
      %dma_start3A_1040 = tpu.memref_slice %arg4[%add3A, %dma_start3A_1039] : memref<32x4096xf32, #tpu.memory_space<hbm>> -> memref<1x4096xf32, #tpu.memory_space<hbm>>
      %dma_start3A_1041 = tpu.memref_squeeze %dma_start3A_1040 : memref<1x4096xf32, #tpu.memory_space<hbm>> -> memref<4096xf32, #tpu.memory_space<hbm>>
      tpu.enqueue_dma source(%arg9 : memref<4096xf32, #tpu.memory_space<vmem>>) target(%dma_start3A_1041 : memref<4096xf32, #tpu.memory_space<hbm>>) target_semaphore(%run_scoped3A : memref<!tpu.dma_semaphore, #tpu.memory_space<semaphore_mem>>)
      %dma_wait3A = arith.constant 0 : i32
      %dma_wait3A_1042 = tpu.memref_slice %arg4[%add3A, %dma_wait3A] : memref<32x4096xf32, #tpu.memory_space<hbm>> -> memref<1x4096xf32, #tpu.memory_space<hbm>>
      %dma_wait3A_1043 = tpu.memref_squeeze %dma_wait3A_1042 : memref<1x4096xf32, #tpu.memory_space<hbm>> -> memref<4096xf32, #tpu.memory_space<hbm>>
      %dma_wait3A_1044 = arith.constant 0 : i32
      %dma_wait3A_1045 = tpu.memref_slice %arg4[%add3A, %dma_wait3A_1044] : memref<32x4096xf32, #tpu.memory_space<hbm>> -> memref<1x4096xf32, #tpu.memory_space<hbm>>
      %dma_wait3A_1046 = tpu.memref_squeeze %dma_wait3A_1045 : memref<1x4096xf32, #tpu.memory_space<hbm>> -> memref<4096xf32, #tpu.memory_space<hbm>>
      tpu.wait_dma2 semaphore(%run_scoped3A : memref<!tpu.dma_semaphore, #tpu.memory_space<semaphore_mem>>) src(%arg9 : memref<4096xf32, #tpu.memory_space<vmem>>) dst(%dma_wait3A_1046 : memref<4096xf32, #tpu.memory_space<hbm>>)
      tpu.yield
    }) : () -> ()
    return
  }
}

module attributes {stable_mosaic.version = 14 : i64} {
  func.func @_epilogue_body(%arg0: memref<32x4096xf32, #tpu.memory_space<vmem>>, %arg1: memref<4096xf32, #tpu.memory_space<vmem>>, %arg2: memref<4096xf32, #tpu.memory_space<vmem>>, %arg3: memref<4096xf32, #tpu.memory_space<vmem>>, %arg4: memref<4096xf32, #tpu.memory_space<vmem>>) attributes {dimension_semantics = [], scalar_prefetch = 0 : i64, scratch_operands = 0 : i64, tpu.core_type = #tpu.core_type<tc>} {
    %get3A = arith.constant 0 : index
    %get3A_0 = arith.constant 0 : index
    %get3A_1 = vector.load %arg0[%get3A, %get3A_0] : memref<32x4096xf32, #tpu.memory_space<vmem>>, vector<32x4096xf32>
    %reduce_sum3A = arith.constant dense<0.000000e+00> : vector<4096xf32>
    %reduce_sum3A_2 = vector.multi_reduction <add>, %get3A_1, %reduce_sum3A [0] : vector<32x4096xf32> to vector<4096xf32>
    %get3A_3 = arith.constant 0 : index
    %get3A_4 = vector.load %arg2[%get3A_3] : memref<4096xf32, #tpu.memory_space<vmem>>, vector<4096xf32>
    %mul3A = arith.constant 0.899999976 : f32
    %mul3A_5 = vector.broadcast %mul3A : f32 to vector<4096xf32>
    %mul3A_6 = arith.mulf %mul3A_5, %get3A_4 : vector<4096xf32>
    %get3A_7 = arith.constant 0 : index
    %get3A_8 = vector.load %arg1[%get3A_7] : memref<4096xf32, #tpu.memory_space<vmem>>, vector<4096xf32>
    %add3A = arith.addf %mul3A_6, %get3A_8 : vector<4096xf32>
    %add3A_9 = arith.addf %add3A, %reduce_sum3A_2 : vector<4096xf32>
    %get3A_10 = arith.constant 0 : index
    %get3A_11 = vector.load %arg3[%get3A_10] : memref<4096xf32, #tpu.memory_space<vmem>>, vector<4096xf32>
    %gt3A = arith.cmpf ogt, %add3A_9, %get3A_11 : vector<4096xf32>
    %convert_element_type3A = arith.extui %gt3A : vector<4096xi1> to vector<4096xi32>
    %convert_element_type3A_12 = arith.sitofp %convert_element_type3A : vector<4096xi32> to vector<4096xf32>
    %swap3A = arith.constant 0 : index
    %swap3A_13 = vector.load %arg4[%swap3A] : memref<4096xf32, #tpu.memory_space<vmem>>, vector<4096xf32>
    tpu.vector_store %arg4[%swap3A], %convert_element_type3A_12 {strides = array<i32>} : memref<4096xf32, #tpu.memory_space<vmem>>, vector<4096xf32>,
    return
  }
}

</mosaic_0001>

<sc_bundles>
// kernel: kernel.4.cloned.1.call-start
scs
__scs_entry_jumppad:
0x0: {  	(pc) =	sbr.rel $0x88, $3  }
0x1: {  	(tag) =	ssettag $0x0;
	lr =	simm.s32 $0x1  }
0x2: {  	[smem:$0x3F9C] =	sst lr;
	_ =	strace $0xD0000000  }
0x3: {  	_ = 	snop  }
0x4: {  	_ = 	snop  }
0x5: {  	_ = 	snop  }
0x6: {  	_ = 	snop  }
0x7: {  	_ = 	snop  }
__scs_overlays_trampoline_lowered:
0x8: {  	[smem:$0x3FAB] =	sst s0  }
0x9: {  	[smem:$0x3FAC] =	sst s1  }
0xa: {  	[smem:$0x3FAD] =	sst s2  }
0xb: {  	[smem:$0x3FAE] =	sst s3  }
0xc: {  	[smem:$0x3FAF] =	sst s4  }
0xd: {  	[smem:$0x3FB0] =	sst s5  }
0xe: {  	[smem:$0x3FB1] =	sst s6  }
0xf: {  	[smem:$0x3FB2] =	sst s7  }
0x10: {  	[smem:$0x3FB3] =	sst s8  }
0x11: {  	[smem:$0x3FB4] =	sst s9;
	s0 =	simm.s32 @!p0 $0x0  }
0x12: {  	s1 =	sld [smem:$0x3F9A];
	s0 =	simm.s32 @p0 $0x1  }
0x13: {  	[smem:$0x3FB5] =	sst s0;
	s0 =	simm.s32 @!p1 $0x0  }
0x14: {  	s2 =	sld [smem:$0x3F99];
	s0 =	simm.s32 @p1 $0x1  }
0x15: {  	[smem:$0x3FB6] =	sst s0;
	s0 =	simm.s32 @!p2 $0x0  }
0x16: {  	s3 =	sld [smem:$0x3FDB];
	s0 =	simm.s32 @p2 $0x1  }
0x17: {  	s4 =	simm.s32 $0x1BF5;
	[smem:$0x3FB8] =	sst s0  }
0x18: {  	s0 =	sld [smem:$0x3F9B];
	_ =	swait.ge [sflag:s4], $0x0  }
0x19: {  	s7 =	sld [smem:$0x3F9C]  }
0x1a: {  	s8 =	sadd.s32 $0xFFFFE003, lr  }
0x1b: {  	s9 =	sadd.s32 $0xFFFFFEF7, lr;
	s5 =	simm.s32 $0xFFFFFFFF;
	p2 =	slt.u32 s8, $0xFFFFF086  }
0x1c: {  	p1 =	slt.u32 s9, $0xF7A;
	s5 =	simm.s32 @!p2 $0x0  }
0x1d: {  	s5 =	simm.s32 @p1 $0x1;
	p0 =	seq.s32 s7, s2  }
0x1e: {  	s7 =	smul.u32 @!p0 $0xF7A, s2;
	p2 =	seq.s32 @!p0 s5, $0x0  }
0x1f: {  	s9 =	smul.u32 $0xF7A, s1;
	s8 =	simm.s32 @!p0 $0x1BF5;
	p2 =	por !p2, p0  }
0x20: {  	[sflag:s8] =	ssyncset.s32 @!p0 $0xFFFFF086;
	s6 =	sadd.s32 @!p0 s3, s7;
	s7 =	simm.s32 @!p0 $0x108  }
0x21: {  	s3 =	sadd.s32 s3, s9;
	s6 =	sadd.s32 @!p0 $0x88, s6;
	s7 =	simm.s32 @p2 $0x1082  }
0x22: {  	[simem:s7], [sflag:s8] =	dma.local @!p0 [hbm:s6], $0xF7A  }
0x23: {  	s9 =	sor.u32 $0xD0000000, s2;
	s6 =	simm.s32 $0x108;
	_ =	swait.ge @!p0 [sflag:s8], $0x0  }
0x24: {  	s3 =	sadd.s32 $0x88, s3;
	s6 =	simm.s32 @!p1 $0x1082;
	[sflag:s4] =	ssyncset.s32 $0xFFFFF086  }
0x25: {  	[simem:s6], [sflag:s4] =	dma.local [hbm:s3], $0xF7A  }
0x26: {  	[smem:$0x3F9C] =	sst s1;
	(tag) =	ssettag s2;
	_ =	strace s9  }
0x27: {  	s1 =	sld [smem:$0x3FAC]  }
0x28: {  	s2 =	sld [smem:$0x3FAD]  }
0x29: {  	s4 =	sld [smem:$0x3FAF]  }
0x2a: {  	p0 =	seq.s32 s5, $0x0;
	s5 =	sld [smem:$0x3FB0]  }
0x2b: {  	s6 =	sld [smem:$0x3FB1]  }
0x2c: {  	s7 =	sld [smem:$0x3FB2]  }
0x2d: {  	s3 =	simm.s32 $0x108;
	s8 =	sld [smem:$0x3FB3]  }
0x2e: {  	s3 =	simm.s32 @!p0 $0x1082;
	s9 =	sld [smem:$0x3FB4]  }
0x2f: {  	lr =	sadd.s32 s0, s3;
	s0 =	sld [smem:$0x3FAB]  }
0x30: {  	s3 =	sld [smem:$0x3FAE]  }
0x31: {  	[smem:$0x3FB7] =	sst s10  }
0x32: {  	s10 =	sld [smem:$0x3FB5];
	_ =	sdelay $0x3  }
0x33: {  	p0 =	seq.s32 s10, $0x1;
	s10 =	sld [smem:$0x3FB7];
	_ =	sdelay $0x3  }
0x34: {  	[smem:$0x3FB7] =	sst s10  }
0x35: {  	s10 =	sld [smem:$0x3FB6];
	_ =	sdelay $0x3  }
0x36: {  	p1 =	seq.s32 s10, $0x1;
	s10 =	sld [smem:$0x3FB7];
	_ =	sdelay $0x3  }
0x37: {  	[smem:$0x3FB7] =	sst s10  }
0x38: {  	s10 =	sld [smem:$0x3FB8]  }
0x39: {  	_ = 	snop;
	(pc) =	sbr.ind lr, $3  }
0x3a: {  	_ = 	snop  }
0x3b: {  	_ = 	snop  }
0x3c: {  	p2 =	seq.s32 s10, $0x1;
	s10 =	sld [smem:$0x3FB7]  }
0x3d: {  	_ =	shalt  }
0x3e: {  	_ =	shalt  }
0x3f: {  	_ =	shalt  }
0x40: {  	_ =	shalt  }
0x41: {  	_ =	shalt  }
0x42: {  	_ =	shalt  }
0x43: {  	_ =	shalt  }
0x44: {  	_ =	shalt  }
0x45: {  	_ =	shalt  }
0x46: {  	_ =	shalt  }
0x47: {  	_ =	shalt  }
0x48: {  	_ =	shalt  }
0x49: {  	_ =	shalt  }
0x4a: {  	_ =	shalt  }
0x4b: {  	_ =	shalt  }
0x4c: {  	_ =	shalt  }
0x4d: {  	_ =	shalt  }
0x4e: {  	_ =	shalt  }
0x4f: {  	_ =	shalt  }
0x50: {  	_ =	shalt  }
0x51: {  	_ =	shalt  }
0x52: {  	_ =	shalt  }
0x53: {  	_ =	shalt  }
0x54: {  	_ =	shalt  }
0x55: {  	_ =	shalt  }
0x56: {  	_ =	shalt  }
0x57: {  	_ =	shalt  }
0x58: {  	_ =	shalt  }
0x59: {  	_ =	shalt  }
0x5a: {  	_ =	shalt  }
0x5b: {  	_ =	shalt  }
0x5c: {  	_ =	shalt  }
0x5d: {  	_ =	shalt  }
0x5e: {  	_ =	shalt  }
0x5f: {  	_ =	shalt  }
0x60: {  	_ =	shalt  }
0x61: {  	_ =	shalt  }
0x62: {  	_ =	shalt  }
0x63: {  	_ =	shalt  }
0x64: {  	_ =	shalt  }
0x65: {  	_ =	shalt  }
0x66: {  	_ =	shalt  }
0x67: {  	_ =	shalt  }
0x68: {  	_ =	shalt  }
0x69: {  	_ =	shalt  }
0x6a: {  	_ =	shalt  }
0x6b: {  	_ =	shalt  }
0x6c: {  	_ =	shalt  }
0x6d: {  	_ =	shalt  }
0x6e: {  	_ =	shalt  }
0x6f: {  	_ =	shalt  }
0x70: {  	_ =	shalt  }
0x71: {  	_ =	shalt  }
0x72: {  	_ =	shalt  }
0x73: {  	_ =	shalt  }
0x74: {  	_ =	shalt  }
0x75: {  	_ =	shalt  }
0x76: {  	_ =	shalt  }
0x77: {  	_ =	shalt  }
0x78: {  	_ =	shalt  }
0x79: {  	_ =	shalt  }
0x7a: {  	_ =	shalt  }
0x7b: {  	_ =	shalt  }
0x7c: {  	_ =	shalt  }
0x7d: {  	_ =	shalt  }
0x7e: {  	_ =	shalt  }
0x7f: {  	_ =	shalt  }
0x80: {  	_ =	shalt  }
0x81: {  	_ =	shalt  }
0x82: {  	_ =	shalt  }
0x83: {  	_ =	shalt  }
0x84: {  	_ =	shalt  }
0x85: {  	_ =	shalt  }
0x86: {  	_ =	shalt  }
0x87: {  	_ =	shalt  }
.Lfunc_end0:
.L_simem_size_0:
called_computation_lowered:
.L_overlay_start_0:
0x88: {  	s2 =	sld [smem:$0x3FD9]  }
0x89: {  	s3 =	sld [smem:$0x3FFE];
	_ =	sdelay $0x1  }
0x8a: {  	s1 =	srdreg.scid  }
0x8b: {  	s0 =	sand.u32 $0x1, s1  }
0x8c: {  	s17 =	sshll.u32 s0, $0xA;
	s2 =	sadd.s32 s3, s2  }
0x8d: {  	s2 =	sadd.s32 s2, s17  }
0x8e: {  	[smem:$0x3FC3] =	sst s2  }
0x8f: {  	_ = 	snop  }
0x90: {  	s2 =	sld [smem:$0x3FC5];
	(tm) =	ssettm $0x1  }
0x91: {  	s18 =	sld [smem:$0x3FFB];
	_ =	sdelay $0x3  }
0x92: {  	_ =	strace s18  }
0x93: {  	s3 =	sld [smem:$0x3FFC];
	_ =	sdelay $0x3  }
0x94: {  	_ =	strace s3  }
0x95: {  	s3 =	sld [smem:$0x3FFD];
	_ =	sdelay $0x3  }
0x96: {  	_ =	strace s3  }
0x97: {  	_ =	strace $0x8FFFFFFF  }
0x98: {  	s19 =	sld [smem:$0x3FDB];
	_ =	sdelay $0x1  }
0x99: {  	s4 =	simm.s32 $_scs_section_size  }
0x9a: {  	s5 =	simm.s32 $_size__tile_overlayer_lowered;
	s6 =	simm.s32 $_tile_overlayer_lowered  }
0x9b: {  	s22 =	simm.s32 $0x1BFF;
	s21 =	sshll.u32 s6, $0x1;
	s3 =	sadd.s32 s4, s19  }
0x9c: {  	s7 =	simm.s32 $0x0;
	s20 =	sshll.u32 s5, $0x1;
	s5 =	sadd.s32 s21, s3  }
0x9d: {  	[timem:s7], [sflag:s22] =	dma.local [hbm:s5], s20  }
0x9e: {  	_ =	swait.ge [sflag:s22], s20  }
0x9f: {  	s4 =	ssub.s32 $0x0, s20;
	[sflag:s22] =	ssyncset.done $0x0  }
0xa0: {  	[sflag:s22] =	ssyncadd.s32 s4;
	_ =	sdelay $0x1  }
0xa1: {  	s23 =	simm.s32 $0x1B8B  }
0xa2: {  	_ =	swait.ge [sflag:s23], $0x1  }
0xa3: {  	[sflag:s23] =	ssyncset.done $0x0  }
0xa4: {  	s25 =	simm.s32 $0x1B8E;
	s24 =	sld [smem:$0x3FFE];
	[sflag:s23] =	ssyncadd.s32 $0xFFFFFFFF  }
0xa5: {  	s26 =	simm.s32 $execute0_lowered;
	[smem:$0x3FD2] =	sst s25  }
0xa6: {  	s5 =	sshll.u32 s26, $0x1;
	_ =	strace $0x80000046;
	[dreg:$0x1] =	wrdreg $0xFFFFFFFF  }
0xa7: {  	s28 =	simm.s32 $_size_execute0_lowered;
	s3 =	sadd.s32 s3, s5;
	[dreg:$0x0] =	wrdreg $0x0  }
0xa8: {  	s5 =	sshll.u32 s28, $0x1;
	[dreg:$0x2] =	wrdreg s3  }
0xa9: {  	[dreg:$0x3] =	wrdreg s5  }
0xaa: {  	[dreg:$0x4] =	wrdreg $0xC0  }
0xab: {  	_ =	task [dreg:s7], $0x5FFFF  }
0xac: {  	[dreg:$0x1] =	wrdreg $0xFFFFFFFF  }
0xad: {  	[dreg:$0x0] =	wrdreg $0x60  }
0xae: {  	[dreg:$0x2] =	wrdreg s24  }
0xaf: {  	[dreg:$0x3] =	wrdreg s2  }
0xb0: {  	[dreg:$0x4] =	wrdreg $0x9  }
0xb1: {  	_ =	task.clear_ibuf [dreg:s7], $0x5FFFF;
	_ =	strace $0x90000046  }
0xb2: {  	s29 =	simm.s32 $0x9;
	_ =	strace $0x80000048  }
0xb3: {  	_ =	swait.ge [sflag:s29], $0x1  }
0xb4: {  	[sflag:s29] =	ssyncadd.s32 $0xFFFFFFFF  }
0xb5: {  	_ =	strace $0x90000048  }
0xb6: {  	_ =	sfence  }
0xb7: {  	s30 =	sld [smem:$0x0];
	_ =	sdelay $0x2  }
0xb8: {  	s31 =	sshll.u32 s1, $0xD;
	s1 =	sshrl.u32 s1, $0x2  }
0xb9: {  	s3 =	sand.u32 $0x4000, s31;
	s1 =	sadd.s32 s1, s30  }
0xba: {  	s0 =	sor.u32 s3, s0;
	s1 =	sshll.u32 s1, $0x11  }
0xbb: {  	s0 =	sor.u32 s1, s0  }
0xbc: {  	s0 =	sadd.s32 $0x8F2B, s0  }
0xbd: {  	[sflag:s0] =	ssyncadd.remote.s32 $0x1  }
0xbe: {  	_ =	sfence.sel $0xFFFF  }
0xbf: {  	[dreg:$0x0] =	wrdreg $0xFFFFFFFF;
	(pc) =	sbr.abs _section_cstart, $3  }
0xc0: {  	[dreg:$0x1] =	wrdreg $0xFFFFFFFF  }
0xc1: {  	_ =	task.clear_ibuf [dreg:s7], $0x2FFFF;
	_ =	strace $0x9FFFFFFF  }
0xc2: {  	(tm) =	ssettm $0x7FFFFFFF  }
0xc3: {  	_ =	shalt  }
tec
execute0_lowered:
.L_overlay_start_1:
0x0: {  	(tag) =	ssettag $0x1  }
0x1: {  	s0 =	srdreg.scid;
	s2 =	rddreg [dreg:$0x0]  }
0x2: {  	s6 =	stileid.u32;
	s28 =	rddreg [dreg:$0x1];
	s7 =	simm.s32 $0x0  }
0x3: {  	v3 =	vimm.s32 $0xEDCBA987;
	v5 =	vimm.s32 $0x65432100;
	s1 =	sand.u32 $0x1, s0;
	[smem:$0x7FF] =	sst s7;
	s29 =	sadd.s32 $0x100, s28  }
0x4: {  	v12 =	vimm.s32 $0xDCBA9876;
	s26 =	sadd.s32 $0x200, s28;
	s30 =	sadd.s32 $0x300, s28;
	s8 =	sadd.s32 $0x400, s28  }
0x5: {  	v0 =	vlaneseq.u32;
	v11 =	vimm.s32 $0x54321000;
	v13 =	vimm.s32 $0xBA987654;
	s9 =	sadd.s32 $0x500, s28;
	s10 =	sadd.s32 $0x600, s28;
	s11 =	sadd.s32 $0x700, s28  }
0x6: {  	v14 =	vimm.s32 $0x32100000;
	v15 =	vimm.s32 $0xE40000;
	vm0 =	vmmov $0x3;
	s12 =	sadd.s32 $0x800, s28;
	s13 =	sadd.s32 $0x900, s28;
	s14 =	sadd.s32 $0xA00, s28  }
0x7: {  	vm1 =	vmmov $0xf;
	vm2 =	vcmask $0x3F30;
	v7 =	vunpack.c.l.s4.s8 v3;
	s15 =	sadd.s32 $0xB00, s28;
	s16 =	sadd.s32 $0xC00, s28;
	s17 =	sadd.s32 $0xD00, s28  }
0x8: {  	v9 =	vunpack.c.l.s4.s8 v5;
	v11 =	vunpack.c.l.s4.s8 v11;
	v12 =	vunpack.c.l.s4.s8 v12;
	s0 =	sshll.u32 s1, $0x4;
	_ =	strace $0x80000047;
	[dreg:$0x4] =	wrdreg s26  }
0x9: {  	v13 =	vunpack.c.l.s4.s8 v13;
	v14 =	vunpack.c.l.s4.s8 v14;
	v15 =	vunpack.c.l.s2.s4 v15;
	s1 =	ssub.s32 $0x2, s1;
	[dreg:$0x5] =	wrdreg s30;
	s0 =	sor.u32 s6, s0  }
0xa: {  	v10 =	vunpack.c.0.s8.s32 v7;
	s6 =	sshll.u32 s6, $0x4;
	v9 =	vunpack.c.0.s8.s32 v9;
	s25 =	sshrl.u32 s1, $0x1;
	v12 =	vunpack.c.0.s8.s32 v12;
	s3 =	sshll.u32 s0, $0x7  }
0xb: {  	v11 =	vunpack.c.0.s8.s32 v11;
	v13 =	vunpack.c.0.s8.s32 v13;
	v15 =	vunpack.c.l.s4.s8 v15;
	s22 =	sshll.u32 s0, $0x4;
	s24 =	sand.u32 $0x70, s6;
	s1 =	ssub.s32 s1, s25  }
0xc: {  	v14 =	vunpack.c.0.s8.s32 v14;
	s0 =	sshll.u32 s0, $0x9;
	v1 =	vor.u32 s3, v0;
	s4 =	sor.u32 $0x10, s3;
	s18 =	sor.u32 $0x20, s3;
	v10 =	vand.u32 $0xF, v10  }
0xd: {  	s5 =	sor.u32 $0x30, s3;
	s19 =	sor.u32 $0x40, s3;
	s20 =	sor.u32 $0x50, s3;
	v12 =	vand.u32 $0xF, v12;
	v15 =	vunpack.c.0.s8.s32 v15;
	v2 =	vor.u32 s4, v0  }
0xe: {  	s21 =	sor.u32 $0x60, s3;
	s3 =	sor.u32 $0x70, s3;
	s23 =	sadd.s32 s22, s2;
	v3 =	vor.u32 s18, v0;
	v4 =	vor.u32 s5, v0;
	v5 =	vor.u32 s19, v0  }
.Ltmp0:
0xf: {  	s2 =	sadd.s32 s24, s2;
	s0 =	sand.u32 $0x3000, s0;
	v6 =	vor.u32 s20, v0;
	v11 =	vcombine.low v11, v12;
	v12 =	vand.u32 $0xF, v13;
	(pc) =	sbr.rel .LBB2_1-.Ltmp0, $4  }
0x10: {  	s31 =	smax.u32 s1, $0x1;
	s1 =	simm.s32 $0x0;
	v8 =	vor.u32 s3, v0;
	s3 =	sadd.s32 $0xC00, s23;
	v12 =	vcombine.low v14, v12;
	v14 =	vimm.s32 $0x7060504  }
0x11: {  	v7 =	vor.u32 s21, v0;
	v9 =	vcombine.low v9, v10;
	s18 =	sadd.s32 $0xE00, s28;
	s0 =	sadd.s32 s0, s2;
	[dreg:$0x7] =	wrdreg s31;
	v14 =	vunpack.c.0.s8.s32 v14  }
0x12: {  	v10 =	vimm.s32 $0x0;
	s19 =	sadd.s32 $0xF00, s28;
	v13 =	vimm.f32 $0.0e+00;
	[dreg:$0x3] =	wrdreg s3;
	s0 =	sadd.s32 $0xE00, s0;
	v15 =	vand.u32 $0x3, v15  }
0x13: {  	s2 =	simm.s32 $0x3;
	s3 =	simm.s32 $0x80;
	[dreg:$0x6] =	wrdreg s0;
	v14 =	vsel vm2, v14, v15;
	vm2 =	vmmov $0xff;
	v15 =	vimm.s32 $0xF  }
.LBB2_11:
0x14: {  	s0 =	rddreg [dreg:$0x6]  }
0x15: {  	s3 =	simm.s32 $0x80;
	s1 =	simm.s32 $0x400;
	s2 =	simm.s32 $0x10100  }
0x16: {  	[hbm4b:s0+s3] =	stream.strided.scatter [tilespmem:s2], [sflag:$0x3], $0x1000, s1, s3, $0x38;
	[tilespmem:$0x11100] =	vst v63  }
0x17: {  	s2 =	simm.s32 $0x3  }
0x18: {  	_ =	swait.ge [sflag:s2], $0x1000  }
0x19: {  	s30 =	rddreg [dreg:$0x8]  }
0x1a: {  	s31 =	rddreg [dreg:$0x7];
	s1 =	sadd.s32 $0x1, s30  }
0x1b: {  	p0 =	sne.s32 s1, s31  }
.Ltmp1:
0x1c: {  	_ = 	snop;
	(pc) =	sbr.rel @!p0 .LBB2_12-.Ltmp1, $3  }
0x1d: {  	_ =	sdelay $0x1  }
0x1e: {  	[sflag:s2] =	ssyncset.done $0x0  }
0x1f: {  	[sflag:s2] =	ssyncadd.s32 $0xFFFFF000  }
.LBB2_1:
0x20: {  	[dreg:$0x8] =	wrdreg s1  }
0x21: {  	s0 =	simm.s32 $0x0;
	s31 =	rddreg [dreg:$0x3]  }
0x22: {  	[tilespmem:s0], [sflag:$0x3] =	stream.linear.gather [hbm4b:s31+s0], $0x80, $0x38;
	[tilespmem:$0x11100] =	vst v63  }
0x23: {  	_ =	swait.ge [sflag:s2], $0x80  }
0x24: {  	[sflag:s2] =	ssyncset.done $0x0  }
0x25: {  	[sflag:s2] =	ssyncadd.s32 $0xFFFFFF80  }
0x26: {  	[tilespmem:$0x80] =	vst v10  }
0x27: {  	[tilespmem:$0x90] =	vst v10  }
0x28: {  	[tilespmem:$0xA0] =	vst v10  }
0x29: {  	[tilespmem:$0xB0] =	vst v10  }
0x2a: {  	[tilespmem:$0xC0] =	vst v10  }
0x2b: {  	[tilespmem:$0xD0] =	vst v10  }
0x2c: {  	[tilespmem:$0xE0] =	vst v10  }
0x2d: {  	s1 =	simm.s32 $0x0;
	s0 =	simm.s32 $0x40;
	[tilespmem:$0xF0] =	vst v10  }
.LBB2_2:
0x2e: {  	p0 =	sne.s32 s0, $0x3FC0;
	[tilespmem:s1+$0x10100] =	vst v13;
	s1 =	smov.u32 s0;
	s0 =	sadd.s32 $0x40, s0  }
.Ltmp2:
0x2f: {  	(pc) =	sbr.rel @p0 .LBB2_2-.Ltmp2, $2  }
0x30: {  	_ =	sdelay $0x2  }
0x31: {  	s1 =	sshra.s32 s1, $0x2  }
0x32: {  	[tilespmem:s1+$0x10100] =	vst v13  }
0x33: {  	v16 =	vld [tilespmem:$0x0];
	_ =	sdelay $0x4  }
0x34: {  	v17 =	vperm.xlane v16, v9  }
0x35: {  	vm3 =	veq.s32 v0, $0x0  }
0x36: {  	v17 =	vsel vm3, $0x0, v17  }
0x37: {  	v17 =	vadd.s32 v16, v17  }
0x38: {  	v18 =	vperm.xlane v17, v11;
	_ =	sdelay $0x1  }
0x39: {  	v18 =	vsel vm0, $0x0, v18  }
0x3a: {  	v17 =	vadd.s32 v18, v17  }
0x3b: {  	v18 =	vperm.xlane v17, v12;
	_ =	sdelay $0x1  }
0x3c: {  	v18 =	vsel vm1, $0x0, v18  }
0x3d: {  	v17 =	vadd.s32 v18, v17  }
0x3e: {  	v18 =	vperm.xlane v17, v14;
	_ =	sdelay $0x1  }
0x3f: {  	v18 =	vsel vm2, $0x0, v18  }
0x40: {  	vm4 =	vgt.s32 v16, $0x0;
	v16 =	vadd.s32 v18, v17  }
0x41: {  	v17 =	vadd.s32 $0xFFFFFFFF, v16;
	_ =	sdelay $0x4  }
0x42: {  	[tilespmem:v17+s3+$0x0] =	vst.idx.msk vm4, v1  }
0x43: {  	v17 =	vld [tilespmem:$0x10];
	_ =	sdelay $0x4  }
0x44: {  	v47 =	vperm.xlane v17, v9;
	_ =	sdelay $0x1  }
0x45: {  	v18 =	vsel vm3, $0x0, v47  }
0x46: {  	v18 =	vadd.s32 v17, v18  }
0x47: {  	v19 =	vperm.xlane v18, v11;
	_ =	sdelay $0x1  }
0x48: {  	v19 =	vsel vm0, $0x0, v19  }
0x49: {  	v18 =	vadd.s32 v19, v18  }
0x4a: {  	v19 =	vperm.xlane v18, v12;
	_ =	sdelay $0x1  }
0x4b: {  	v19 =	vsel vm1, $0x0, v19  }
0x4c: {  	v18 =	vadd.s32 v19, v18  }
0x4d: {  	v19 =	vperm.xlane v18, v14;
	_ =	sdelay $0x1  }
0x4e: {  	v16 =	vperm.xlane v16, v15;
	v19 =	vsel vm2, $0x0, v19  }
0x4f: {  	v18 =	vadd.s32 v19, v18  }
0x50: {  	vm10 =	vgt.s32 v17, $0x0;
	v17 =	vadd.s32 v18, v16  }
0x51: {  	v17 =	vadd.s32 $0xFFFFFFFF, v17;
	_ =	sdelay $0x4  }
0x52: {  	[tilespmem:v17+s3+$0x0] =	vst.idx.msk vm10, v2  }
0x53: {  	v17 =	vld [tilespmem:$0x20];
	_ =	sdelay $0x4  }
0x54: {  	v48 =	vperm.xlane v17, v9;
	_ =	sdelay $0x1  }
0x55: {  	v19 =	vsel vm3, $0x0, v48  }
0x56: {  	v19 =	vadd.s32 v17, v19  }
0x57: {  	v20 =	vperm.xlane v19, v11;
	_ =	sdelay $0x1  }
0x58: {  	v20 =	vsel vm0, $0x0, v20  }
0x59: {  	v19 =	vadd.s32 v20, v19  }
0x5a: {  	v20 =	vperm.xlane v19, v12;
	_ =	sdelay $0x1  }
0x5b: {  	v20 =	vsel vm1, $0x0, v20  }
0x5c: {  	v19 =	vadd.s32 v20, v19  }
0x5d: {  	v20 =	vperm.xlane v19, v14  }
0x5e: {  	v18 =	vperm.xlane v18, v15  }
0x5f: {  	v20 =	vsel vm2, $0x0, v20  }
0x60: {  	v16 =	vadd.s32 v16, v18;
	v49 =	vadd.s32 v20, v19  }
0x61: {  	vm11 =	vgt.s32 v17, $0x0;
	v17 =	vadd.s32 v49, v16  }
0x62: {  	v17 =	vadd.s32 $0xFFFFFFFF, v17;
	_ =	sdelay $0x4  }
0x63: {  	[tilespmem:v17+s3+$0x0] =	vst.idx.msk vm11, v3  }
0x64: {  	v17 =	vld [tilespmem:$0x30];
	_ =	sdelay $0x4  }
0x65: {  	v50 =	vperm.xlane v17, v9;
	_ =	sdelay $0x1  }
0x66: {  	v19 =	vsel vm3, $0x0, v50  }
0x67: {  	v19 =	vadd.s32 v17, v19  }
0x68: {  	v51 =	vperm.xlane v19, v11;
	_ =	sdelay $0x1  }
0x69: {  	v20 =	vsel vm0, $0x0, v51  }
0x6a: {  	v19 =	vadd.s32 v20, v19  }
0x6b: {  	v20 =	vperm.xlane v19, v12;
	_ =	sdelay $0x1  }
0x6c: {  	v20 =	vsel vm1, $0x0, v20  }
0x6d: {  	v19 =	vadd.s32 v20, v19  }
0x6e: {  	v20 =	vperm.xlane v19, v14  }
0x6f: {  	v18 =	vperm.xlane v49, v15  }
0x70: {  	v20 =	vsel vm2, $0x0, v20  }
0x71: {  	v16 =	vadd.s32 v16, v18;
	v52 =	vadd.s32 v20, v19  }
0x72: {  	vm12 =	vgt.s32 v17, $0x0;
	v17 =	vadd.s32 v52, v16  }
0x73: {  	v17 =	vadd.s32 $0xFFFFFFFF, v17;
	_ =	sdelay $0x4  }
0x74: {  	[tilespmem:v17+s3+$0x0] =	vst.idx.msk vm12, v4  }
0x75: {  	v17 =	vld [tilespmem:$0x40];
	_ =	sdelay $0x4  }
0x76: {  	v53 =	vperm.xlane v17, v9;
	_ =	sdelay $0x1  }
0x77: {  	v19 =	vsel vm3, $0x0, v53  }
0x78: {  	v19 =	vadd.s32 v17, v19  }
0x79: {  	v54 =	vperm.xlane v19, v11;
	_ =	sdelay $0x1  }
0x7a: {  	v20 =	vsel vm0, $0x0, v54  }
0x7b: {  	v19 =	vadd.s32 v20, v19  }
0x7c: {  	v20 =	vperm.xlane v19, v12;
	_ =	sdelay $0x1  }
0x7d: {  	v20 =	vsel vm1, $0x0, v20  }
0x7e: {  	v19 =	vadd.s32 v20, v19  }
0x7f: {  	v20 =	vperm.xlane v19, v14  }
0x80: {  	v18 =	vperm.xlane v52, v15  }
0x81: {  	v20 =	vsel vm2, $0x0, v20  }
0x82: {  	v16 =	vadd.s32 v16, v18;
	v55 =	vadd.s32 v20, v19  }
0x83: {  	vm13 =	vgt.s32 v17, $0x0;
	v17 =	vadd.s32 v55, v16  }
0x84: {  	v17 =	vadd.s32 $0xFFFFFFFF, v17;
	_ =	sdelay $0x4  }
0x85: {  	[tilespmem:v17+s3+$0x0] =	vst.idx.msk vm13, v5  }
0x86: {  	v17 =	vld [tilespmem:$0x50];
	_ =	sdelay $0x4  }
0x87: {  	v56 =	vperm.xlane v17, v9;
	_ =	sdelay $0x1  }
0x88: {  	v19 =	vsel vm3, $0x0, v56  }
0x89: {  	v19 =	vadd.s32 v17, v19  }
0x8a: {  	v57 =	vperm.xlane v19, v11;
	_ =	sdelay $0x1  }
0x8b: {  	v20 =	vsel vm0, $0x0, v57  }
0x8c: {  	v19 =	vadd.s32 v20, v19  }
0x8d: {  	v20 =	vperm.xlane v19, v12;
	_ =	sdelay $0x1  }
0x8e: {  	v20 =	vsel vm1, $0x0, v20  }
0x8f: {  	v19 =	vadd.s32 v20, v19  }
0x90: {  	v20 =	vperm.xlane v19, v14  }
0x91: {  	v18 =	vperm.xlane v55, v15  }
0x92: {  	v20 =	vsel vm2, $0x0, v20  }
0x93: {  	v16 =	vadd.s32 v16, v18;
	v58 =	vadd.s32 v20, v19  }
0x94: {  	vm14 =	vgt.s32 v17, $0x0;
	v17 =	vadd.s32 v58, v16  }
0x95: {  	v17 =	vadd.s32 $0xFFFFFFFF, v17;
	_ =	sdelay $0x4  }
0x96: {  	[tilespmem:v17+s3+$0x0] =	vst.idx.msk vm14, v6  }
0x97: {  	v17 =	vld [tilespmem:$0x60];
	_ =	sdelay $0x4  }
0x98: {  	v59 =	vperm.xlane v17, v9;
	_ =	sdelay $0x1  }
0x99: {  	v19 =	vsel vm3, $0x0, v59  }
0x9a: {  	v19 =	vadd.s32 v17, v19  }
0x9b: {  	v60 =	vperm.xlane v19, v11;
	_ =	sdelay $0x1  }
0x9c: {  	v20 =	vsel vm0, $0x0, v60  }
0x9d: {  	v19 =	vadd.s32 v20, v19  }
0x9e: {  	v20 =	vperm.xlane v19, v12;
	_ =	sdelay $0x1  }
0x9f: {  	v20 =	vsel vm1, $0x0, v20  }
0xa0: {  	v19 =	vadd.s32 v20, v19  }
0xa1: {  	v20 =	vperm.xlane v19, v14  }
0xa2: {  	v18 =	vperm.xlane v58, v15  }
0xa3: {  	v20 =	vsel vm2, $0x0, v20  }
0xa4: {  	v16 =	vadd.s32 v16, v18;
	v61 =	vadd.s32 v20, v19  }
0xa5: {  	vm15 =	vgt.s32 v17, $0x0;
	v17 =	vadd.s32 v61, v16  }
0xa6: {  	v17 =	vadd.s32 $0xFFFFFFFF, v17;
	_ =	sdelay $0x4  }
0xa7: {  	[tilespmem:v17+s3+$0x0] =	vst.idx.msk vm15, v7  }
0xa8: {  	v17 =	vld [tilespmem:$0x70];
	_ =	sdelay $0x4  }
0xa9: {  	v62 =	vperm.xlane v17, v9;
	_ =	sdelay $0x1  }
0xaa: {  	v19 =	vsel vm3, $0x0, v62  }
0xab: {  	v19 =	vadd.s32 v17, v19  }
0xac: {  	v63 =	vperm.xlane v19, v11;
	_ =	sdelay $0x1  }
0xad: {  	v20 =	vsel vm0, $0x0, v63  }
0xae: {  	v19 =	vadd.s32 v20, v19  }
0xaf: {  	v20 =	vperm.xlane v19, v12;
	_ =	sdelay $0x1  }
0xb0: {  	v20 =	vsel vm1, $0x0, v20  }
0xb1: {  	v19 =	vadd.s32 v20, v19  }
0xb2: {  	v20 =	vperm.xlane v19, v14;
	_ =	sdelay $0x1  }
0xb3: {  	v20 =	vsel vm2, $0x0, v20  }
0xb4: {  	v18 =	vperm.xlane v61, v15;
	v19 =	vadd.s32 v20, v19  }
0xb5: {  	v20 =	vperm.xlane v19, v15  }
0xb6: {  	v16 =	vadd.s32 v16, v18  }
0xb7: {  	v18 =	vadd.s32 v16, v20  }
0xb8: {  	(v2sf) =	vpush v18, $0x0;
	_ =	sdelay $0xe  }
0xb9: {  	s30 =	spop (v2sf)  }
0xba: {  	s0 =	sadd.s32 $0x7, s30  }
0xbb: {  	vm3 =	vgt.s32 v17, $0x0;
	v16 =	vadd.s32 v19, v16;
	s22 =	sand.u32 $0x7, s0  }
0xbc: {  	v16 =	vadd.s32 $0xFFFFFFFF, v16;
	s2 =	sshra.s32 s0, $0x1F;
	p0 =	slt.s32 s0, $0x1;
	p1 =	sne.s32 s22, $0x0  }
0xbd: {  	s23 =	sshrl.u32 s2, $0x1D;
	p0 =	por !p0, !p1  }
0xbe: {  	s1 =	simm.s32 $0x1;
	s0 =	sadd.s32 s23, s0;
	p0 =	por !p0, !p0  }
0xbf: {  	s0 =	sshra.s32 s0, $0x3;
	s1 =	simm.s32 @!p0 $0x0  }
0xc0: {  	s31 =	ssub.s32 s0, s1  }
0xc1: {  	[tilespmem:v16+s3+$0x0] =	vst.idx.msk vm3, v8;
	p0 =	slt.s32 s31, $0x1  }
0xc2: {  	v16 =	vld.msk @!p0 [tilespmem:$0x80], $0xff;
	_ =	sdelay $0x4  }
0xc3: {  	v17 =	vshll.u32 @!p0 v16, $0x5  }
0xc4: {  	v18 =	vlaneseq.u32 @!p0;
	v16 =	vand.u32 @!p0 $0x7, v16;
	v17 =	vand.u32 @!p0 $0xFFFFFF00, v17  }
0xc5: {  	v16 =	vor.u32 @!p0 v16, v17;
	v17 =	vand.u32 @!p0 $0x7, v18;
	v18 =	vshrl.u32 @!p0 v18, $0x3  }
0xc6: {  	v16 =	vperm.xlane @!p0 v16, v17;
	v17 =	vmul.u32 @!p0 $0x8, v18;
	_ =	sdelay $0x1  }
0xc7: {  	v16 =	vadd.s32 @!p0 v17, v16;
	_ =	sdelay $0x3  }
0xc8: {  	vm3 =	vmmov @!p0 $0xffff;
	s0 =	simm.s32 @!p0 $0x0;
	s1 =	simm.s32 @!p0 $0x100  }
0xc9: {  	[tilespmem:s1], [sflag:$0x1] =	stream.indirect_vreg.gather @!p0 [hbm4b:s28+s0], $0x80, v16, vm3, $0xb8;
	[tilespmem:$0x11100] =	vst v63  }
0xca: {  	s1 =	simm.s32 @!p0 $0x900  }
0xcb: {  	[tilespmem:s1], [sflag:$0x1] =	stream.indirect_vreg.gather @!p0 [hbm4b:s29+s0], $0x80, v16, vm3, $0xb8;
	[tilespmem:$0x11100] =	vst v63  }
0xcc: {  	s2 =	rddreg [dreg:$0x4];
	s1 =	simm.s32 @!p0 $0x1100  }
0xcd: {  	[tilespmem:s1], [sflag:$0x1] =	stream.indirect_vreg.gather @!p0 [hbm4b:s2+s0], $0x80, v16, vm3, $0xb8;
	[tilespmem:$0x11100] =	vst v63  }
0xce: {  	s1 =	simm.s32 @!p0 $0x1900;
	s2 =	rddreg [dreg:$0x5]  }
0xcf: {  	[tilespmem:s1], [sflag:$0x1] =	stream.indirect_vreg.gather @!p0 [hbm4b:s2+s0], $0x80, v16, vm3, $0xb8;
	[tilespmem:$0x11100] =	vst v63  }
0xd0: {  	s1 =	simm.s32 @!p0 $0x2100  }
0xd1: {  	[tilespmem:s1], [sflag:$0x1] =	stream.indirect_vreg.gather @!p0 [hbm4b:s8+s0], $0x80, v16, vm3, $0xb8;
	[tilespmem:$0x11100] =	vst v63  }
0xd2: {  	s1 =	simm.s32 @!p0 $0x2900  }
0xd3: {  	[tilespmem:s1], [sflag:$0x1] =	stream.indirect_vreg.gather @!p0 [hbm4b:s9+s0], $0x80, v16, vm3, $0xb8;
	[tilespmem:$0x11100] =	vst v63  }
0xd4: {  	s1 =	simm.s32 @!p0 $0x3100  }
0xd5: {  	[tilespmem:s1], [sflag:$0x1] =	stream.indirect_vreg.gather @!p0 [hbm4b:s10+s0], $0x80, v16, vm3, $0xb8;
	[tilespmem:$0x11100] =	vst v63  }
0xd6: {  	s1 =	simm.s32 @!p0 $0x3900  }
0xd7: {  	[tilespmem:s1], [sflag:$0x1] =	stream.indirect_vreg.gather @!p0 [hbm4b:s11+s0], $0x80, v16, vm3, $0xb8;
	[tilespmem:$0x11100] =	vst v63  }
0xd8: {  	s1 =	simm.s32 @!p0 $0x4100  }
0xd9: {  	[tilespmem:s1], [sflag:$0x1] =	stream.indirect_vreg.gather @!p0 [hbm4b:s12+s0], $0x80, v16, vm3, $0xb8;
	[tilespmem:$0x11100] =	vst v63  }
0xda: {  	s1 =	simm.s32 @!p0 $0x4900  }
0xdb: {  	[tilespmem:s1], [sflag:$0x1] =	stream.indirect_vreg.gather @!p0 [hbm4b:s13+s0], $0x80, v16, vm3, $0xb8;
	[tilespmem:$0x11100] =	vst v63  }
0xdc: {  	s1 =	simm.s32 @!p0 $0x5100  }
0xdd: {  	[tilespmem:s1], [sflag:$0x1] =	stream.indirect_vreg.gather @!p0 [hbm4b:s14+s0], $0x80, v16, vm3, $0xb8;
	[tilespmem:$0x11100] =	vst v63  }
0xde: {  	s24 =	sadd.s32 $0x1, s31;
	s1 =	simm.s32 @!p0 $0x5900  }
0xdf: {  	[tilespmem:s1], [sflag:$0x1] =	stream.indirect_vreg.gather @!p0 [hbm4b:s15+s0], $0x80, v16, vm3, $0xb8;
	[tilespmem:$0x11100] =	vst v63  }
0xe0: {  	s25 =	sand.u32 $0x1, s24;
	s1 =	simm.s32 @!p0 $0x6100  }
0xe1: {  	[tilespmem:s1], [sflag:$0x1] =	stream.indirect_vreg.gather @!p0 [hbm4b:s16+s0], $0x80, v16, vm3, $0xb8;
	[tilespmem:$0x11100] =	vst v63  }
0xe2: {  	p6 =	slt.s32 s31, $0x0;
	p2 =	seq.s32 s25, $0x1;
	s2 =	simm.s32 @!p0 $0x6900  }
0xe3: {  	[tilespmem:s2], [sflag:$0x1] =	stream.indirect_vreg.gather @!p0 [hbm4b:s17+s0], $0x80, v16, vm3, $0xb8;
	[tilespmem:$0x11100] =	vst v63  }
0xe4: {  	s26 =	sshrl.u32 s24, $0x1F;
	p1 =	por !p6, !p2;
	s2 =	simm.s32 @!p0 $0x7100  }
0xe5: {  	[tilespmem:s2], [sflag:$0x1] =	stream.indirect_vreg.gather @!p0 [hbm4b:s18+s0], $0x80, v16, vm3, $0xb8;
	[tilespmem:$0x11100] =	vst v63  }
0xe6: {  	p1 =	por !p1, !p1;
	s1 =	sadd.s32 s26, s24;
	s2 =	simm.s32 $0x1  }
0xe7: {  	s1 =	sshra.s32 s1, $0x1;
	s2 =	simm.s32 @!p1 $0x0  }
0xe8: {  	s2 =	ssub.s32 s1, s2;
	s1 =	simm.s32 @!p0 $0x7900  }
0xe9: {  	[tilespmem:s1], [sflag:$0x1] =	stream.indirect_vreg.gather @!p0 [hbm4b:s19+s0], $0x80, v16, vm3, $0xb8;
	[tilespmem:$0x11100] =	vst v63  }
0xea: {  	p0 =	slt.s32 s2, $0x1  }
.Ltmp3:
0xeb: {  	_ = 	snop;
	(pc) =	sbr.rel @!p0 .LBB2_4-.Ltmp3, $4  }
.Ltmp4:
0xec: {  	_ = 	snop;
	(pc) =	sbr.rel @p0 .LBB2_11-.Ltmp4, $4  }
0xed: {  	_ = 	snop  }
0xee: {  	_ = 	snop  }
0xef: {  	s3 =	simm.s32 $0x0;
	[dreg:$0x9] =	wrdreg s2;
	s0 =	simm.s32 $0x0  }
0xf0: {  	_ = 	snop  }
.LBB2_10:
0xf1: {  	s3 =	sadd.s32 $0x1, s3;
	s1 =	rddreg [dreg:$0x9]  }
0xf2: {  	p0 =	sne.s32 s3, s1  }
.Ltmp5:
0xf3: {  	_ = 	snop;
	(pc) =	sbr.rel @!p0 .LBB2_11-.Ltmp5, $1  }
0xf4: {  	_ =	sdelay $0x3  }
.LBB2_4:
0xf5: {  	s26 =	sshllo.u32 s3, $0x1  }
0xf6: {  	p0 =	sge.s32 s26, s31  }
0xf7: {  	s1 =	sshll.u32 @!p0 s26, $0x5  }
0xf8: {  	s1 =	sshra.s32 @!p0 s1, $0x2  }
0xf9: {  	v16 =	vld.msk @!p0 [tilespmem:s1+$0x80], $0xff;
	_ =	sdelay $0x4  }
0xfa: {  	v17 =	vshll.u32 @!p0 v16, $0x5  }
0xfb: {  	v18 =	vlaneseq.u32 @!p0;
	v16 =	vand.u32 @!p0 $0x7, v16;
	v17 =	vand.u32 @!p0 $0xFFFFFF00, v17  }
0xfc: {  	v16 =	vor.u32 @!p0 v16, v17;
	v17 =	vand.u32 @!p0 $0x7, v18;
	v18 =	vshrl.u32 @!p0 v18, $0x3  }
0xfd: {  	v16 =	vperm.xlane @!p0 v16, v17;
	v17 =	vmul.u32 @!p0 $0x8, v18;
	_ =	sdelay $0x1  }
0xfe: {  	v16 =	vadd.s32 @!p0 v17, v16;
	_ =	sdelay $0x3  }
0xff: {  	vm3 =	vmmov @!p0 $0xffff;
	s2 =	simm.s32 @!p0 $0x8100;
	s1 =	simm.s32 @!p0 $0x0  }
0x100: {  	[tilespmem:s2], [sflag:$0x2] =	stream.indirect_vreg.gather @!p0 [hbm4b:s28+s1], $0x80, v16, vm3, $0xb8;
	[tilespmem:$0x11100] =	vst v63  }
0x101: {  	s2 =	simm.s32 @!p0 $0x8900  }
0x102: {  	[tilespmem:s2], [sflag:$0x2] =	stream.indirect_vreg.gather @!p0 [hbm4b:s29+s1], $0x80, v16, vm3, $0xb8;
	[tilespmem:$0x11100] =	vst v63  }
0x103: {  	s4 =	rddreg [dreg:$0x4];
	s2 =	simm.s32 @!p0 $0x9100  }
0x104: {  	[tilespmem:s2], [sflag:$0x2] =	stream.indirect_vreg.gather @!p0 [hbm4b:s4+s1], $0x80, v16, vm3, $0xb8;
	[tilespmem:$0x11100] =	vst v63  }
0x105: {  	s2 =	simm.s32 @!p0 $0x9900;
	s4 =	rddreg [dreg:$0x5]  }
0x106: {  	[tilespmem:s2], [sflag:$0x2] =	stream.indirect_vreg.gather @!p0 [hbm4b:s4+s1], $0x80, v16, vm3, $0xb8;
	[tilespmem:$0x11100] =	vst v63  }
0x107: {  	s2 =	simm.s32 @!p0 $0xA100  }
0x108: {  	[tilespmem:s2], [sflag:$0x2] =	stream.indirect_vreg.gather @!p0 [hbm4b:s8+s1], $0x80, v16, vm3, $0xb8;
	[tilespmem:$0x11100] =	vst v63  }
0x109: {  	s2 =	simm.s32 @!p0 $0xA900  }
0x10a: {  	[tilespmem:s2], [sflag:$0x2] =	stream.indirect_vreg.gather @!p0 [hbm4b:s9+s1], $0x80, v16, vm3, $0xb8;
	[tilespmem:$0x11100] =	vst v63  }
0x10b: {  	s2 =	simm.s32 @!p0 $0xB100  }
0x10c: {  	[tilespmem:s2], [sflag:$0x2] =	stream.indirect_vreg.gather @!p0 [hbm4b:s10+s1], $0x80, v16, vm3, $0xb8;
	[tilespmem:$0x11100] =	vst v63  }
0x10d: {  	s2 =	simm.s32 @!p0 $0xB900  }
0x10e: {  	[tilespmem:s2], [sflag:$0x2] =	stream.indirect_vreg.gather @!p0 [hbm4b:s11+s1], $0x80, v16, vm3, $0xb8;
	[tilespmem:$0x11100] =	vst v63  }
0x10f: {  	s2 =	simm.s32 @!p0 $0xC100  }
0x110: {  	[tilespmem:s2], [sflag:$0x2] =	stream.indirect_vreg.gather @!p0 [hbm4b:s12+s1], $0x80, v16, vm3, $0xb8;
	[tilespmem:$0x11100] =	vst v63  }
0x111: {  	s2 =	simm.s32 @!p0 $0xC900  }
0x112: {  	[tilespmem:s2], [sflag:$0x2] =	stream.indirect_vreg.gather @!p0 [hbm4b:s13+s1], $0x80, v16, vm3, $0xb8;
	[tilespmem:$0x11100] =	vst v63  }
0x113: {  	s2 =	simm.s32 @!p0 $0xD100  }
0x114: {  	[tilespmem:s2], [sflag:$0x2] =	stream.indirect_vreg.gather @!p0 [hbm4b:s14+s1], $0x80, v16, vm3, $0xb8;
	[tilespmem:$0x11100] =	vst v63  }
0x115: {  	s2 =	simm.s32 @!p0 $0xD900  }
0x116: {  	[tilespmem:s2], [sflag:$0x2] =	stream.indirect_vreg.gather @!p0 [hbm4b:s15+s1], $0x80, v16, vm3, $0xb8;
	[tilespmem:$0x11100] =	vst v63  }
0x117: {  	s2 =	simm.s32 @!p0 $0xE100  }
0x118: {  	[tilespmem:s2], [sflag:$0x2] =	stream.indirect_vreg.gather @!p0 [hbm4b:s16+s1], $0x80, v16, vm3, $0xb8;
	[tilespmem:$0x11100] =	vst v63  }
0x119: {  	s6 =	smov.u32 s28;
	s23 =	simm.s32 $0x1;
	s2 =	simm.s32 @!p0 $0xE900  }
0x11a: {  	[tilespmem:s2], [sflag:$0x2] =	stream.indirect_vreg.gather @!p0 [hbm4b:s17+s1], $0x80, v16, vm3, $0xb8;
	[tilespmem:$0x11100] =	vst v63  }
0x11b: {  	s20 =	simm.f32 $1.000000000e+00;
	s5 =	sand.u32 $0x7C00, s0;
	s2 =	simm.s32 @!p0 $0xF100  }
0x11c: {  	[tilespmem:s2], [sflag:$0x2] =	stream.indirect_vreg.gather @!p0 [hbm4b:s18+s1], $0x80, v16, vm3, $0xb8;
	[tilespmem:$0x11100] =	vst v63  }
0x11d: {  	s22 =	sand.u32 $0x70, s0;
	s4 =	simm.f32 $1.000000000e+00;
	s2 =	simm.s32 @!p0 $0xF900  }
0x11e: {  	[tilespmem:s2], [sflag:$0x2] =	stream.indirect_vreg.gather @!p0 [hbm4b:s19+s1], $0x80, v16, vm3, $0xb8;
	[tilespmem:$0x11100] =	vst v63  }
0x11f: {  	s1 =	sshll.u32 s3, $0x4;
	s2 =	simm.f32 $1.000000000e+00;
	_ =	swait.ge [sflag:s23], $0x8000  }
0x120: {  	p1 =	slt.s32 s1, s30;
	s24 =	sor.u32 $0x1, s1;
	s25 =	sor.u32 $0x2, s1  }
0x121: {  	s21 =	sor.u32 $0x3, s1;
	s28 =	sor.u32 $0x6, s1;
	[sflag:s23] =	ssyncset.done $0x0  }
0x122: {  	s2 =	simm.s32 @!p1 $0x0;
	p1 =	slt.s32 s24, s30;
	p2 =	slt.s32 s25, s30  }
0x123: {  	s25 =	sor.u32 $0x4, s1;
	s24 =	sor.u32 $0x5, s1;
	[sflag:s23] =	ssyncadd.s32 $0xFFFF8000  }
0x124: {  	s20 =	simm.s32 @!p1 $0x0;
	p1 =	slt.s32 s21, s30;
	s21 =	sor.u32 s22, s5  }
0x125: {  	s1 =	sor.u32 $0x7, s1;
	s4 =	simm.s32 @!p2 $0x0;
	s23 =	simm.f32 $1.000000000e+00;
	v24 =	vld [tilespmem:s21+$0x100]  }
0x126: {  	p2 =	slt.s32 s24, s30;
	s22 =	simm.f32 $1.000000000e+00;
	s23 =	simm.s32 @!p1 $0x0;
	v25 =	vld [tilespmem:s21+$0x180]  }
0x127: {  	p1 =	slt.s32 s25, s30;
	s25 =	simm.f32 $1.000000000e+00;
	s22 =	simm.s32 @!p2 $0x0;
	v29 =	vld [tilespmem:s21+$0x280]  }
0x128: {  	v26 =	vld [tilespmem:s21+$0x300];
	s25 =	simm.s32 @!p1 $0x0;
	p1 =	slt.s32 s28, s30;
	s28 =	simm.f32 $1.000000000e+00  }
0x129: {  	v23 =	vmov s2;
	v22 =	vmov s20;
	s28 =	simm.s32 @!p1 $0x0;
	p1 =	slt.s32 s1, s30;
	s1 =	simm.f32 $1.000000000e+00  }
0x12a: {  	v27 =	vld [tilespmem:s21+$0x200];
	v21 =	vmov s4;
	v20 =	vmov s23;
	v18 =	vmov s22;
	s1 =	simm.s32 @!p1 $0x0  }
0x12b: {  	v19 =	vmov s25;
	v16 =	vmov s1;
	v28 =	vshrl.u32 v24, $0x10  }
0x12c: {  	s20 =	simm.s32 $0x10100;
	v30 =	vshrl.u32 v25, $0x10;
	v33 =	vshrl.u32 v29, $0x10;
	v28 =	vand.u32 $0x1, v28  }
0x12d: {  	v31 =	vld [tilespmem:s20+$0x0];
	s25 =	sand.u32 $0x7, s0;
	v61 =	vshrl.u32 v26, $0x10;
	v62 =	vand.u32 $0x1, v33;
	v24 =	vadd.s32 v28, v24  }
0x12e: {  	s1 =	sshll.u32 s25, $0x4;
	v28 =	vand.u32 $0x1, v30;
	v30 =	vand.u32 $0x1, v61;
	v24 =	vadd.s32 $0x7FFF, v24  }
0x12f: {  	s1 =	sadd.s32 $0x0, s1;
	v25 =	vadd.s32 v28, v25;
	v28 =	vshrl.u32 v27, $0x10;
	v24 =	vand.u32 $0xFFFF0000, v24  }
0x130: {  	v32 =	vld [tilespmem:s21+$0x380];
	s1 =	sor.u32 $0x380, s1;
	v25 =	vadd.s32 $0x7FFF, v25;
	v28 =	vand.u32 $0x1, v28;
	v24 =	vmul.f32 v24, v23  }
0x131: {  	v34 =	vld [tilespmem:s1+$0x100];
	v26 =	vadd.s32 v30, v26;
	v25 =	vand.u32 $0xFFFF0000, v25;
	v27 =	vadd.s32 v28, v27  }
0x132: {  	v28 =	vld [tilespmem:s21+$0x400];
	v27 =	vadd.s32 $0x7FFF, v27;
	v25 =	vmul.f32 v25, v22;
	v24 =	vadd.f32 v24, v31  }
0x133: {  	v29 =	vadd.s32 v62, v29;
	v26 =	vadd.s32 $0x7FFF, v26;
	v27 =	vand.u32 $0xFFFF0000, v27  }
0x134: {  	v24 =	vadd.f32 v25, v24;
	v25 =	vmul.f32 v27, v21;
	v27 =	vadd.s32 $0x7FFF, v29  }
0x135: {  	v17 =	vmov s28;
	v26 =	vand.u32 $0xFFFF0000, v26;
	v27 =	vand.u32 $0xFFFF0000, v27  }
0x136: {  	v29 =	vshrl.u32 v32, $0x10;
	v24 =	vadd.f32 v25, v24;
	v25 =	vmul.f32 v27, v20  }
0x137: {  	v63 =	vshrl.u32 v34, $0x10;
	v27 =	vand.u32 $0x1, v29;
	v29 =	vshrl.u32 v28, $0x10  }
0x138: {  	v24 =	vadd.f32 v25, v24;
	v25 =	vmul.f32 v26, v19;
	v26 =	vadd.s32 v27, v32  }
0x139: {  	s7 =	smov.u32 s29;
	s2 =	simm.s32 $0x20;
	s4 =	simm.s32 $0x10110;
	v27 =	vand.u32 $0x1, v29;
	v29 =	vand.u32 $0x1, v63;
	v26 =	vadd.s32 $0x7FFF, v26  }
0x13a: {  	s23 =	simm.s32 $0x10;
	s22 =	simm.s32 $0x1;
	s21 =	simm.s32 $0x80;
	v24 =	vadd.f32 v25, v24;
	v25 =	vand.u32 $0xFFFF0000, v26;
	v26 =	vadd.s32 v27, v28  }
0x13b: {  	s28 =	sshll.u32 s3, $0x1;
	s25 =	simm.s32 $0x100;
	s29 =	sand.u32 $0x7C00, s21;
	v25 =	vmul.f32 v25, v18;
	v27 =	vadd.s32 $0x7FFF, v26;
	v26 =	vadd.s32 v29, v34  }
.LBB2_5:
0x13c: {  	s24 =	sand.u32 $0x7C00, s25  }
0x13d: {  	s5 =	sand.u32 $0x70, s23;
	v27 =	vand.u32 $0xFFFF0000, v27;
	s23 =	smov.u32 s2;
	s1 =	sadd.s32 $0x10, s2  }
0x13e: {  	p1 =	sne.s32 s2, $0xFF0;
	v26 =	vadd.s32 $0x7FFF, v26;
	s2 =	sor.u32 s5, s29;
	v24 =	vadd.f32 v25, v24;
	v25 =	vmul.f32 v27, v17;
	s29 =	smov.u32 s24  }
0x13f: {  	v26 =	vand.u32 $0xFFFF0000, v26  }
0x140: {  	v24 =	vadd.f32 v25, v24;
	v25 =	vmul.f32 v26, v16;
	_ =	sdelay $0x1  }
0x141: {  	v24 =	vadd.f32 v25, v24;
	_ =	sdelay $0x1  }
0x142: {  	[tilespmem:s20+$0x0] =	vst v24;
	s20 =	smov.u32 s4  }
0x143: {  	v24 =	vld [tilespmem:s2+$0x100]  }
0x144: {  	v25 =	vld [tilespmem:s2+$0x180]  }
0x145: {  	v26 =	vld [tilespmem:s2+$0x300]  }
0x146: {  	v27 =	vld [tilespmem:s2+$0x200]  }
0x147: {  	s5 =	sand.u32 $0x7, s22;
	v28 =	vld [tilespmem:s2+$0x380]  }
0x148: {  	s5 =	sshll.u32 s5, $0x4;
	v29 =	vshrl.u32 v24, $0x10;
	v30 =	vld [tilespmem:s2+$0x280]  }
0x149: {  	s5 =	sadd.s32 s5, s21;
	s21 =	smov.u32 s25;
	v29 =	vand.u32 $0x1, v29;
	v31 =	vshrl.u32 v25, $0x10;
	v32 =	vld [tilespmem:s2+$0x400]  }
0x14a: {  	s2 =	sor.u32 $0x380, s5;
	v33 =	vld [tilespmem:s4+$0x0];
	v24 =	vadd.s32 v29, v24;
	v29 =	vand.u32 $0x1, v31;
	v31 =	vshrl.u32 v26, $0x10  }
0x14b: {  	v24 =	vadd.s32 $0x7FFF, v24;
	v25 =	vadd.s32 v29, v25;
	v29 =	vshrl.u32 v27, $0x10;
	v34 =	vld [tilespmem:s2+$0x100]  }
0x14c: {  	v24 =	vand.u32 $0xFFFF0000, v24;
	v25 =	vadd.s32 $0x7FFF, v25;
	v29 =	vand.u32 $0x1, v29  }
0x14d: {  	v24 =	vmul.f32 v24, v23;
	v25 =	vand.u32 $0xFFFF0000, v25;
	v27 =	vadd.s32 v29, v27  }
0x14e: {  	v31 =	vand.u32 $0x1, v31;
	v29 =	vshrl.u32 v30, $0x10;
	v27 =	vadd.s32 $0x7FFF, v27  }
0x14f: {  	v25 =	vmul.f32 v25, v22;
	v29 =	vand.u32 $0x1, v29;
	v24 =	vadd.f32 v24, v33  }
0x150: {  	v26 =	vadd.s32 v31, v26;
	v27 =	vand.u32 $0xFFFF0000, v27;
	v29 =	vadd.s32 v29, v30  }
0x151: {  	v24 =	vadd.f32 v25, v24;
	v25 =	vmul.f32 v27, v21;
	v27 =	vadd.s32 $0x7FFF, v29  }
0x152: {  	v26 =	vadd.s32 $0x7FFF, v26;
	v29 =	vshrl.u32 v28, $0x10;
	v27 =	vand.u32 $0xFFFF0000, v27  }
0x153: {  	v26 =	vand.u32 $0xFFFF0000, v26;
	v24 =	vadd.f32 v25, v24;
	v25 =	vmul.f32 v27, v20  }
.Ltmp6:
0x154: {  	v30 =	vshrl.u32 v34, $0x10;
	v27 =	vand.u32 $0x1, v29;
	v29 =	vshrl.u32 v32, $0x10;
	(pc) =	sbr.rel @p1 .LBB2_5-.Ltmp6, $4  }
0x155: {  	v24 =	vadd.f32 v25, v24;
	v25 =	vmul.f32 v26, v19;
	v26 =	vadd.s32 v27, v28  }
0x156: {  	v27 =	vand.u32 $0x1, v29;
	v28 =	vand.u32 $0x1, v30;
	v26 =	vadd.s32 $0x7FFF, v26  }
0x157: {  	s22 =	sadd.s32 $0x1, s22;
	v24 =	vadd.f32 v25, v24;
	v25 =	vand.u32 $0xFFFF0000, v26;
	v26 =	vadd.s32 v27, v32  }
0x158: {  	s25 =	sadd.s32 $0x80, s25;
	s4 =	sadd.s32 $0x10, s4;
	s2 =	smov.u32 s1;
	v25 =	vmul.f32 v25, v18;
	v27 =	vadd.s32 $0x7FFF, v26;
	v26 =	vadd.s32 v28, v34  }
0x159: {  	v27 =	vand.u32 $0xFFFF0000, v27  }
0x15a: {  	v26 =	vadd.s32 $0x7FFF, v26;
	v24 =	vadd.f32 v25, v24;
	v37 =	vmul.f32 v27, v17  }
0x15b: {  	v26 =	vand.u32 $0xFFFF0000, v26  }
0x15c: {  	v38 =	vmul.f32 v26, v16;
	v24 =	vadd.f32 v37, v24;
	_ =	sdelay $0x1  }
0x15d: {  	v24 =	vadd.f32 v38, v24  }
0x15e: {  	s1 =	sand.u32 $0x70, s23  }
0x15f: {  	s1 =	sor.u32 s1, s29;
	[tilespmem:s20+$0x0] =	vst v24  }
0x160: {  	v24 =	vld [tilespmem:s1+$0x100]  }
0x161: {  	v39 =	vld [tilespmem:s1+$0x180]  }
0x162: {  	v40 =	vld [tilespmem:s1+$0x300]  }
0x163: {  	s2 =	sand.u32 $0x7, s22;
	v41 =	vld [tilespmem:s1+$0x200]  }
0x164: {  	s2 =	sshll.u32 s2, $0x4;
	v29 =	vld [tilespmem:s1+$0x280]  }
0x165: {  	s2 =	sadd.s32 s2, s21;
	v47 =	vld [tilespmem:s1+$0x380]  }
0x166: {  	s25 =	sor.u32 $0x380, s2;
	v32 =	vld [tilespmem:s1+$0x400]  }
0x167: {  	v50 =	vld [tilespmem:s25+$0x100]  }
0x168: {  	v28 =	vshrl.u32 v24, $0x10;
	v30 =	vshrl.u32 v39, $0x10  }
0x169: {  	v43 =	vshrl.u32 v40, $0x10;
	v44 =	vshrl.u32 v41, $0x10;
	v28 =	vand.u32 $0x1, v28  }
0x16a: {  	v31 =	vld [tilespmem:s4+$0x0];
	v48 =	vshrl.u32 v29, $0x10;
	v53 =	vshrl.u32 v47, $0x10;
	v24 =	vadd.s32 v28, v24  }
0x16b: {  	v56 =	vshrl.u32 v32, $0x10;
	v42 =	vand.u32 $0x1, v30;
	v24 =	vadd.s32 $0x7FFF, v24  }
0x16c: {  	v57 =	vshrl.u32 v50, $0x10;
	v25 =	vadd.s32 v42, v39;
	v24 =	vand.u32 $0xFFFF0000, v24  }
0x16d: {  	v28 =	vand.u32 $0x1, v44;
	v25 =	vadd.s32 $0x7FFF, v25;
	v23 =	vmul.f32 v24, v23  }
0x16e: {  	v49 =	vand.u32 $0x1, v48;
	v46 =	vadd.s32 v28, v41;
	v45 =	vand.u32 $0xFFFF0000, v25  }
0x16f: {  	v25 =	vadd.s32 $0x7FFF, v46;
	v22 =	vmul.f32 v45, v22;
	v23 =	vadd.f32 v23, v31  }
0x170: {  	v30 =	vand.u32 $0x1, v43;
	v25 =	vand.u32 $0xFFFF0000, v25;
	v24 =	vadd.s32 v49, v29  }
0x171: {  	v21 =	vmul.f32 v25, v21;
	v51 =	vadd.s32 $0x7FFF, v24;
	v22 =	vadd.f32 v22, v23  }
0x172: {  	v55 =	vand.u32 $0x1, v53;
	v26 =	vadd.s32 v30, v40;
	v23 =	vand.u32 $0xFFFF0000, v51  }
0x173: {  	v52 =	vadd.s32 $0x7FFF, v26;
	v20 =	vmul.f32 v23, v20;
	v21 =	vadd.f32 v21, v22  }
0x174: {  	v59 =	vand.u32 $0x1, v56;
	v58 =	vadd.s32 v55, v47;
	v54 =	vand.u32 $0xFFFF0000, v52  }
0x175: {  	v19 =	vmul.f32 v54, v19;
	v20 =	vadd.f32 v20, v21;
	v21 =	vadd.s32 $0x7FFF, v58  }
0x176: {  	v60 =	vand.u32 $0x1, v57;
	v22 =	vadd.s32 v59, v32;
	v21 =	vand.u32 $0xFFFF0000, v21  }
0x177: {  	v61 =	vadd.s32 $0x7FFF, v22;
	v19 =	vadd.f32 v19, v20;
	v18 =	vmul.f32 v21, v18  }
0x178: {  	v62 =	vadd.s32 v60, v50;
	v20 =	vand.u32 $0xFFFF0000, v61  }
0x179: {  	v63 =	vadd.s32 $0x7FFF, v62;
	v17 =	vmul.f32 v20, v17;
	v18 =	vadd.f32 v18, v19  }
0x17a: {  	v19 =	vand.u32 $0xFFFF0000, v63  }
0x17b: {  	v16 =	vmul.f32 v19, v16;
	v17 =	vadd.f32 v17, v18  }
0x17c: {  	s1 =	sadd.s32 $0x2, s28  }
0x17d: {  	p1 =	sge.s32 s1, s31;
	v16 =	vadd.f32 v16, v17  }
0x17e: {  	s1 =	sshll.u32 @!p1 s1, $0x5  }
0x17f: {  	s1 =	sshra.s32 @!p1 s1, $0x2;
	[tilespmem:s4+$0x0] =	vst v16  }
0x180: {  	v16 =	vld.msk @!p1 [tilespmem:s1+$0x80], $0xff;
	_ =	sdelay $0x4  }
0x181: {  	v17 =	vshll.u32 @!p1 v16, $0x5  }
0x182: {  	v18 =	vlaneseq.u32 @!p1;
	v16 =	vand.u32 @!p1 $0x7, v16;
	v17 =	vand.u32 @!p1 $0xFFFFFF00, v17  }
0x183: {  	v16 =	vor.u32 @!p1 v16, v17;
	v17 =	vand.u32 @!p1 $0x7, v18;
	v18 =	vshrl.u32 @!p1 v18, $0x3  }
0x184: {  	v16 =	vperm.xlane @!p1 v16, v17;
	v17 =	vmul.u32 @!p1 $0x8, v18;
	_ =	sdelay $0x1  }
0x185: {  	v16 =	vadd.s32 @!p1 v17, v16;
	_ =	sdelay $0x3  }
0x186: {  	vm3 =	vmmov @!p1 $0xffff;
	s2 =	simm.s32 @!p1 $0x100;
	s1 =	simm.s32 @!p1 $0x0  }
0x187: {  	[tilespmem:s2], [sflag:$0x1] =	stream.indirect_vreg.gather @!p1 [hbm4b:s6+s1], $0x80, v16, vm3, $0xb8;
	[tilespmem:$0x11100] =	vst v63  }
0x188: {  	s2 =	simm.s32 @!p1 $0x900  }
0x189: {  	[tilespmem:s2], [sflag:$0x1] =	stream.indirect_vreg.gather @!p1 [hbm4b:s7+s1], $0x80, v16, vm3, $0xb8;
	[tilespmem:$0x11100] =	vst v63  }
0x18a: {  	s4 =	rddreg [dreg:$0x4];
	s2 =	simm.s32 @!p1 $0x1100  }
0x18b: {  	[tilespmem:s2], [sflag:$0x1] =	stream.indirect_vreg.gather @!p1 [hbm4b:s4+s1], $0x80, v16, vm3, $0xb8;
	[tilespmem:$0x11100] =	vst v63  }
0x18c: {  	s2 =	simm.s32 @!p1 $0x1900;
	s4 =	rddreg [dreg:$0x5]  }
0x18d: {  	[tilespmem:s2], [sflag:$0x1] =	stream.indirect_vreg.gather @!p1 [hbm4b:s4+s1], $0x80, v16, vm3, $0xb8;
	[tilespmem:$0x11100] =	vst v63  }
0x18e: {  	s2 =	simm.s32 @!p1 $0x2100  }
0x18f: {  	[tilespmem:s2], [sflag:$0x1] =	stream.indirect_vreg.gather @!p1 [hbm4b:s8+s1], $0x80, v16, vm3, $0xb8;
	[tilespmem:$0x11100] =	vst v63  }
0x190: {  	s2 =	simm.s32 @!p1 $0x2900  }
0x191: {  	[tilespmem:s2], [sflag:$0x1] =	stream.indirect_vreg.gather @!p1 [hbm4b:s9+s1], $0x80, v16, vm3, $0xb8;
	[tilespmem:$0x11100] =	vst v63  }
0x192: {  	s2 =	simm.s32 @!p1 $0x3100  }
0x193: {  	[tilespmem:s2], [sflag:$0x1] =	stream.indirect_vreg.gather @!p1 [hbm4b:s10+s1], $0x80, v16, vm3, $0xb8;
	[tilespmem:$0x11100] =	vst v63  }
0x194: {  	s2 =	simm.s32 @!p1 $0x3900  }
0x195: {  	[tilespmem:s2], [sflag:$0x1] =	stream.indirect_vreg.gather @!p1 [hbm4b:s11+s1], $0x80, v16, vm3, $0xb8;
	[tilespmem:$0x11100] =	vst v63  }
0x196: {  	s2 =	simm.s32 @!p1 $0x4100  }
0x197: {  	[tilespmem:s2], [sflag:$0x1] =	stream.indirect_vreg.gather @!p1 [hbm4b:s12+s1], $0x80, v16, vm3, $0xb8;
	[tilespmem:$0x11100] =	vst v63  }
0x198: {  	s2 =	simm.s32 @!p1 $0x4900  }
0x199: {  	[tilespmem:s2], [sflag:$0x1] =	stream.indirect_vreg.gather @!p1 [hbm4b:s13+s1], $0x80, v16, vm3, $0xb8;
	[tilespmem:$0x11100] =	vst v63  }
0x19a: {  	s2 =	simm.s32 @!p1 $0x5100  }
0x19b: {  	[tilespmem:s2], [sflag:$0x1] =	stream.indirect_vreg.gather @!p1 [hbm4b:s14+s1], $0x80, v16, vm3, $0xb8;
	[tilespmem:$0x11100] =	vst v63  }
0x19c: {  	s2 =	simm.s32 @!p1 $0x5900  }
0x19d: {  	[tilespmem:s2], [sflag:$0x1] =	stream.indirect_vreg.gather @!p1 [hbm4b:s15+s1], $0x80, v16, vm3, $0xb8;
	[tilespmem:$0x11100] =	vst v63  }
0x19e: {  	s2 =	simm.s32 @!p1 $0x6100  }
0x19f: {  	[tilespmem:s2], [sflag:$0x1] =	stream.indirect_vreg.gather @!p1 [hbm4b:s16+s1], $0x80, v16, vm3, $0xb8;
	[tilespmem:$0x11100] =	vst v63  }
0x1a0: {  	s2 =	simm.s32 @!p1 $0x6900  }
0x1a1: {  	[tilespmem:s2], [sflag:$0x1] =	stream.indirect_vreg.gather @!p1 [hbm4b:s17+s1], $0x80, v16, vm3, $0xb8;
	[tilespmem:$0x11100] =	vst v63  }
.Ltmp7:
0x1a2: {  	_ = 	snop;
	(pc) =	sbr.rel @p0 .LBB2_10-.Ltmp7, $4  }
0x1a3: {  	s2 =	simm.s32 @!p1 $0x7100  }
0x1a4: {  	[tilespmem:s2], [sflag:$0x1] =	stream.indirect_vreg.gather @!p1 [hbm4b:s18+s1], $0x80, v16, vm3, $0xb8;
	[tilespmem:$0x11100] =	vst v63  }
0x1a5: {  	s29 =	smov.u32 s7;
	s28 =	smov.u32 s6;
	s2 =	simm.s32 @!p1 $0x7900  }
0x1a6: {  	[tilespmem:s2], [sflag:$0x1] =	stream.indirect_vreg.gather @!p1 [hbm4b:s19+s1], $0x80, v16, vm3, $0xb8;
	[tilespmem:$0x11100] =	vst v63  }
0x1a7: {  	s4 =	simm.s32 $0x2  }
0x1a8: {  	s1 =	sshll.u32 s26, $0x3;
	s2 =	simm.f32 $1.000000000e+00;
	s21 =	simm.s32 $0x0  }
0x1a9: {  	s23 =	simm.f32 $1.000000000e+00;
	_ =	swait.ge [sflag:s4], $0x8000;
	p0 =	slt.s32 s1, s30  }
0x1aa: {  	s5 =	sor.u32 $0x1, s1;
	s20 =	sor.u32 $0x3, s1;
	s6 =	sand.u32 $0x7C00, s21  }
0x1ab: {  	s22 =	sand.u32 $0x70, s21;
	s7 =	sor.u32 $0x4, s1;
	s24 =	sor.u32 $0x5, s1  }
0x1ac: {  	[sflag:s4] =	ssyncset.done $0x0;
	s2 =	simm.s32 @!p0 $0x0;
	p0 =	slt.s32 s5, s30  }
0x1ad: {  	s5 =	sor.u32 $0x2, s1;
	s22 =	sor.u32 s22, s6;
	[sflag:s4] =	ssyncadd.s32 $0xFFFF8000  }
0x1ae: {  	p1 =	slt.s32 s24, s30;
	s1 =	sor.u32 $0x6, s1;
	s4 =	simm.f32 $1.000000000e+00;
	v24 =	vld [tilespmem:s22+$0x8100]  }
0x1af: {  	s4 =	simm.s32 @!p0 $0x0;
	p0 =	slt.s32 s5, s30;
	s5 =	simm.f32 $1.000000000e+00;
	v25 =	vld [tilespmem:s22+$0x8180]  }
0x1b0: {  	v23 =	vmov s2;
	s2 =	simm.f32 $1.000000000e+00;
	v29 =	vld [tilespmem:s22+$0x8280];
	s5 =	simm.s32 @!p0 $0x0;
	p0 =	slt.s32 s20, s30  }
0x1b1: {  	v26 =	vld [tilespmem:s22+$0x8300];
	s20 =	simm.f32 $1.000000000e+00;
	s23 =	simm.s32 @!p0 $0x0;
	p0 =	slt.s32 s7, s30  }
0x1b2: {  	v21 =	vmov s4;
	s20 =	simm.s32 @!p0 $0x0;
	p0 =	slt.s32 s1, s30;
	s1 =	simm.f32 $1.000000000e+00  }
0x1b3: {  	v27 =	vld [tilespmem:s22+$0x8200];
	v22 =	vmov s5;
	v20 =	vmov s23;
	s1 =	simm.s32 @!p1 $0x0;
	s2 =	simm.s32 @!p0 $0x0;
	v19 =	vmov s20  }
0x1b4: {  	v18 =	vmov s1;
	v17 =	vmov s2;
	v28 =	vshrl.u32 v24, $0x10  }
0x1b5: {  	s20 =	simm.s32 $0x10100;
	v30 =	vshrl.u32 v25, $0x10;
	v33 =	vshrl.u32 v29, $0x10;
	v28 =	vand.u32 $0x1, v28  }
0x1b6: {  	s25 =	sshllo.u32 s26, $0x3;
	s26 =	sand.u32 $0x7, s21;
	v31 =	vld [tilespmem:s20+$0x0];
	v61 =	vshrl.u32 v26, $0x10;
	v62 =	vand.u32 $0x1, v33;
	v24 =	vadd.s32 v28, v24  }
0x1b7: {  	s1 =	sshll.u32 s26, $0x4;
	v28 =	vand.u32 $0x1, v30;
	v30 =	vand.u32 $0x1, v61;
	v24 =	vadd.s32 $0x7FFF, v24  }
0x1b8: {  	s1 =	sadd.s32 $0x0, s1;
	v25 =	vadd.s32 v28, v25;
	v28 =	vshrl.u32 v27, $0x10;
	v24 =	vand.u32 $0xFFFF0000, v24  }
0x1b9: {  	v32 =	vld [tilespmem:s22+$0x8380];
	s1 =	sor.u32 $0x380, s1;
	v25 =	vadd.s32 $0x7FFF, v25;
	v28 =	vand.u32 $0x1, v28;
	v24 =	vmul.f32 v24, v23  }
0x1ba: {  	v34 =	vld [tilespmem:s1+$0x8100];
	v26 =	vadd.s32 v30, v26;
	v25 =	vand.u32 $0xFFFF0000, v25;
	v27 =	vadd.s32 v28, v27  }
0x1bb: {  	v28 =	vld [tilespmem:s22+$0x8400];
	v27 =	vadd.s32 $0x7FFF, v27;
	v25 =	vmul.f32 v25, v21;
	v24 =	vadd.f32 v24, v31  }
0x1bc: {  	s4 =	simm.f32 $1.000000000e+00;
	p0 =	slt.s32 s25, s30;
	v29 =	vadd.s32 v62, v29;
	v26 =	vadd.s32 $0x7FFF, v26;
	v27 =	vand.u32 $0xFFFF0000, v27  }
0x1bd: {  	s4 =	simm.s32 @!p0 $0x0;
	v24 =	vadd.f32 v25, v24;
	v25 =	vmul.f32 v27, v22;
	v27 =	vadd.s32 $0x7FFF, v29  }
0x1be: {  	v16 =	vmov s4;
	v26 =	vand.u32 $0xFFFF0000, v26;
	v27 =	vand.u32 $0xFFFF0000, v27  }
0x1bf: {  	v29 =	vshrl.u32 v32, $0x10;
	v24 =	vadd.f32 v25, v24;
	v25 =	vmul.f32 v27, v20  }
0x1c0: {  	v63 =	vshrl.u32 v34, $0x10;
	v27 =	vand.u32 $0x1, v29;
	v29 =	vshrl.u32 v28, $0x10  }
0x1c1: {  	v24 =	vadd.f32 v25, v24;
	v25 =	vmul.f32 v26, v19;
	v26 =	vadd.s32 v27, v32  }
0x1c2: {  	s21 =	simm.s32 $0x80;
	v27 =	vand.u32 $0x1, v29;
	v29 =	vand.u32 $0x1, v63;
	v26 =	vadd.s32 $0x7FFF, v26  }
0x1c3: {  	s23 =	simm.s32 $0x10;
	s25 =	simm.s32 $0x100;
	s26 =	sand.u32 $0x7C00, s21;
	v24 =	vadd.f32 v25, v24;
	v25 =	vand.u32 $0xFFFF0000, v26;
	v26 =	vadd.s32 v27, v28  }
0x1c4: {  	s4 =	simm.s32 $0x10110;
	s1 =	simm.s32 $0x20;
	s22 =	simm.s32 $0x1;
	v25 =	vmul.f32 v25, v18;
	v27 =	vadd.s32 $0x7FFF, v26;
	v26 =	vadd.s32 v29, v34  }
.LBB2_8:
0x1c5: {  	s5 =	sand.u32 $0x7C00, s25  }
0x1c6: {  	s24 =	sand.u32 $0x70, s23;
	v27 =	vand.u32 $0xFFFF0000, v27;
	s23 =	smov.u32 s1;
	s2 =	sadd.s32 $0x10, s1  }
0x1c7: {  	p0 =	sne.s32 s1, $0xFF0;
	v26 =	vadd.s32 $0x7FFF, v26;
	s1 =	sor.u32 s24, s26;
	v24 =	vadd.f32 v25, v24;
	v25 =	vmul.f32 v27, v17;
	s26 =	smov.u32 s5  }
0x1c8: {  	v26 =	vand.u32 $0xFFFF0000, v26  }
0x1c9: {  	v24 =	vadd.f32 v25, v24;
	v25 =	vmul.f32 v26, v16;
	_ =	sdelay $0x1  }
0x1ca: {  	v24 =	vadd.f32 v25, v24;
	_ =	sdelay $0x1  }
0x1cb: {  	[tilespmem:s20+$0x0] =	vst v24;
	s20 =	smov.u32 s4  }
0x1cc: {  	v24 =	vld [tilespmem:s1+$0x8100]  }
0x1cd: {  	v25 =	vld [tilespmem:s1+$0x8180]  }
0x1ce: {  	v26 =	vld [tilespmem:s1+$0x8300]  }
0x1cf: {  	v27 =	vld [tilespmem:s1+$0x8200]  }
0x1d0: {  	s5 =	sand.u32 $0x7, s22;
	v28 =	vld [tilespmem:s1+$0x8380]  }
0x1d1: {  	s5 =	sshll.u32 s5, $0x4;
	v29 =	vshrl.u32 v24, $0x10;
	v30 =	vld [tilespmem:s1+$0x8280]  }
0x1d2: {  	s5 =	sadd.s32 s5, s21;
	s21 =	smov.u32 s25;
	v29 =	vand.u32 $0x1, v29;
	v31 =	vshrl.u32 v25, $0x10;
	v32 =	vld [tilespmem:s1+$0x8400]  }
0x1d3: {  	s1 =	sor.u32 $0x380, s5;
	v33 =	vld [tilespmem:s4+$0x0];
	v24 =	vadd.s32 v29, v24;
	v29 =	vand.u32 $0x1, v31;
	v31 =	vshrl.u32 v26, $0x10  }
0x1d4: {  	v24 =	vadd.s32 $0x7FFF, v24;
	v25 =	vadd.s32 v29, v25;
	v29 =	vshrl.u32 v27, $0x10;
	v34 =	vld [tilespmem:s1+$0x8100]  }
0x1d5: {  	v24 =	vand.u32 $0xFFFF0000, v24;
	v25 =	vadd.s32 $0x7FFF, v25;
	v29 =	vand.u32 $0x1, v29  }
0x1d6: {  	v24 =	vmul.f32 v24, v23;
	v25 =	vand.u32 $0xFFFF0000, v25;
	v27 =	vadd.s32 v29, v27  }
0x1d7: {  	v31 =	vand.u32 $0x1, v31;
	v29 =	vshrl.u32 v30, $0x10;
	v27 =	vadd.s32 $0x7FFF, v27  }
0x1d8: {  	v25 =	vmul.f32 v25, v21;
	v29 =	vand.u32 $0x1, v29;
	v24 =	vadd.f32 v24, v33  }
0x1d9: {  	v26 =	vadd.s32 v31, v26;
	v27 =	vand.u32 $0xFFFF0000, v27;
	v29 =	vadd.s32 v29, v30  }
0x1da: {  	v24 =	vadd.f32 v25, v24;
	v25 =	vmul.f32 v27, v22;
	v27 =	vadd.s32 $0x7FFF, v29  }
0x1db: {  	v26 =	vadd.s32 $0x7FFF, v26;
	v29 =	vshrl.u32 v28, $0x10;
	v27 =	vand.u32 $0xFFFF0000, v27  }
0x1dc: {  	v26 =	vand.u32 $0xFFFF0000, v26;
	v24 =	vadd.f32 v25, v24;
	v25 =	vmul.f32 v27, v20  }
.Ltmp8:
0x1dd: {  	v30 =	vshrl.u32 v34, $0x10;
	v27 =	vand.u32 $0x1, v29;
	v29 =	vshrl.u32 v32, $0x10;
	(pc) =	sbr.rel @p0 .LBB2_8-.Ltmp8, $4  }
0x1de: {  	v24 =	vadd.f32 v25, v24;
	v25 =	vmul.f32 v26, v19;
	v26 =	vadd.s32 v27, v28  }
0x1df: {  	v27 =	vand.u32 $0x1, v29;
	v28 =	vand.u32 $0x1, v30;
	v26 =	vadd.s32 $0x7FFF, v26  }
0x1e0: {  	s22 =	sadd.s32 $0x1, s22;
	v24 =	vadd.f32 v25, v24;
	v25 =	vand.u32 $0xFFFF0000, v26;
	v26 =	vadd.s32 v27, v32  }
0x1e1: {  	s25 =	sadd.s32 $0x80, s25;
	s4 =	sadd.s32 $0x10, s4;
	s1 =	smov.u32 s2;
	v25 =	vmul.f32 v25, v18;
	v27 =	vadd.s32 $0x7FFF, v26;
	v26 =	vadd.s32 v28, v34  }
0x1e2: {  	v27 =	vand.u32 $0xFFFF0000, v27  }
0x1e3: {  	v26 =	vadd.s32 $0x7FFF, v26;
	v24 =	vadd.f32 v25, v24;
	v37 =	vmul.f32 v27, v17  }
0x1e4: {  	v26 =	vand.u32 $0xFFFF0000, v26  }
0x1e5: {  	v38 =	vmul.f32 v26, v16;
	v24 =	vadd.f32 v37, v24;
	_ =	sdelay $0x1  }
0x1e6: {  	v24 =	vadd.f32 v38, v24  }
0x1e7: {  	s1 =	sand.u32 $0x70, s23  }
0x1e8: {  	s1 =	sor.u32 s1, s26;
	[tilespmem:s20+$0x0] =	vst v24  }
0x1e9: {  	v24 =	vld [tilespmem:s1+$0x8100]  }
0x1ea: {  	v39 =	vld [tilespmem:s1+$0x8180]  }
0x1eb: {  	v40 =	vld [tilespmem:s1+$0x8300]  }
0x1ec: {  	s2 =	sand.u32 $0x7, s22;
	v41 =	vld [tilespmem:s1+$0x8200]  }
0x1ed: {  	s2 =	sshll.u32 s2, $0x4;
	v29 =	vld [tilespmem:s1+$0x8280]  }
0x1ee: {  	s2 =	sadd.s32 s2, s21;
	v47 =	vld [tilespmem:s1+$0x8380]  }
0x1ef: {  	s26 =	sor.u32 $0x380, s2;
	v32 =	vld [tilespmem:s1+$0x8400]  }
0x1f0: {  	v50 =	vld [tilespmem:s26+$0x8100]  }
0x1f1: {  	v28 =	vshrl.u32 v24, $0x10;
	v30 =	vshrl.u32 v39, $0x10  }
0x1f2: {  	v43 =	vshrl.u32 v40, $0x10;
	v44 =	vshrl.u32 v41, $0x10;
	v28 =	vand.u32 $0x1, v28  }
0x1f3: {  	v31 =	vld [tilespmem:s4+$0x0];
	v48 =	vshrl.u32 v29, $0x10;
	v53 =	vshrl.u32 v47, $0x10;
	v24 =	vadd.s32 v28, v24  }
0x1f4: {  	v56 =	vshrl.u32 v32, $0x10;
	v42 =	vand.u32 $0x1, v30;
	v24 =	vadd.s32 $0x7FFF, v24  }
0x1f5: {  	v57 =	vshrl.u32 v50, $0x10;
	v25 =	vadd.s32 v42, v39;
	v24 =	vand.u32 $0xFFFF0000, v24  }
0x1f6: {  	v28 =	vand.u32 $0x1, v44;
	v25 =	vadd.s32 $0x7FFF, v25;
	v23 =	vmul.f32 v24, v23  }
0x1f7: {  	v49 =	vand.u32 $0x1, v48;
	v46 =	vadd.s32 v28, v41;
	v45 =	vand.u32 $0xFFFF0000, v25  }
0x1f8: {  	v25 =	vadd.s32 $0x7FFF, v46;
	v21 =	vmul.f32 v45, v21;
	v23 =	vadd.f32 v23, v31  }
0x1f9: {  	v30 =	vand.u32 $0x1, v43;
	v25 =	vand.u32 $0xFFFF0000, v25;
	v24 =	vadd.s32 v49, v29  }
0x1fa: {  	v22 =	vmul.f32 v25, v22;
	v51 =	vadd.s32 $0x7FFF, v24;
	v21 =	vadd.f32 v21, v23  }
0x1fb: {  	v55 =	vand.u32 $0x1, v53;
	v26 =	vadd.s32 v30, v40;
	v23 =	vand.u32 $0xFFFF0000, v51  }
0x1fc: {  	v52 =	vadd.s32 $0x7FFF, v26;
	v20 =	vmul.f32 v23, v20;
	v21 =	vadd.f32 v22, v21  }
0x1fd: {  	v59 =	vand.u32 $0x1, v56;
	v58 =	vadd.s32 v55, v47;
	v54 =	vand.u32 $0xFFFF0000, v52  }
0x1fe: {  	v19 =	vmul.f32 v54, v19;
	v20 =	vadd.f32 v20, v21;
	v21 =	vadd.s32 $0x7FFF, v58  }
0x1ff: {  	v60 =	vand.u32 $0x1, v57;
	v22 =	vadd.s32 v59, v32;
	v21 =	vand.u32 $0xFFFF0000, v21  }
0x200: {  	v61 =	vadd.s32 $0x7FFF, v22;
	v19 =	vadd.f32 v19, v20;
	v18 =	vmul.f32 v21, v18  }
0x201: {  	v62 =	vadd.s32 v60, v50;
	v20 =	vand.u32 $0xFFFF0000, v61  }
0x202: {  	v63 =	vadd.s32 $0x7FFF, v62;
	v17 =	vmul.f32 v20, v17;
	v18 =	vadd.f32 v18, v19  }
0x203: {  	v19 =	vand.u32 $0xFFFF0000, v63  }
.Ltmp9:
0x204: {  	v16 =	vmul.f32 v19, v16;
	v17 =	vadd.f32 v17, v18;
	(pc) =	sbr.rel .LBB2_10-.Ltmp9, $3  }
0x205: {  	_ = 	snop  }
0x206: {  	v16 =	vadd.f32 v16, v17;
	_ =	sdelay $0x1  }
0x207: {  	[tilespmem:s4+$0x0] =	vst v16  }
.LBB2_12:
0x208: {  	_ =	sfence.sel $0x180000  }
0x209: {  	[bflag:$0x0] =	sbarrier.arrive $0xFFFF  }
0x20a: {  	_ =	strace $0x90000047  }
0x20b: {  	s0 =	stileid.u32;
	[bflag:$0x2] =	sbarrier.arrive $0xFFFF  }
0x20c: {  	p0 =	sne.s32 s0, $0x0;
	s0 =	rddreg [dreg:$0x2]  }
0x20d: {  	s0 =	sadd.s32 @!p0 $0x100000, s0  }
0x20e: {  	[sflag:s0] =	ssyncadd.tile.s32 @!p0 $0x1;
	_ =	shalt  }
.Lfunc_end2:
_tile_overlayer_lowered:
.L_overlay_start_2:
0x20f: {  	(tag) =	ssettag $0x2  }
0x210: {  	s0 =	rddreg [dreg:$0x0];
	s2 =	stileid.u32  }
0x211: {  	s1 =	rddreg [dreg:$0x1];
	p0 =	sne.s32 s2, $0x0  }
0x212: {  	s3 =	rddreg [dreg:$0x2];
	[bflag:$0x3] =	sbarrier.arrive $0xFFFF;
	s2 =	simm.s32 @!p0 $0x1C03  }
0x213: {  	[timem:s3], [sflag:s2] =	dma.local @!p0 [hbm:s0], s1  }
0x214: {  	s0 =	simm.s32 @!p0 $0x3  }
0x215: {  	_ =	swait.ge @!p0 [sflag:s0], s1  }
0x216: {  	s1 =	ssub.s32 @!p0 $0x0, s1;
	[sflag:s0] =	ssyncset.done @!p0 $0x0  }
0x217: {  	[sflag:s0] =	ssyncadd.s32 @!p0 s1  }
0x218: {  	[bflag:$0x3] =	sbarrier.arrive $0xFFFF  }
0x219: {  	_ =	shalt  }

</sc_bundles>
